<compile_context>
chip_gen: v7x
topology: tpu7x:2x2x1
jax: 0.10.2.dev20260603
libtpu: 0.0.44.dev20260713+nightly
codegen_flags: <defaults>
</compile_context>

<pallas_src>
import functools
import jax
import jax.numpy as jnp
from jax import lax
from jax.experimental import pallas as pl
from jax.experimental.pallas import tpu as pltpu
from jax.experimental.pallas import tpu_sc as plsc

N = 10000
E = 320000
T = 12
F_IN = 128
F_OUT = 3
D = 80
NC, NS = 2, 16
NW = NC * NS
EPT = E // NW
C = 80
NCH = EPT // C
EPT_DEG = E // NS
RPT = 640
RPT_LAST = N - RPT * (NS - 1)

@functools.cache
def _sc_kernels():
    mesh = plsc.VectorSubcoreMesh(core_axis_name="c", subcore_axis_name="s",
                                  num_cores=NC, num_subcores=NS)
    deg = functools.partial(
        pl.kernel,
        out_type=jax.ShapeDtypeStruct((N,), jnp.float32),
        mesh=mesh,
        scratch_types=[
            pltpu.VMEM((EPT_DEG,), jnp.int32),
            pltpu.VMEM((N,), jnp.float32),
            pltpu.VMEM((NS, RPT), jnp.float32),
            pltpu.VMEM((RPT,), jnp.float32),
            pltpu.VMEM_SHARED((NS, N), jnp.float32),
        ],
        compiler_params=pltpu.CompilerParams(needs_layout_passes=False,
                                             use_tc_tiling_on_sc=False),
    )(_deg_body)
    edge = functools.partial(
        pl.kernel,
        out_type=jax.ShapeDtypeStruct((NC, N, D), jnp.float32),
        mesh=mesh,
        scratch_types=[
            pltpu.VMEM((NCH, C), jnp.int32),
            pltpu.VMEM((NCH, C), jnp.int32),
            pltpu.VMEM((C, D), jnp.float32),
            pltpu.VMEM((C, D), jnp.float32),
            pltpu.VMEM_SHARED((N, D), jnp.float32),
            pltpu.SemaphoreType.DMA,
            pltpu.SemaphoreType.DMA,
        ],
        compiler_params=pltpu.CompilerParams(use_tc_tiling_on_sc=False),
    )(_edge_body)
    return deg, edge


def _deg_body(dst_hbm, out_hbm, idx_v, acc_v, red_v, sum_v, sh):
    c = lax.axis_index("c")
    s = lax.axis_index("s")

    @pl.when(c == 0)
    def _():
        def zero_body(i, carry):
            acc_v[pl.ds(i * 16, 16)] = jnp.zeros((16,), jnp.float32)
            return carry

        lax.fori_loop(0, N // 16, zero_body, 0)

        pltpu.sync_copy(dst_hbm.at[pl.ds(s * EPT_DEG, EPT_DEG)], idx_v)

        ones = jnp.ones((16,), jnp.float32)

        def add_body(i, carry):
            iv = idx_v[pl.ds(i * 16, 16)]
            plsc.addupdate_scatter(acc_v, [iv], ones)
            return carry

        lax.fori_loop(0, EPT_DEG // 16, add_body, 0)

        pltpu.sync_copy(acc_v, sh.at[s])
        plsc.subcore_barrier()

        def reduce_cols(n):
            for r in range(NS):
                pltpu.sync_copy(sh.at[r, pl.ds(s * RPT, n)],
                                red_v.at[r, pl.ds(0, n)])

            def red_body(j, carry):
                v = red_v[0, pl.ds(j * 16, 16)]
                for r in range(1, NS):
                    v = v + red_v[r, pl.ds(j * 16, 16)]
                sum_v[pl.ds(j * 16, 16)] = v
                return carry

            lax.fori_loop(0, n // 16, red_body, 0)
            pltpu.sync_copy(sum_v.at[pl.ds(0, n)],
                            out_hbm.at[pl.ds(s * RPT, n)])

        @pl.when(s < NS - 1)
        def _():
            reduce_cols(RPT)

        @pl.when(s == NS - 1)
        def _():
            reduce_cols(RPT_LAST)


def _edge_body(src_hbm, dst_hbm, xws_hbm, zeros_hbm, out_hbm,
               src_v, dst_v, rows_a, rows_b, s_sh, sem_a, sem_b):
    c = lax.axis_index("c")
    s = lax.axis_index("s")
    wid = c * NS + s

    pltpu.sync_copy(src_hbm.at[wid], src_v)
    pltpu.sync_copy(dst_hbm.at[wid], dst_v)

    @pl.when(s < NS - 1)
    def _():
        pltpu.sync_copy(zeros_hbm.at[pl.ds(s * RPT, RPT)],
                        s_sh.at[pl.ds(s * RPT, RPT)])

    @pl.when(s == NS - 1)
    def _():
        pltpu.sync_copy(zeros_hbm.at[pl.ds((NS - 1) * RPT, RPT_LAST)],
                        s_sh.at[pl.ds((NS - 1) * RPT, RPT_LAST)])
    pltpu.async_copy(xws_hbm.at[src_v.at[0]], rows_a, sem_a)
    plsc.subcore_barrier()

    def step(j, rows_cur, sem_cur, rows_nxt, sem_nxt):
        @pl.when(j + 1 < NCH)
        def _():
            pltpu.async_copy(xws_hbm.at[src_v.at[j + 1]], rows_nxt, sem_nxt)

        pltpu.make_async_copy(xws_hbm.at[src_v.at[j]], rows_cur, sem_cur).wait()
        pltpu.sync_copy(rows_cur, s_sh.at[dst_v.at[j]], add=True)

    def body(i, carry):
        j = i * 2
        step(j, rows_a, sem_a, rows_b, sem_b)
        step(j + 1, rows_b, sem_b, rows_a, sem_a)
        return carry

    lax.fori_loop(0, NCH // 2, body, 0)
    if NCH % 2:
        step(NCH - 1, rows_a, sem_a, rows_b, sem_b)

    plsc.subcore_barrier()

    @pl.when(s < NS - 1)
    def _():
        pltpu.sync_copy(s_sh.at[pl.ds(s * RPT, RPT)],
                        out_hbm.at[c, pl.ds(s * RPT, RPT)])

    @pl.when(s == NS - 1)
    def _():
        pltpu.sync_copy(s_sh.at[pl.ds((NS - 1) * RPT, RPT_LAST)],
                        out_hbm.at[c, pl.ds((NS - 1) * RPT, RPT_LAST)])


def _xws_body(xf_ref, wb_ref, degc_ref, o_ref):
    dinv = lax.rsqrt(degc_ref[...] + 1.0)
    xw = jnp.dot(xf_ref[...], wb_ref[...], preferred_element_type=jnp.float32)
    o_ref[...] = xw * dinv


def _xws_call(xf, wb, degc, bn):
    grid = (N // bn,)
    return pl.pallas_call(
        _xws_body,
        grid=grid,
        in_specs=[
            pl.BlockSpec((bn, F_IN * T), lambda i: (i, 0)),
            pl.BlockSpec((F_IN * T, D), lambda i: (0, 0)),
            pl.BlockSpec((bn, 1), lambda i: (i, 0)),
        ],
        out_specs=pl.BlockSpec((bn, D), lambda i: (i, 0)),
        out_shape=jax.ShapeDtypeStruct((N, D), jnp.float32),
    )(xf, wb, degc)


def _post_body(s_ref, xws_ref, degc_ref, p_ref, bvec_ref, q_ref, ow_ref,
               ob_ref, o_ref):
    dinv = lax.rsqrt(degc_ref[...] + 1.0)
    s = s_ref[...]
    agg = (s[0] + s[1] + xws_ref[...]) * dinv
    y = jnp.dot(agg, p_ref[...], preferred_element_type=jnp.float32)
    y = y + bvec_ref[...]
    zs = jax.nn.sigmoid(y[:, 0:36])
    th = jnp.tanh(y[:, 36:72])
    ht = (1.0 - zs) * th
    hacc = jnp.dot(ht, q_ref[...], preferred_element_type=jnp.float32)
    o_ref[...] = (jnp.dot(jnp.maximum(hacc, 0.0), ow_ref[...],
                          preferred_element_type=jnp.float32) + ob_ref[...])


def _post_call(s2, xws, degc, p, bvec, q, ow, ob, bn):
    grid = (N // bn,)
    return pl.pallas_call(
        _post_body,
        grid=grid,
        in_specs=[
            pl.BlockSpec((NC, bn, D), lambda i: (0, i, 0)),
            pl.BlockSpec((bn, D), lambda i: (i, 0)),
            pl.BlockSpec((bn, 1), lambda i: (i, 0)),
            pl.BlockSpec((D, D), lambda i: (0, 0)),
            pl.BlockSpec((1, D), lambda i: (0, 0)),
            pl.BlockSpec((36, F_OUT), lambda i: (0, 0)),
            pl.BlockSpec((F_OUT, T), lambda i: (0, 0)),
            pl.BlockSpec((1, T), lambda i: (0, 0)),
        ],
        out_specs=pl.BlockSpec((bn, T), lambda i: (i, 0)),
        out_shape=jax.ShapeDtypeStruct((N, T), jnp.float32),
    )(s2, xws, degc, p, bvec, q, ow, ob)


@jax.jit
def kernel(x, edge_index, attention, conv_z_w, conv_z_b, lin_z_w, lin_z_b,
           conv_r_w, conv_r_b, lin_r_w, lin_r_b, conv_h_w, conv_h_b,
           lin_h_w, lin_h_b, out_w, out_b):
    eye_t = jnp.eye(T, dtype=jnp.float32)
    w6 = jnp.concatenate([conv_z_w, conv_h_w], axis=1)
    wb = jnp.einsum("fk,ts->ftsk", w6, eye_t).reshape(F_IN * T, T * 6)
    wb = jnp.pad(wb, ((0, 0), (0, D - T * 6)))

    lz = lin_z_w[:F_OUT]
    lh = lin_h_w[:F_OUT]
    lz6 = jnp.concatenate([lz, jnp.zeros((F_OUT, F_OUT), jnp.float32)], 0)
    lh6 = jnp.concatenate([jnp.zeros((F_OUT, F_OUT), jnp.float32), lh], 0)
    pz = jnp.einsum("ts,kj->tksj", eye_t, lz6).reshape(T * 6, T * F_OUT)
    ph = jnp.einsum("ts,kj->tksj", eye_t, lh6).reshape(T * 6, T * F_OUT)
    p = jnp.concatenate([pz, ph], axis=1)
    p = jnp.pad(p, ((0, D - 72), (0, D - 72)))

    bz = conv_z_b @ lz + lin_z_b
    bh = conv_h_b @ lh + lin_h_b
    bvec = jnp.concatenate([jnp.tile(bz, T), jnp.tile(bh, T),
                            jnp.zeros((D - 72,), jnp.float32)])[None, :]

    probs = jax.nn.softmax(attention)
    q = (probs[:, None, None] * jnp.eye(F_OUT, dtype=jnp.float32)[None]
         ).reshape(T * F_OUT, F_OUT)

    xf = x.reshape(N, F_IN * T)
    src3 = edge_index[0].reshape(NW, NCH, C)
    dst3 = edge_index[1].reshape(NW, NCH, C)
    zeros = jnp.zeros((N, D), jnp.float32)

    deg_kernel, edge_kernel = _sc_kernels()
    degc = deg_kernel(edge_index[1]).reshape(N, 1)
    xws = _xws_call(xf, wb, degc, bn=1000)
    s2 = edge_kernel(src3, dst3, xws, zeros)
    return _post_call(s2, xws, degc, p, bvec, q, out_w, out_b[None, :],
                      bn=1000)

# --- scband reference (transcript-rebuilt; emitter-appended) ---
"""Pipeline reference for scband-temporal-gnn-81406810128500 (READ-ONLY COPY).

The authoritative reference and input builder live on the scoring server;
editing this copy changes nothing except your own understanding.
"""

import jax, jax.numpy as jnp
import numpy as np

N = 10000
E = 320000
PERIODS = 12
F_IN = 128
F_OUT = 3


def _glorot(k, shape):
    lim = float(np.sqrt(6.0 / (shape[0] + shape[1])))
    return jax.random.uniform(k, shape, jnp.float32, -lim, lim)


def setup_inputs(seed: int = 0):
    key = jax.random.key(seed)
    ks = jax.random.split(key, 12)
    x = jax.random.normal(ks[0], (N, F_IN, PERIODS), dtype=jnp.float32)
    edge_index = jax.random.randint(ks[1], (2, E), 0, N, dtype=jnp.int32)
    inp = {
        "x": x,
        "edge_index": edge_index,
        "attention": jax.random.uniform(ks[2], (PERIODS,), jnp.float32),
        "conv_z_w": _glorot(ks[3], (F_IN, F_OUT)), "conv_z_b": jnp.zeros((F_OUT,), jnp.float32),
        "lin_z_w": _glorot(ks[4], (2 * F_OUT, F_OUT)), "lin_z_b": jnp.zeros((F_OUT,), jnp.float32),
        "conv_r_w": _glorot(ks[5], (F_IN, F_OUT)), "conv_r_b": jnp.zeros((F_OUT,), jnp.float32),
        "lin_r_w": _glorot(ks[6], (2 * F_OUT, F_OUT)), "lin_r_b": jnp.zeros((F_OUT,), jnp.float32),
        "conv_h_w": _glorot(ks[7], (F_IN, F_OUT)), "conv_h_b": jnp.zeros((F_OUT,), jnp.float32),
        "lin_h_w": _glorot(ks[8], (2 * F_OUT, F_OUT)), "lin_h_b": jnp.zeros((F_OUT,), jnp.float32),
        "out_w": _glorot(ks[9], (F_OUT, PERIODS)), "out_b": jnp.zeros((PERIODS,), jnp.float32),
    }
    return inp


def _gcn_conv(xt, w, b, src, dst, norm, num_nodes):
    # GCNConv: X W, then sym-normalized scatter-add aggregation over edges (+self-loops), then bias
    xw = xt @ w
    msg = xw[src] * norm[:, None]
    out = jnp.zeros((num_nodes, xw.shape[1]), xw.dtype).at[dst].add(msg)
    return out + b


def reference(x, edge_index, attention, conv_z_w, conv_z_b, lin_z_w, lin_z_b,
              conv_r_w, conv_r_b, lin_r_w, lin_r_b, conv_h_w, conv_h_b,
              lin_h_w, lin_h_b, out_w, out_b):
    num_nodes = x.shape[0]
    loops = jnp.arange(num_nodes, dtype=edge_index.dtype)
    src = jnp.concatenate([edge_index[0], loops])
    dst = jnp.concatenate([edge_index[1], loops])
    deg = jnp.zeros((num_nodes,), jnp.float32).at[dst].add(1.0)
    dinv = jnp.where(deg > 0, 1.0 / jnp.sqrt(deg), 0.0)
    norm = dinv[src] * dinv[dst]
    probs = jax.nn.softmax(attention)
    H_accum = jnp.zeros((num_nodes, F_OUT), jnp.float32)
    for t in range(PERIODS):
        xt = x[:, :, t]
        H = jnp.zeros((num_nodes, F_OUT), jnp.float32)  # A3TGCN passes the same (zero) hidden state each period
        z = jax.nn.sigmoid(jnp.concatenate([_gcn_conv(xt, conv_z_w, conv_z_b, src, dst, norm, num_nodes), H], axis=1) @ lin_z_w + lin_z_b)
        r = jax.nn.sigmoid(jnp.concatenate([_gcn_conv(xt, conv_r_w, conv_r_b, src, dst, norm, num_nodes), H], axis=1) @ lin_r_w + lin_r_b)
        h_tilde = jnp.tanh(jnp.concatenate([_gcn_conv(xt, conv_h_w, conv_h_b, src, dst, norm, num_nodes), H * r], axis=1) @ lin_h_w + lin_h_b)
        Ht = z * H + (1.0 - z) * h_tilde
        H_accum = H_accum + probs[t] * Ht
    h = jax.nn.relu(H_accum)
    return h @ out_w + out_b

if __name__ == "__main__":
    import jax
    _d = setup_inputs()
    print(jax.jit(kernel)(*tuple(_d.values())))

</pallas_src>

<mosaic_0001>
#map = affine_map<(d0, d1) -> (0, 0, 0)>
#map1 = affine_map<(d0, d1) -> (0, 0)>
module attributes {stable_mosaic.version = 14 : i64} {
  func.func @_edge_body(%arg0: i32, %arg1: i32, %arg2: memref<32x125x80xi32, #tpu.memory_space<hbm>>, %arg3: memref<32x125x80xi32, #tpu.memory_space<hbm>>, %arg4: memref<10000x80xf32, #tpu.memory_space<hbm>>, %arg5: memref<10000x80xf32, #tpu.memory_space<hbm>>, %arg6: memref<2x10000x80xf32, #tpu.memory_space<hbm>>, %arg7: memref<125x80xi32, #tpu.memory_space<vmem>>, %arg8: memref<125x80xi32, #tpu.memory_space<vmem>>, %arg9: memref<80x80xf32, #tpu.memory_space<vmem>>, %arg10: memref<80x80xf32, #tpu.memory_space<vmem>>, %arg11: memref<10000x80xf32, #tpu.memory_space<vmem_shared>>, %arg12: memref<!tpu.dma_semaphore, #tpu.memory_space<semaphore_mem>>, %arg13: memref<!tpu.dma_semaphore, #tpu.memory_space<semaphore_mem>>) attributes {dimension_semantics = [#tpu.dimension_semantics<core_parallel>, #tpu.dimension_semantics<subcore_parallel>], iteration_bounds = array<i64: 2, 16>, scalar_prefetch = 0 : i64, scratch_operands = 7 : i64, tpu.core_type = #tpu.core_type<sc_vector_subcore>, window_params = [{transform_indices = #map}, {transform_indices = #map}, {transform_indices = #map1}, {transform_indices = #map1}, {transform_indices = #map}]} {
    %mul3A = arith.constant 16 : i32
    %mul3A_0 = arith.muli %arg0, %mul3A : i32
    %add3A = arith.addi %mul3A_0, %arg1 : i32
    "tpu.region"() ({
      %run_scoped3A_35 = tpu.sem_alloc : memref<!tpu.dma_semaphore, #tpu.memory_space<semaphore_mem>>
      %dma_start3A_36 = arith.constant 0 : i32
      %dma_start3A_37 = arith.constant 0 : i32
      %dma_start3A_38 = tpu.memref_slice %arg2[%add3A, %dma_start3A_36, %dma_start3A_37] : memref<32x125x80xi32, #tpu.memory_space<hbm>> -> memref<1x125x80xi32, #tpu.memory_space<hbm>>
      %dma_start3A_39 = tpu.memref_squeeze %dma_start3A_38 : memref<1x125x80xi32, #tpu.memory_space<hbm>> -> memref<125x80xi32, #tpu.memory_space<hbm>>
      %dma_start3A_40 = arith.constant 0 : i32
      %dma_start3A_41 = arith.constant 0 : i32
      %dma_start3A_42 = tpu.memref_slice %arg2[%add3A, %dma_start3A_40, %dma_start3A_41] : memref<32x125x80xi32, #tpu.memory_space<hbm>> -> memref<1x125x80xi32, #tpu.memory_space<hbm>>
      %dma_start3A_43 = tpu.memref_squeeze %dma_start3A_42 : memref<1x125x80xi32, #tpu.memory_space<hbm>> -> memref<125x80xi32, #tpu.memory_space<hbm>>
      tpu.enqueue_dma source(%dma_start3A_43 : memref<125x80xi32, #tpu.memory_space<hbm>>) target(%arg7 : memref<125x80xi32, #tpu.memory_space<vmem>>) target_semaphore(%run_scoped3A_35 : memref<!tpu.dma_semaphore, #tpu.memory_space<semaphore_mem>>)
      %dma_wait3A_44 = arith.constant 0 : i32
      %dma_wait3A_45 = arith.constant 0 : i32
      %dma_wait3A_46 = tpu.memref_slice %arg2[%add3A, %dma_wait3A_44, %dma_wait3A_45] : memref<32x125x80xi32, #tpu.memory_space<hbm>> -> memref<1x125x80xi32, #tpu.memory_space<hbm>>
      %dma_wait3A_47 = tpu.memref_squeeze %dma_wait3A_46 : memref<1x125x80xi32, #tpu.memory_space<hbm>> -> memref<125x80xi32, #tpu.memory_space<hbm>>
      %dma_wait3A_48 = arith.constant 0 : i32
      %dma_wait3A_49 = arith.constant 0 : i32
      %dma_wait3A_50 = tpu.memref_slice %arg2[%add3A, %dma_wait3A_48, %dma_wait3A_49] : memref<32x125x80xi32, #tpu.memory_space<hbm>> -> memref<1x125x80xi32, #tpu.memory_space<hbm>>
      %dma_wait3A_51 = tpu.memref_squeeze %dma_wait3A_50 : memref<1x125x80xi32, #tpu.memory_space<hbm>> -> memref<125x80xi32, #tpu.memory_space<hbm>>
      tpu.wait_dma2 semaphore(%run_scoped3A_35 : memref<!tpu.dma_semaphore, #tpu.memory_space<semaphore_mem>>) src(%dma_wait3A_51 : memref<125x80xi32, #tpu.memory_space<hbm>>) dst(%arg7 : memref<125x80xi32, #tpu.memory_space<vmem>>)
      tpu.yield
    }) : () -> ()
    "tpu.region"() ({
      %run_scoped3A_35 = tpu.sem_alloc : memref<!tpu.dma_semaphore, #tpu.memory_space<semaphore_mem>>
      %dma_start3A_36 = arith.constant 0 : i32
      %dma_start3A_37 = arith.constant 0 : i32
      %dma_start3A_38 = tpu.memref_slice %arg3[%add3A, %dma_start3A_36, %dma_start3A_37] : memref<32x125x80xi32, #tpu.memory_space<hbm>> -> memref<1x125x80xi32, #tpu.memory_space<hbm>>
      %dma_start3A_39 = tpu.memref_squeeze %dma_start3A_38 : memref<1x125x80xi32, #tpu.memory_space<hbm>> -> memref<125x80xi32, #tpu.memory_space<hbm>>
      %dma_start3A_40 = arith.constant 0 : i32
      %dma_start3A_41 = arith.constant 0 : i32
      %dma_start3A_42 = tpu.memref_slice %arg3[%add3A, %dma_start3A_40, %dma_start3A_41] : memref<32x125x80xi32, #tpu.memory_space<hbm>> -> memref<1x125x80xi32, #tpu.memory_space<hbm>>
      %dma_start3A_43 = tpu.memref_squeeze %dma_start3A_42 : memref<1x125x80xi32, #tpu.memory_space<hbm>> -> memref<125x80xi32, #tpu.memory_space<hbm>>
      tpu.enqueue_dma source(%dma_start3A_43 : memref<125x80xi32, #tpu.memory_space<hbm>>) target(%arg8 : memref<125x80xi32, #tpu.memory_space<vmem>>) target_semaphore(%run_scoped3A_35 : memref<!tpu.dma_semaphore, #tpu.memory_space<semaphore_mem>>)
      %dma_wait3A_44 = arith.constant 0 : i32
      %dma_wait3A_45 = arith.constant 0 : i32
      %dma_wait3A_46 = tpu.memref_slice %arg3[%add3A, %dma_wait3A_44, %dma_wait3A_45] : memref<32x125x80xi32, #tpu.memory_space<hbm>> -> memref<1x125x80xi32, #tpu.memory_space<hbm>>
      %dma_wait3A_47 = tpu.memref_squeeze %dma_wait3A_46 : memref<1x125x80xi32, #tpu.memory_space<hbm>> -> memref<125x80xi32, #tpu.memory_space<hbm>>
      %dma_wait3A_48 = arith.constant 0 : i32
      %dma_wait3A_49 = arith.constant 0 : i32
      %dma_wait3A_50 = tpu.memref_slice %arg3[%add3A, %dma_wait3A_48, %dma_wait3A_49] : memref<32x125x80xi32, #tpu.memory_space<hbm>> -> memref<1x125x80xi32, #tpu.memory_space<hbm>>
      %dma_wait3A_51 = tpu.memref_squeeze %dma_wait3A_50 : memref<1x125x80xi32, #tpu.memory_space<hbm>> -> memref<125x80xi32, #tpu.memory_space<hbm>>
      tpu.wait_dma2 semaphore(%run_scoped3A_35 : memref<!tpu.dma_semaphore, #tpu.memory_space<semaphore_mem>>) src(%dma_wait3A_51 : memref<125x80xi32, #tpu.memory_space<hbm>>) dst(%arg8 : memref<125x80xi32, #tpu.memory_space<vmem>>)
      tpu.yield
    }) : () -> ()
    %lt3A = arith.constant 15 : i32
    %lt3A_1 = arith.cmpi slt, %arg1, %lt3A : i32
    %convert_element_type3A = arith.extui %lt3A_1 : i1 to i32
    %cond3A = arith.constant 0 : i32
    %cond3A_2 = arith.cmpi ne, %convert_element_type3A, %cond3A : i32
    scf.if %cond3A_2 {
      %mul3A_35 = arith.constant 640 : i32
      %mul3A_36 = arith.muli %arg1, %mul3A_35 : i32
      %mul3A_37 = arith.constant 640 : i32
      %mul3A_38 = arith.muli %arg1, %mul3A_37 : i32
      "tpu.region"() ({
        %run_scoped3A_39 = tpu.sem_alloc : memref<!tpu.dma_semaphore, #tpu.memory_space<semaphore_mem>>
        %dma_start3A_40 = arith.constant 0 : i32
        %dma_start3A_41 = tpu.memref_slice %arg11[%mul3A_38, %dma_start3A_40] : memref<10000x80xf32, #tpu.memory_space<vmem_shared>> -> memref<640x80xf32, #tpu.memory_space<vmem_shared>>
        %dma_start3A_42 = arith.constant 0 : i32
        %dma_start3A_43 = tpu.memref_slice %arg5[%mul3A_36, %dma_start3A_42] : memref<10000x80xf32, #tpu.memory_space<hbm>> -> memref<640x80xf32, #tpu.memory_space<hbm>>
        tpu.enqueue_dma source(%dma_start3A_43 : memref<640x80xf32, #tpu.memory_space<hbm>>) target(%dma_start3A_41 : memref<640x80xf32, #tpu.memory_space<vmem_shared>>) target_semaphore(%run_scoped3A_39 : memref<!tpu.dma_semaphore, #tpu.memory_space<semaphore_mem>>)
        %dma_wait3A_44 = arith.constant 0 : i32
        %dma_wait3A_45 = tpu.memref_slice %arg11[%mul3A_38, %dma_wait3A_44] : memref<10000x80xf32, #tpu.memory_space<vmem_shared>> -> memref<640x80xf32, #tpu.memory_space<vmem_shared>>
        %dma_wait3A_46 = arith.constant 0 : i32
        %dma_wait3A_47 = tpu.memref_slice %arg5[%mul3A_36, %dma_wait3A_46] : memref<10000x80xf32, #tpu.memory_space<hbm>> -> memref<640x80xf32, #tpu.memory_space<hbm>>
        tpu.wait_dma2 semaphore(%run_scoped3A_39 : memref<!tpu.dma_semaphore, #tpu.memory_space<semaphore_mem>>) src(%dma_wait3A_47 : memref<640x80xf32, #tpu.memory_space<hbm>>) dst(%dma_wait3A_45 : memref<640x80xf32, #tpu.memory_space<vmem_shared>>)
        tpu.yield
      }) : () -> ()
    } else {
    }
    %eq3A = arith.constant 15 : i32
    %eq3A_3 = arith.cmpi eq, %arg1, %eq3A : i32
    %convert_element_type3A_4 = arith.extui %eq3A_3 : i1 to i32
    %cond3A_5 = arith.constant 0 : i32
    %cond3A_6 = arith.cmpi ne, %convert_element_type3A_4, %cond3A_5 : i32
    scf.if %cond3A_6 {
      "tpu.region"() ({
        %run_scoped3A_35 = tpu.sem_alloc : memref<!tpu.dma_semaphore, #tpu.memory_space<semaphore_mem>>
        %dma_start3A_36 = arith.constant 9600 : i32
        %dma_start3A_37 = arith.constant 0 : i32
        %dma_start3A_38 = tpu.memref_slice %arg11[%dma_start3A_36, %dma_start3A_37] : memref<10000x80xf32, #tpu.memory_space<vmem_shared>> -> memref<400x80xf32, #tpu.memory_space<vmem_shared>>
        %dma_start3A_39 = arith.constant 9600 : i32
        %dma_start3A_40 = arith.constant 0 : i32
        %dma_start3A_41 = tpu.memref_slice %arg5[%dma_start3A_39, %dma_start3A_40] : memref<10000x80xf32, #tpu.memory_space<hbm>> -> memref<400x80xf32, #tpu.memory_space<hbm>>
        tpu.enqueue_dma source(%dma_start3A_41 : memref<400x80xf32, #tpu.memory_space<hbm>>) target(%dma_start3A_38 : memref<400x80xf32, #tpu.memory_space<vmem_shared>>) target_semaphore(%run_scoped3A_35 : memref<!tpu.dma_semaphore, #tpu.memory_space<semaphore_mem>>)
        %dma_wait3A_42 = arith.constant 9600 : i32
        %dma_wait3A_43 = arith.constant 0 : i32
        %dma_wait3A_44 = tpu.memref_slice %arg11[%dma_wait3A_42, %dma_wait3A_43] : memref<10000x80xf32, #tpu.memory_space<vmem_shared>> -> memref<400x80xf32, #tpu.memory_space<vmem_shared>>
        %dma_wait3A_45 = arith.constant 9600 : i32
        %dma_wait3A_46 = arith.constant 0 : i32
        %dma_wait3A_47 = tpu.memref_slice %arg5[%dma_wait3A_45, %dma_wait3A_46] : memref<10000x80xf32, #tpu.memory_space<hbm>> -> memref<400x80xf32, #tpu.memory_space<hbm>>
        tpu.wait_dma2 semaphore(%run_scoped3A_35 : memref<!tpu.dma_semaphore, #tpu.memory_space<semaphore_mem>>) src(%dma_wait3A_47 : memref<400x80xf32, #tpu.memory_space<hbm>>) dst(%dma_wait3A_44 : memref<400x80xf32, #tpu.memory_space<vmem_shared>>)
        tpu.yield
      }) : () -> ()
    } else {
    }
    %dma_start3A = arith.constant 0 : i32
    %dma_start3A_7 = arith.constant 0 : i32
    %dma_start3A_8 = tpu.memref_slice %arg7[%dma_start3A, %dma_start3A_7] : memref<125x80xi32, #tpu.memory_space<vmem>> -> memref<1x80xi32, #tpu.memory_space<vmem>>
    %dma_start3A_9 = tpu.memref_squeeze %dma_start3A_8 : memref<1x80xi32, #tpu.memory_space<vmem>> -> memref<80xi32, #tpu.memory_space<vmem>>
    %dma_start3A_10 = arith.constant 0 : i32
    %dma_start3A_11 = arith.constant 0 : i32
    %dma_start3A_12 = tpu.memref_slice %arg4[%dma_start3A_10, %dma_start3A_11] : memref<10000x80xf32, #tpu.memory_space<hbm>> -> memref<10000x80xf32, #tpu.memory_space<hbm>>
    tpu.enqueue_indirect_dma source(%dma_start3A_12 : memref<10000x80xf32, #tpu.memory_space<hbm>>) target(%arg9 : memref<80x80xf32, #tpu.memory_space<vmem>>) offsets(%dma_start3A_9 : memref<80xi32, #tpu.memory_space<vmem>>) semaphore(%arg12 : memref<!tpu.dma_semaphore, #tpu.memory_space<semaphore_mem>>)
    %barrier3A = arith.constant 0 : index
    tpu.barrier barrier_id(%barrier3A)
    %scan3A = arith.constant 0 : i32
    %scan3A_13 = arith.constant 0 : i32
    %scan3A_14 = arith.constant 62 : i32
    %scan3A_15 = arith.addi %scan3A_13, %scan3A_14 : i32
    %scan3A_16 = arith.constant 1 : i32
    scf.for %scan3A_35 = %scan3A_13 to %scan3A_15 step %scan3A_16  : i32 {
      %mul3A_36 = arith.constant 2 : i32
      %mul3A_37 = arith.muli %scan3A_35, %mul3A_36 : i32
      %add3A_38 = arith.constant 1 : i32
      %add3A_39 = arith.addi %mul3A_37, %add3A_38 : i32
      %lt3A_40 = arith.constant 125 : i32
      %lt3A_41 = arith.cmpi slt, %add3A_39, %lt3A_40 : i32
      %convert_element_type3A_42 = arith.extui %lt3A_41 : i1 to i32
      %cond3A_43 = arith.constant 0 : i32
      %cond3A_44 = arith.cmpi ne, %convert_element_type3A_42, %cond3A_43 : i32
      scf.if %cond3A_44 {
        %add3A_66 = arith.constant 1 : i32
        %add3A_67 = arith.addi %mul3A_37, %add3A_66 : i32
        %dma_start3A_68 = arith.constant 0 : i32
        %dma_start3A_69 = tpu.memref_slice %arg7[%add3A_67, %dma_start3A_68] : memref<125x80xi32, #tpu.memory_space<vmem>> -> memref<1x80xi32, #tpu.memory_space<vmem>>
        %dma_start3A_70 = tpu.memref_squeeze %dma_start3A_69 : memref<1x80xi32, #tpu.memory_space<vmem>> -> memref<80xi32, #tpu.memory_space<vmem>>
        %dma_start3A_71 = arith.constant 0 : i32
        %dma_start3A_72 = arith.constant 0 : i32
        %dma_start3A_73 = tpu.memref_slice %arg4[%dma_start3A_71, %dma_start3A_72] : memref<10000x80xf32, #tpu.memory_space<hbm>> -> memref<10000x80xf32, #tpu.memory_space<hbm>>
        tpu.enqueue_indirect_dma source(%dma_start3A_73 : memref<10000x80xf32, #tpu.memory_space<hbm>>) target(%arg10 : memref<80x80xf32, #tpu.memory_space<vmem>>) offsets(%dma_start3A_70 : memref<80xi32, #tpu.memory_space<vmem>>) semaphore(%arg13 : memref<!tpu.dma_semaphore, #tpu.memory_space<semaphore_mem>>)
      } else {
      }
      %dma_wait3A_45 = arith.constant 0 : i32
      %dma_wait3A_46 = tpu.memref_slice %arg7[%mul3A_37, %dma_wait3A_45] : memref<125x80xi32, #tpu.memory_space<vmem>> -> memref<1x80xi32, #tpu.memory_space<vmem>>
      %dma_wait3A_47 = tpu.memref_squeeze %dma_wait3A_46 : memref<1x80xi32, #tpu.memory_space<vmem>> -> memref<80xi32, #tpu.memory_space<vmem>>
      %dma_wait3A_48 = arith.constant 0 : i32
      %dma_wait3A_49 = arith.constant 0 : i32
      %dma_wait3A_50 = tpu.memref_slice %arg4[%dma_wait3A_48, %dma_wait3A_49] : memref<10000x80xf32, #tpu.memory_space<hbm>> -> memref<10000x80xf32, #tpu.memory_space<hbm>>
      tpu.wait_indirect_dma semaphore(%arg12 : memref<!tpu.dma_semaphore, #tpu.memory_space<semaphore_mem>>) src(%dma_wait3A_50 : memref<10000x80xf32, #tpu.memory_space<hbm>>) dst(%arg9 : memref<80x80xf32, #tpu.memory_space<vmem>>)
      "tpu.region"() ({
        %run_scoped3A_66 = tpu.sem_alloc : memref<!tpu.dma_semaphore, #tpu.memory_space<semaphore_mem>>
        %dma_start3A_67 = arith.constant 0 : i32
        %dma_start3A_68 = tpu.memref_slice %arg8[%mul3A_37, %dma_start3A_67] : memref<125x80xi32, #tpu.memory_space<vmem>> -> memref<1x80xi32, #tpu.memory_space<vmem>>
        %dma_start3A_69 = tpu.memref_squeeze %dma_start3A_68 : memref<1x80xi32, #tpu.memory_space<vmem>> -> memref<80xi32, #tpu.memory_space<vmem>>
        %dma_start3A_70 = arith.constant 0 : i32
        %dma_start3A_71 = arith.constant 0 : i32
        %dma_start3A_72 = tpu.memref_slice %arg11[%dma_start3A_70, %dma_start3A_71] : memref<10000x80xf32, #tpu.memory_space<vmem_shared>> -> memref<10000x80xf32, #tpu.memory_space<vmem_shared>>
        tpu.enqueue_indirect_dma source(%arg9 : memref<80x80xf32, #tpu.memory_space<vmem>>) target(%dma_start3A_72 : memref<10000x80xf32, #tpu.memory_space<vmem_shared>>) offsets(%dma_start3A_69 : memref<80xi32, #tpu.memory_space<vmem>>) semaphore(%run_scoped3A_66 : memref<!tpu.dma_semaphore, #tpu.memory_space<semaphore_mem>>) {add = true}
        %dma_wait3A_73 = arith.constant 0 : i32
        %dma_wait3A_74 = tpu.memref_slice %arg8[%mul3A_37, %dma_wait3A_73] : memref<125x80xi32, #tpu.memory_space<vmem>> -> memref<1x80xi32, #tpu.memory_space<vmem>>
        %dma_wait3A_75 = tpu.memref_squeeze %dma_wait3A_74 : memref<1x80xi32, #tpu.memory_space<vmem>> -> memref<80xi32, #tpu.memory_space<vmem>>
        %dma_wait3A_76 = arith.constant 0 : i32
        %dma_wait3A_77 = arith.constant 0 : i32
        %dma_wait3A_78 = tpu.memref_slice %arg11[%dma_wait3A_76, %dma_wait3A_77] : memref<10000x80xf32, #tpu.memory_space<vmem_shared>> -> memref<10000x80xf32, #tpu.memory_space<vmem_shared>>
        tpu.wait_indirect_dma semaphore(%run_scoped3A_66 : memref<!tpu.dma_semaphore, #tpu.memory_space<semaphore_mem>>) src(%arg9 : memref<80x80xf32, #tpu.memory_space<vmem>>) dst(%dma_wait3A_78 : memref<10000x80xf32, #tpu.memory_space<vmem_shared>>)
        tpu.yield
      }) : () -> ()
      %add3A_51 = arith.constant 1 : i32
      %add3A_52 = arith.addi %mul3A_37, %add3A_51 : i32
      %add3A_53 = arith.constant 1 : i32
      %add3A_54 = arith.addi %add3A_52, %add3A_53 : i32
      %lt3A_55 = arith.constant 125 : i32
      %lt3A_56 = arith.cmpi slt, %add3A_54, %lt3A_55 : i32
      %convert_element_type3A_57 = arith.extui %lt3A_56 : i1 to i32
      %cond3A_58 = arith.constant 0 : i32
      %cond3A_59 = arith.cmpi ne, %convert_element_type3A_57, %cond3A_58 : i32
      scf.if %cond3A_59 {
        %add3A_66 = arith.constant 1 : i32
        %add3A_67 = arith.addi %add3A_52, %add3A_66 : i32
        %dma_start3A_68 = arith.constant 0 : i32
        %dma_start3A_69 = tpu.memref_slice %arg7[%add3A_67, %dma_start3A_68] : memref<125x80xi32, #tpu.memory_space<vmem>> -> memref<1x80xi32, #tpu.memory_space<vmem>>
        %dma_start3A_70 = tpu.memref_squeeze %dma_start3A_69 : memref<1x80xi32, #tpu.memory_space<vmem>> -> memref<80xi32, #tpu.memory_space<vmem>>
        %dma_start3A_71 = arith.constant 0 : i32
        %dma_start3A_72 = arith.constant 0 : i32
        %dma_start3A_73 = tpu.memref_slice %arg4[%dma_start3A_71, %dma_start3A_72] : memref<10000x80xf32, #tpu.memory_space<hbm>> -> memref<10000x80xf32, #tpu.memory_space<hbm>>
        tpu.enqueue_indirect_dma source(%dma_start3A_73 : memref<10000x80xf32, #tpu.memory_space<hbm>>) target(%arg9 : memref<80x80xf32, #tpu.memory_space<vmem>>) offsets(%dma_start3A_70 : memref<80xi32, #tpu.memory_space<vmem>>) semaphore(%arg12 : memref<!tpu.dma_semaphore, #tpu.memory_space<semaphore_mem>>)
      } else {
      }
      %dma_wait3A_60 = arith.constant 0 : i32
      %dma_wait3A_61 = tpu.memref_slice %arg7[%add3A_52, %dma_wait3A_60] : memref<125x80xi32, #tpu.memory_space<vmem>> -> memref<1x80xi32, #tpu.memory_space<vmem>>
      %dma_wait3A_62 = tpu.memref_squeeze %dma_wait3A_61 : memref<1x80xi32, #tpu.memory_space<vmem>> -> memref<80xi32, #tpu.memory_space<vmem>>
      %dma_wait3A_63 = arith.constant 0 : i32
      %dma_wait3A_64 = arith.constant 0 : i32
      %dma_wait3A_65 = tpu.memref_slice %arg4[%dma_wait3A_63, %dma_wait3A_64] : memref<10000x80xf32, #tpu.memory_space<hbm>> -> memref<10000x80xf32, #tpu.memory_space<hbm>>
      tpu.wait_indirect_dma semaphore(%arg13 : memref<!tpu.dma_semaphore, #tpu.memory_space<semaphore_mem>>) src(%dma_wait3A_65 : memref<10000x80xf32, #tpu.memory_space<hbm>>) dst(%arg10 : memref<80x80xf32, #tpu.memory_space<vmem>>)
      "tpu.region"() ({
        %run_scoped3A_66 = tpu.sem_alloc : memref<!tpu.dma_semaphore, #tpu.memory_space<semaphore_mem>>
        %dma_start3A_67 = arith.constant 0 : i32
        %dma_start3A_68 = tpu.memref_slice %arg8[%add3A_52, %dma_start3A_67] : memref<125x80xi32, #tpu.memory_space<vmem>> -> memref<1x80xi32, #tpu.memory_space<vmem>>
        %dma_start3A_69 = tpu.memref_squeeze %dma_start3A_68 : memref<1x80xi32, #tpu.memory_space<vmem>> -> memref<80xi32, #tpu.memory_space<vmem>>
        %dma_start3A_70 = arith.constant 0 : i32
        %dma_start3A_71 = arith.constant 0 : i32
        %dma_start3A_72 = tpu.memref_slice %arg11[%dma_start3A_70, %dma_start3A_71] : memref<10000x80xf32, #tpu.memory_space<vmem_shared>> -> memref<10000x80xf32, #tpu.memory_space<vmem_shared>>
        tpu.enqueue_indirect_dma source(%arg10 : memref<80x80xf32, #tpu.memory_space<vmem>>) target(%dma_start3A_72 : memref<10000x80xf32, #tpu.memory_space<vmem_shared>>) offsets(%dma_start3A_69 : memref<80xi32, #tpu.memory_space<vmem>>) semaphore(%run_scoped3A_66 : memref<!tpu.dma_semaphore, #tpu.memory_space<semaphore_mem>>) {add = true}
        %dma_wait3A_73 = arith.constant 0 : i32
        %dma_wait3A_74 = tpu.memref_slice %arg8[%add3A_52, %dma_wait3A_73] : memref<125x80xi32, #tpu.memory_space<vmem>> -> memref<1x80xi32, #tpu.memory_space<vmem>>
        %dma_wait3A_75 = tpu.memref_squeeze %dma_wait3A_74 : memref<1x80xi32, #tpu.memory_space<vmem>> -> memref<80xi32, #tpu.memory_space<vmem>>
        %dma_wait3A_76 = arith.constant 0 : i32
        %dma_wait3A_77 = arith.constant 0 : i32
        %dma_wait3A_78 = tpu.memref_slice %arg11[%dma_wait3A_76, %dma_wait3A_77] : memref<10000x80xf32, #tpu.memory_space<vmem_shared>> -> memref<10000x80xf32, #tpu.memory_space<vmem_shared>>
        tpu.wait_indirect_dma semaphore(%run_scoped3A_66 : memref<!tpu.dma_semaphore, #tpu.memory_space<semaphore_mem>>) src(%arg10 : memref<80x80xf32, #tpu.memory_space<vmem>>) dst(%dma_wait3A_78 : memref<10000x80xf32, #tpu.memory_space<vmem_shared>>)
        tpu.yield
      }) : () -> ()
    }
    %scan3A_17 = arith.constant 62 : i32
    %dma_wait3A = arith.constant 124 : i32
    %dma_wait3A_18 = arith.constant 0 : i32
    %dma_wait3A_19 = tpu.memref_slice %arg7[%dma_wait3A, %dma_wait3A_18] : memref<125x80xi32, #tpu.memory_space<vmem>> -> memref<1x80xi32, #tpu.memory_space<vmem>>
    %dma_wait3A_20 = tpu.memref_squeeze %dma_wait3A_19 : memref<1x80xi32, #tpu.memory_space<vmem>> -> memref<80xi32, #tpu.memory_space<vmem>>
    %dma_wait3A_21 = arith.constant 0 : i32
    %dma_wait3A_22 = arith.constant 0 : i32
    %dma_wait3A_23 = tpu.memref_slice %arg4[%dma_wait3A_21, %dma_wait3A_22] : memref<10000x80xf32, #tpu.memory_space<hbm>> -> memref<10000x80xf32, #tpu.memory_space<hbm>>
    tpu.wait_indirect_dma semaphore(%arg12 : memref<!tpu.dma_semaphore, #tpu.memory_space<semaphore_mem>>) src(%dma_wait3A_23 : memref<10000x80xf32, #tpu.memory_space<hbm>>) dst(%arg9 : memref<80x80xf32, #tpu.memory_space<vmem>>)
    %run_scoped3A = arith.constant 124 : i32
    "tpu.region"() ({
      %run_scoped3A_35 = tpu.sem_alloc : memref<!tpu.dma_semaphore, #tpu.memory_space<semaphore_mem>>
      %dma_start3A_36 = arith.constant 0 : i32
      %dma_start3A_37 = tpu.memref_slice %arg8[%run_scoped3A, %dma_start3A_36] : memref<125x80xi32, #tpu.memory_space<vmem>> -> memref<1x80xi32, #tpu.memory_space<vmem>>
      %dma_start3A_38 = tpu.memref_squeeze %dma_start3A_37 : memref<1x80xi32, #tpu.memory_space<vmem>> -> memref<80xi32, #tpu.memory_space<vmem>>
      %dma_start3A_39 = arith.constant 0 : i32
      %dma_start3A_40 = arith.constant 0 : i32
      %dma_start3A_41 = tpu.memref_slice %arg11[%dma_start3A_39, %dma_start3A_40] : memref<10000x80xf32, #tpu.memory_space<vmem_shared>> -> memref<10000x80xf32, #tpu.memory_space<vmem_shared>>
      tpu.enqueue_indirect_dma source(%arg9 : memref<80x80xf32, #tpu.memory_space<vmem>>) target(%dma_start3A_41 : memref<10000x80xf32, #tpu.memory_space<vmem_shared>>) offsets(%dma_start3A_38 : memref<80xi32, #tpu.memory_space<vmem>>) semaphore(%run_scoped3A_35 : memref<!tpu.dma_semaphore, #tpu.memory_space<semaphore_mem>>) {add = true}
      %dma_wait3A_42 = arith.constant 0 : i32
      %dma_wait3A_43 = tpu.memref_slice %arg8[%run_scoped3A, %dma_wait3A_42] : memref<125x80xi32, #tpu.memory_space<vmem>> -> memref<1x80xi32, #tpu.memory_space<vmem>>
      %dma_wait3A_44 = tpu.memref_squeeze %dma_wait3A_43 : memref<1x80xi32, #tpu.memory_space<vmem>> -> memref<80xi32, #tpu.memory_space<vmem>>
      %dma_wait3A_45 = arith.constant 0 : i32
      %dma_wait3A_46 = arith.constant 0 : i32
      %dma_wait3A_47 = tpu.memref_slice %arg11[%dma_wait3A_45, %dma_wait3A_46] : memref<10000x80xf32, #tpu.memory_space<vmem_shared>> -> memref<10000x80xf32, #tpu.memory_space<vmem_shared>>
      tpu.wait_indirect_dma semaphore(%run_scoped3A_35 : memref<!tpu.dma_semaphore, #tpu.memory_space<semaphore_mem>>) src(%arg9 : memref<80x80xf32, #tpu.memory_space<vmem>>) dst(%dma_wait3A_47 : memref<10000x80xf32, #tpu.memory_space<vmem_shared>>)
      tpu.yield
    }) : () -> ()
    %barrier3A_24 = arith.constant 0 : index
    tpu.barrier barrier_id(%barrier3A_24)
    %lt3A_25 = arith.constant 15 : i32
    %lt3A_26 = arith.cmpi slt, %arg1, %lt3A_25 : i32
    %convert_element_type3A_27 = arith.extui %lt3A_26 : i1 to i32
    %cond3A_28 = arith.constant 0 : i32
    %cond3A_29 = arith.cmpi ne, %convert_element_type3A_27, %cond3A_28 : i32
    scf.if %cond3A_29 {
      %mul3A_35 = arith.constant 640 : i32
      %mul3A_36 = arith.muli %arg1, %mul3A_35 : i32
      %mul3A_37 = arith.constant 640 : i32
      %mul3A_38 = arith.muli %arg1, %mul3A_37 : i32
      "tpu.region"() ({
        %run_scoped3A_39 = tpu.sem_alloc : memref<!tpu.dma_semaphore, #tpu.memory_space<semaphore_mem>>
        %dma_start3A_40 = arith.constant 0 : i32
        %dma_start3A_41 = tpu.memref_slice %arg6[%arg0, %mul3A_38, %dma_start3A_40] : memref<2x10000x80xf32, #tpu.memory_space<hbm>> -> memref<1x640x80xf32, #tpu.memory_space<hbm>>
        %dma_start3A_42 = tpu.memref_squeeze %dma_start3A_41 : memref<1x640x80xf32, #tpu.memory_space<hbm>> -> memref<640x80xf32, #tpu.memory_space<hbm>>
        %dma_start3A_43 = arith.constant 0 : i32
        %dma_start3A_44 = tpu.memref_slice %arg11[%mul3A_36, %dma_start3A_43] : memref<10000x80xf32, #tpu.memory_space<vmem_shared>> -> memref<640x80xf32, #tpu.memory_space<vmem_shared>>
        tpu.enqueue_dma source(%dma_start3A_44 : memref<640x80xf32, #tpu.memory_space<vmem_shared>>) target(%dma_start3A_42 : memref<640x80xf32, #tpu.memory_space<hbm>>) target_semaphore(%run_scoped3A_39 : memref<!tpu.dma_semaphore, #tpu.memory_space<semaphore_mem>>)
        %dma_wait3A_45 = arith.constant 0 : i32
        %dma_wait3A_46 = tpu.memref_slice %arg6[%arg0, %mul3A_38, %dma_wait3A_45] : memref<2x10000x80xf32, #tpu.memory_space<hbm>> -> memref<1x640x80xf32, #tpu.memory_space<hbm>>
        %dma_wait3A_47 = tpu.memref_squeeze %dma_wait3A_46 : memref<1x640x80xf32, #tpu.memory_space<hbm>> -> memref<640x80xf32, #tpu.memory_space<hbm>>
        %dma_wait3A_48 = arith.constant 0 : i32
        %dma_wait3A_49 = tpu.memref_slice %arg11[%mul3A_36, %dma_wait3A_48] : memref<10000x80xf32, #tpu.memory_space<vmem_shared>> -> memref<640x80xf32, #tpu.memory_space<vmem_shared>>
        tpu.wait_dma2 semaphore(%run_scoped3A_39 : memref<!tpu.dma_semaphore, #tpu.memory_space<semaphore_mem>>) src(%dma_wait3A_49 : memref<640x80xf32, #tpu.memory_space<vmem_shared>>) dst(%dma_wait3A_47 : memref<640x80xf32, #tpu.memory_space<hbm>>)
        tpu.yield
      }) : () -> ()
    } else {
    }
    %eq3A_30 = arith.constant 15 : i32
    %eq3A_31 = arith.cmpi eq, %arg1, %eq3A_30 : i32
    %convert_element_type3A_32 = arith.extui %eq3A_31 : i1 to i32
    %cond3A_33 = arith.constant 0 : i32
    %cond3A_34 = arith.cmpi ne, %convert_element_type3A_32, %cond3A_33 : i32
    scf.if %cond3A_34 {
      "tpu.region"() ({
        %run_scoped3A_35 = tpu.sem_alloc : memref<!tpu.dma_semaphore, #tpu.memory_space<semaphore_mem>>
        %dma_start3A_36 = arith.constant 9600 : i32
        %dma_start3A_37 = arith.constant 0 : i32
        %dma_start3A_38 = tpu.memref_slice %arg6[%arg0, %dma_start3A_36, %dma_start3A_37] : memref<2x10000x80xf32, #tpu.memory_space<hbm>> -> memref<1x400x80xf32, #tpu.memory_space<hbm>>
        %dma_start3A_39 = tpu.memref_squeeze %dma_start3A_38 : memref<1x400x80xf32, #tpu.memory_space<hbm>> -> memref<400x80xf32, #tpu.memory_space<hbm>>
        %dma_start3A_40 = arith.constant 9600 : i32
        %dma_start3A_41 = arith.constant 0 : i32
        %dma_start3A_42 = tpu.memref_slice %arg11[%dma_start3A_40, %dma_start3A_41] : memref<10000x80xf32, #tpu.memory_space<vmem_shared>> -> memref<400x80xf32, #tpu.memory_space<vmem_shared>>
        tpu.enqueue_dma source(%dma_start3A_42 : memref<400x80xf32, #tpu.memory_space<vmem_shared>>) target(%dma_start3A_39 : memref<400x80xf32, #tpu.memory_space<hbm>>) target_semaphore(%run_scoped3A_35 : memref<!tpu.dma_semaphore, #tpu.memory_space<semaphore_mem>>)
        %dma_wait3A_43 = arith.constant 9600 : i32
        %dma_wait3A_44 = arith.constant 0 : i32
        %dma_wait3A_45 = tpu.memref_slice %arg6[%arg0, %dma_wait3A_43, %dma_wait3A_44] : memref<2x10000x80xf32, #tpu.memory_space<hbm>> -> memref<1x400x80xf32, #tpu.memory_space<hbm>>
        %dma_wait3A_46 = tpu.memref_squeeze %dma_wait3A_45 : memref<1x400x80xf32, #tpu.memory_space<hbm>> -> memref<400x80xf32, #tpu.memory_space<hbm>>
        %dma_wait3A_47 = arith.constant 9600 : i32
        %dma_wait3A_48 = arith.constant 0 : i32
        %dma_wait3A_49 = tpu.memref_slice %arg11[%dma_wait3A_47, %dma_wait3A_48] : memref<10000x80xf32, #tpu.memory_space<vmem_shared>> -> memref<400x80xf32, #tpu.memory_space<vmem_shared>>
        tpu.wait_dma2 semaphore(%run_scoped3A_35 : memref<!tpu.dma_semaphore, #tpu.memory_space<semaphore_mem>>) src(%dma_wait3A_49 : memref<400x80xf32, #tpu.memory_space<vmem_shared>>) dst(%dma_wait3A_46 : memref<400x80xf32, #tpu.memory_space<hbm>>)
        tpu.yield
      }) : () -> ()
    } else {
    }
    return
  }
}

#map = affine_map<(d0, d1) -> (0)>
module attributes {stable_mosaic.version = 14 : i64} {
  func.func @_deg_body(%arg0: i32, %arg1: i32, %arg2: memref<320000xi32, #tpu.memory_space<hbm>>, %arg3: memref<10000xf32, #tpu.memory_space<hbm>>, %arg4: memref<20000xi32, #tpu.memory_space<vmem>>, %arg5: memref<10000xf32, #tpu.memory_space<vmem>>, %arg6: memref<16x640xf32, #tpu.memory_space<vmem>>, %arg7: memref<640xf32, #tpu.memory_space<vmem>>, %arg8: memref<16x10000xf32, #tpu.memory_space<vmem_shared>>) attributes {dimension_semantics = [#tpu.dimension_semantics<core_parallel>, #tpu.dimension_semantics<subcore_parallel>], iteration_bounds = array<i64: 2, 16>, scalar_prefetch = 0 : i64, scratch_operands = 5 : i64, tpu.core_type = #tpu.core_type<sc_vector_subcore>, window_params = [{transform_indices = #map}, {transform_indices = #map}]} {
    %eq3A = arith.constant 0 : i32
    %eq3A_0 = arith.cmpi eq, %arg0, %eq3A : i32
    %convert_element_type3A = arith.extui %eq3A_0 : i1 to i32
    %cond3A = arith.constant 0 : i32
    %cond3A_1 = arith.cmpi ne, %convert_element_type3A, %cond3A : i32
    scf.if %cond3A_1 {
      %scan3A = arith.constant 0 : i32
      %scan3A_2 = arith.constant 0 : i32
      %scan3A_3 = arith.constant 625 : i32
      %scan3A_4 = arith.addi %scan3A_2, %scan3A_3 : i32
      %scan3A_5 = arith.constant 1 : i32
      scf.for %scan3A_24 = %scan3A_2 to %scan3A_4 step %scan3A_5  : i32 {
        %broadcast_in_dim3A_25 = arith.constant 0.000000e+00 : f32
        %broadcast_in_dim3A_26 = vector.broadcast %broadcast_in_dim3A_25 : f32 to vector<16xf32>
        %mul3A_27 = arith.constant 16 : i32
        %mul3A_28 = arith.muli %scan3A_24, %mul3A_27 : i32
        %swap3A = arith.index_cast %mul3A_28 : i32 to index
        %swap3A_29 = tpu.vector_load %arg5[%swap3A] {strides = array<i32>} : memref<10000xf32, #tpu.memory_space<vmem>>, vector<16xf32>,
        tpu.vector_store %arg5[%swap3A], %broadcast_in_dim3A_26 {strides = array<i32>} : memref<10000xf32, #tpu.memory_space<vmem>>, vector<16xf32>,
      }
      %scan3A_6 = arith.constant 625 : i32
      %mul3A = arith.constant 20000 : i32
      %mul3A_7 = arith.muli %arg1, %mul3A : i32
      "tpu.region"() ({
        %run_scoped3A = tpu.sem_alloc : memref<!tpu.dma_semaphore, #tpu.memory_space<semaphore_mem>>
        %dma_start3A = tpu.memref_slice %arg2[%mul3A_7] : memref<320000xi32, #tpu.memory_space<hbm>> -> memref<20000xi32, #tpu.memory_space<hbm>>
        %dma_start3A_24 = tpu.memref_slice %arg2[%mul3A_7] : memref<320000xi32, #tpu.memory_space<hbm>> -> memref<20000xi32, #tpu.memory_space<hbm>>
        tpu.enqueue_dma source(%dma_start3A_24 : memref<20000xi32, #tpu.memory_space<hbm>>) target(%arg4 : memref<20000xi32, #tpu.memory_space<vmem>>) target_semaphore(%run_scoped3A : memref<!tpu.dma_semaphore, #tpu.memory_space<semaphore_mem>>)
        %dma_wait3A = tpu.memref_slice %arg2[%mul3A_7] : memref<320000xi32, #tpu.memory_space<hbm>> -> memref<20000xi32, #tpu.memory_space<hbm>>
        %dma_wait3A_25 = tpu.memref_slice %arg2[%mul3A_7] : memref<320000xi32, #tpu.memory_space<hbm>> -> memref<20000xi32, #tpu.memory_space<hbm>>
        tpu.wait_dma2 semaphore(%run_scoped3A : memref<!tpu.dma_semaphore, #tpu.memory_space<semaphore_mem>>) src(%dma_wait3A_25 : memref<20000xi32, #tpu.memory_space<hbm>>) dst(%arg4 : memref<20000xi32, #tpu.memory_space<vmem>>)
        tpu.yield
      }) : () -> ()
      %broadcast_in_dim3A = arith.constant 1.000000e+00 : f32
      %broadcast_in_dim3A_8 = vector.broadcast %broadcast_in_dim3A : f32 to vector<16xf32>
      %scan3A_9 = arith.constant 0 : i32
      %scan3A_10 = arith.constant 0 : i32
      %scan3A_11 = arith.constant 1250 : i32
      %scan3A_12 = arith.addi %scan3A_10, %scan3A_11 : i32
      %scan3A_13 = arith.constant 1 : i32
      scf.for %scan3A_24 = %scan3A_10 to %scan3A_12 step %scan3A_13  : i32 {
        %mul3A_25 = arith.constant 16 : i32
        %mul3A_26 = arith.muli %scan3A_24, %mul3A_25 : i32
        %get3A = arith.index_cast %mul3A_26 : i32 to index
        %get3A_27 = tpu.vector_load %arg4[%get3A] {strides = array<i32>} : memref<20000xi32, #tpu.memory_space<vmem>>, vector<16xi32>,
        tpu.vector_store_idx %arg5[%get3A_27], %broadcast_in_dim3A_8 {add = true} : memref<10000xf32, #tpu.memory_space<vmem>>[vector<16xi32>], vector<16xf32>,
      }
      %scan3A_14 = arith.constant 1250 : i32
      "tpu.region"() ({
        %run_scoped3A = tpu.sem_alloc : memref<!tpu.dma_semaphore, #tpu.memory_space<semaphore_mem>>
        %dma_start3A = arith.constant 0 : i32
        %dma_start3A_24 = tpu.memref_slice %arg8[%arg1, %dma_start3A] : memref<16x10000xf32, #tpu.memory_space<vmem_shared>> -> memref<1x10000xf32, #tpu.memory_space<vmem_shared>>
        %dma_start3A_25 = tpu.memref_squeeze %dma_start3A_24 : memref<1x10000xf32, #tpu.memory_space<vmem_shared>> -> memref<10000xf32, #tpu.memory_space<vmem_shared>>
        %dma_start3A_26 = arith.constant 0 : i32
        %dma_start3A_27 = tpu.memref_slice %arg8[%arg1, %dma_start3A_26] : memref<16x10000xf32, #tpu.memory_space<vmem_shared>> -> memref<1x10000xf32, #tpu.memory_space<vmem_shared>>
        %dma_start3A_28 = tpu.memref_squeeze %dma_start3A_27 : memref<1x10000xf32, #tpu.memory_space<vmem_shared>> -> memref<10000xf32, #tpu.memory_space<vmem_shared>>
        tpu.enqueue_dma source(%arg5 : memref<10000xf32, #tpu.memory_space<vmem>>) target(%dma_start3A_28 : memref<10000xf32, #tpu.memory_space<vmem_shared>>) target_semaphore(%run_scoped3A : memref<!tpu.dma_semaphore, #tpu.memory_space<semaphore_mem>>)
        %dma_wait3A = arith.constant 0 : i32
        %dma_wait3A_29 = tpu.memref_slice %arg8[%arg1, %dma_wait3A] : memref<16x10000xf32, #tpu.memory_space<vmem_shared>> -> memref<1x10000xf32, #tpu.memory_space<vmem_shared>>
        %dma_wait3A_30 = tpu.memref_squeeze %dma_wait3A_29 : memref<1x10000xf32, #tpu.memory_space<vmem_shared>> -> memref<10000xf32, #tpu.memory_space<vmem_shared>>
        %dma_wait3A_31 = arith.constant 0 : i32
        %dma_wait3A_32 = tpu.memref_slice %arg8[%arg1, %dma_wait3A_31] : memref<16x10000xf32, #tpu.memory_space<vmem_shared>> -> memref<1x10000xf32, #tpu.memory_space<vmem_shared>>
        %dma_wait3A_33 = tpu.memref_squeeze %dma_wait3A_32 : memref<1x10000xf32, #tpu.memory_space<vmem_shared>> -> memref<10000xf32, #tpu.memory_space<vmem_shared>>
        tpu.wait_dma2 semaphore(%run_scoped3A : memref<!tpu.dma_semaphore, #tpu.memory_space<semaphore_mem>>) src(%arg5 : memref<10000xf32, #tpu.memory_space<vmem>>) dst(%dma_wait3A_33 : memref<10000xf32, #tpu.memory_space<vmem_shared>>)
        tpu.yield
      }) : () -> ()
      %barrier3A = arith.constant 0 : index
      tpu.barrier barrier_id(%barrier3A)
      %lt3A = arith.constant 15 : i32
      %lt3A_15 = arith.cmpi slt, %arg1, %lt3A : i32
      %convert_element_type3A_16 = arith.extui %lt3A_15 : i1 to i32
      %cond3A_17 = arith.constant 0 : i32
      %cond3A_18 = arith.cmpi ne, %convert_element_type3A_16, %cond3A_17 : i32
      scf.if %cond3A_18 {
        %mul3A_24 = arith.constant 640 : i32
        %mul3A_25 = arith.muli %arg1, %mul3A_24 : i32
        %run_scoped3A = arith.constant 0 : i32
        %run_scoped3A_26 = arith.constant 0 : i32
        "tpu.region"() ({
          %run_scoped3A_95 = tpu.sem_alloc : memref<!tpu.dma_semaphore, #tpu.memory_space<semaphore_mem>>
          %dma_start3A = arith.constant 0 : i32
          %dma_start3A_96 = tpu.memref_slice %arg6[%run_scoped3A_26, %dma_start3A] : memref<16x640xf32, #tpu.memory_space<vmem>> -> memref<1x640xf32, #tpu.memory_space<vmem>>
          %dma_start3A_97 = tpu.memref_squeeze %dma_start3A_96 : memref<1x640xf32, #tpu.memory_space<vmem>> -> memref<640xf32, #tpu.memory_space<vmem>>
          %dma_start3A_98 = tpu.memref_slice %arg8[%run_scoped3A, %mul3A_25] : memref<16x10000xf32, #tpu.memory_space<vmem_shared>> -> memref<1x640xf32, #tpu.memory_space<vmem_shared>>
          %dma_start3A_99 = tpu.memref_squeeze %dma_start3A_98 : memref<1x640xf32, #tpu.memory_space<vmem_shared>> -> memref<640xf32, #tpu.memory_space<vmem_shared>>
          %dma_start3A_100 = arith.constant 0 : i32
          %dma_start3A_101 = tpu.memref_slice %arg6[%run_scoped3A_26, %dma_start3A_100] : memref<16x640xf32, #tpu.memory_space<vmem>> -> memref<1x640xf32, #tpu.memory_space<vmem>>
          %dma_start3A_102 = tpu.memref_squeeze %dma_start3A_101 : memref<1x640xf32, #tpu.memory_space<vmem>> -> memref<640xf32, #tpu.memory_space<vmem>>
          %dma_start3A_103 = tpu.memref_slice %arg8[%run_scoped3A, %mul3A_25] : memref<16x10000xf32, #tpu.memory_space<vmem_shared>> -> memref<1x640xf32, #tpu.memory_space<vmem_shared>>
          %dma_start3A_104 = tpu.memref_squeeze %dma_start3A_103 : memref<1x640xf32, #tpu.memory_space<vmem_shared>> -> memref<640xf32, #tpu.memory_space<vmem_shared>>
          tpu.enqueue_dma source(%dma_start3A_104 : memref<640xf32, #tpu.memory_space<vmem_shared>>) target(%dma_start3A_102 : memref<640xf32, #tpu.memory_space<vmem>>) target_semaphore(%run_scoped3A_95 : memref<!tpu.dma_semaphore, #tpu.memory_space<semaphore_mem>>)
          %dma_wait3A = arith.constant 0 : i32
          %dma_wait3A_105 = tpu.memref_slice %arg6[%run_scoped3A_26, %dma_wait3A] : memref<16x640xf32, #tpu.memory_space<vmem>> -> memref<1x640xf32, #tpu.memory_space<vmem>>
          %dma_wait3A_106 = tpu.memref_squeeze %dma_wait3A_105 : memref<1x640xf32, #tpu.memory_space<vmem>> -> memref<640xf32, #tpu.memory_space<vmem>>
          %dma_wait3A_107 = tpu.memref_slice %arg8[%run_scoped3A, %mul3A_25] : memref<16x10000xf32, #tpu.memory_space<vmem_shared>> -> memref<1x640xf32, #tpu.memory_space<vmem_shared>>
          %dma_wait3A_108 = tpu.memref_squeeze %dma_wait3A_107 : memref<1x640xf32, #tpu.memory_space<vmem_shared>> -> memref<640xf32, #tpu.memory_space<vmem_shared>>
          %dma_wait3A_109 = arith.constant 0 : i32
          %dma_wait3A_110 = tpu.memref_slice %arg6[%run_scoped3A_26, %dma_wait3A_109] : memref<16x640xf32, #tpu.memory_space<vmem>> -> memref<1x640xf32, #tpu.memory_space<vmem>>
          %dma_wait3A_111 = tpu.memref_squeeze %dma_wait3A_110 : memref<1x640xf32, #tpu.memory_space<vmem>> -> memref<640xf32, #tpu.memory_space<vmem>>
          %dma_wait3A_112 = tpu.memref_slice %arg8[%run_scoped3A, %mul3A_25] : memref<16x10000xf32, #tpu.memory_space<vmem_shared>> -> memref<1x640xf32, #tpu.memory_space<vmem_shared>>
          %dma_wait3A_113 = tpu.memref_squeeze %dma_wait3A_112 : memref<1x640xf32, #tpu.memory_space<vmem_shared>> -> memref<640xf32, #tpu.memory_space<vmem_shared>>
          tpu.wait_dma2 semaphore(%run_scoped3A_95 : memref<!tpu.dma_semaphore, #tpu.memory_space<semaphore_mem>>) src(%dma_wait3A_113 : memref<640xf32, #tpu.memory_space<vmem_shared>>) dst(%dma_wait3A_111 : memref<640xf32, #tpu.memory_space<vmem>>)
          tpu.yield
        }) : () -> ()
        %mul3A_27 = arith.constant 640 : i32
        %mul3A_28 = arith.muli %arg1, %mul3A_27 : i32
        %run_scoped3A_29 = arith.constant 1 : i32
        %run_scoped3A_30 = arith.constant 1 : i32
        "tpu.region"() ({
          %run_scoped3A_95 = tpu.sem_alloc : memref<!tpu.dma_semaphore, #tpu.memory_space<semaphore_mem>>
          %dma_start3A = arith.constant 0 : i32
          %dma_start3A_96 = tpu.memref_slice %arg6[%run_scoped3A_30, %dma_start3A] : memref<16x640xf32, #tpu.memory_space<vmem>> -> memref<1x640xf32, #tpu.memory_space<vmem>>
          %dma_start3A_97 = tpu.memref_squeeze %dma_start3A_96 : memref<1x640xf32, #tpu.memory_space<vmem>> -> memref<640xf32, #tpu.memory_space<vmem>>
          %dma_start3A_98 = tpu.memref_slice %arg8[%run_scoped3A_29, %mul3A_28] : memref<16x10000xf32, #tpu.memory_space<vmem_shared>> -> memref<1x640xf32, #tpu.memory_space<vmem_shared>>
          %dma_start3A_99 = tpu.memref_squeeze %dma_start3A_98 : memref<1x640xf32, #tpu.memory_space<vmem_shared>> -> memref<640xf32, #tpu.memory_space<vmem_shared>>
          %dma_start3A_100 = arith.constant 0 : i32
          %dma_start3A_101 = tpu.memref_slice %arg6[%run_scoped3A_30, %dma_start3A_100] : memref<16x640xf32, #tpu.memory_space<vmem>> -> memref<1x640xf32, #tpu.memory_space<vmem>>
          %dma_start3A_102 = tpu.memref_squeeze %dma_start3A_101 : memref<1x640xf32, #tpu.memory_space<vmem>> -> memref<640xf32, #tpu.memory_space<vmem>>
          %dma_start3A_103 = tpu.memref_slice %arg8[%run_scoped3A_29, %mul3A_28] : memref<16x10000xf32, #tpu.memory_space<vmem_shared>> -> memref<1x640xf32, #tpu.memory_space<vmem_shared>>
          %dma_start3A_104 = tpu.memref_squeeze %dma_start3A_103 : memref<1x640xf32, #tpu.memory_space<vmem_shared>> -> memref<640xf32, #tpu.memory_space<vmem_shared>>
          tpu.enqueue_dma source(%dma_start3A_104 : memref<640xf32, #tpu.memory_space<vmem_shared>>) target(%dma_start3A_102 : memref<640xf32, #tpu.memory_space<vmem>>) target_semaphore(%run_scoped3A_95 : memref<!tpu.dma_semaphore, #tpu.memory_space<semaphore_mem>>)
          %dma_wait3A = arith.constant 0 : i32
          %dma_wait3A_105 = tpu.memref_slice %arg6[%run_scoped3A_30, %dma_wait3A] : memref<16x640xf32, #tpu.memory_space<vmem>> -> memref<1x640xf32, #tpu.memory_space<vmem>>
          %dma_wait3A_106 = tpu.memref_squeeze %dma_wait3A_105 : memref<1x640xf32, #tpu.memory_space<vmem>> -> memref<640xf32, #tpu.memory_space<vmem>>
          %dma_wait3A_107 = tpu.memref_slice %arg8[%run_scoped3A_29, %mul3A_28] : memref<16x10000xf32, #tpu.memory_space<vmem_shared>> -> memref<1x640xf32, #tpu.memory_space<vmem_shared>>
          %dma_wait3A_108 = tpu.memref_squeeze %dma_wait3A_107 : memref<1x640xf32, #tpu.memory_space<vmem_shared>> -> memref<640xf32, #tpu.memory_space<vmem_shared>>
          %dma_wait3A_109 = arith.constant 0 : i32
          %dma_wait3A_110 = tpu.memref_slice %arg6[%run_scoped3A_30, %dma_wait3A_109] : memref<16x640xf32, #tpu.memory_space<vmem>> -> memref<1x640xf32, #tpu.memory_space<vmem>>
          %dma_wait3A_111 = tpu.memref_squeeze %dma_wait3A_110 : memref<1x640xf32, #tpu.memory_space<vmem>> -> memref<640xf32, #tpu.memory_space<vmem>>
          %dma_wait3A_112 = tpu.memref_slice %arg8[%run_scoped3A_29, %mul3A_28] : memref<16x10000xf32, #tpu.memory_space<vmem_shared>> -> memref<1x640xf32, #tpu.memory_space<vmem_shared>>
          %dma_wait3A_113 = tpu.memref_squeeze %dma_wait3A_112 : memref<1x640xf32, #tpu.memory_space<vmem_shared>> -> memref<640xf32, #tpu.memory_space<vmem_shared>>
          tpu.wait_dma2 semaphore(%run_scoped3A_95 : memref<!tpu.dma_semaphore, #tpu.memory_space<semaphore_mem>>) src(%dma_wait3A_113 : memref<640xf32, #tpu.memory_space<vmem_shared>>) dst(%dma_wait3A_111 : memref<640xf32, #tpu.memory_space<vmem>>)
          tpu.yield
        }) : () -> ()
        %mul3A_31 = arith.constant 640 : i32
        %mul3A_32 = arith.muli %arg1, %mul3A_31 : i32
        %run_scoped3A_33 = arith.constant 2 : i32
        %run_scoped3A_34 = arith.constant 2 : i32
        "tpu.region"() ({
          %run_scoped3A_95 = tpu.sem_alloc : memref<!tpu.dma_semaphore, #tpu.memory_space<semaphore_mem>>
          %dma_start3A = arith.constant 0 : i32
          %dma_start3A_96 = tpu.memref_slice %arg6[%run_scoped3A_34, %dma_start3A] : memref<16x640xf32, #tpu.memory_space<vmem>> -> memref<1x640xf32, #tpu.memory_space<vmem>>
          %dma_start3A_97 = tpu.memref_squeeze %dma_start3A_96 : memref<1x640xf32, #tpu.memory_space<vmem>> -> memref<640xf32, #tpu.memory_space<vmem>>
          %dma_start3A_98 = tpu.memref_slice %arg8[%run_scoped3A_33, %mul3A_32] : memref<16x10000xf32, #tpu.memory_space<vmem_shared>> -> memref<1x640xf32, #tpu.memory_space<vmem_shared>>
          %dma_start3A_99 = tpu.memref_squeeze %dma_start3A_98 : memref<1x640xf32, #tpu.memory_space<vmem_shared>> -> memref<640xf32, #tpu.memory_space<vmem_shared>>
          %dma_start3A_100 = arith.constant 0 : i32
          %dma_start3A_101 = tpu.memref_slice %arg6[%run_scoped3A_34, %dma_start3A_100] : memref<16x640xf32, #tpu.memory_space<vmem>> -> memref<1x640xf32, #tpu.memory_space<vmem>>
          %dma_start3A_102 = tpu.memref_squeeze %dma_start3A_101 : memref<1x640xf32, #tpu.memory_space<vmem>> -> memref<640xf32, #tpu.memory_space<vmem>>
          %dma_start3A_103 = tpu.memref_slice %arg8[%run_scoped3A_33, %mul3A_32] : memref<16x10000xf32, #tpu.memory_space<vmem_shared>> -> memref<1x640xf32, #tpu.memory_space<vmem_shared>>
          %dma_start3A_104 = tpu.memref_squeeze %dma_start3A_103 : memref<1x640xf32, #tpu.memory_space<vmem_shared>> -> memref<640xf32, #tpu.memory_space<vmem_shared>>
          tpu.enqueue_dma source(%dma_start3A_104 : memref<640xf32, #tpu.memory_space<vmem_shared>>) target(%dma_start3A_102 : memref<640xf32, #tpu.memory_space<vmem>>) target_semaphore(%run_scoped3A_95 : memref<!tpu.dma_semaphore, #tpu.memory_space<semaphore_mem>>)
          %dma_wait3A = arith.constant 0 : i32
          %dma_wait3A_105 = tpu.memref_slice %arg6[%run_scoped3A_34, %dma_wait3A] : memref<16x640xf32, #tpu.memory_space<vmem>> -> memref<1x640xf32, #tpu.memory_space<vmem>>
          %dma_wait3A_106 = tpu.memref_squeeze %dma_wait3A_105 : memref<1x640xf32, #tpu.memory_space<vmem>> -> memref<640xf32, #tpu.memory_space<vmem>>
          %dma_wait3A_107 = tpu.memref_slice %arg8[%run_scoped3A_33, %mul3A_32] : memref<16x10000xf32, #tpu.memory_space<vmem_shared>> -> memref<1x640xf32, #tpu.memory_space<vmem_shared>>
          %dma_wait3A_108 = tpu.memref_squeeze %dma_wait3A_107 : memref<1x640xf32, #tpu.memory_space<vmem_shared>> -> memref<640xf32, #tpu.memory_space<vmem_shared>>
          %dma_wait3A_109 = arith.constant 0 : i32
          %dma_wait3A_110 = tpu.memref_slice %arg6[%run_scoped3A_34, %dma_wait3A_109] : memref<16x640xf32, #tpu.memory_space<vmem>> -> memref<1x640xf32, #tpu.memory_space<vmem>>
          %dma_wait3A_111 = tpu.memref_squeeze %dma_wait3A_110 : memref<1x640xf32, #tpu.memory_space<vmem>> -> memref<640xf32, #tpu.memory_space<vmem>>
          %dma_wait3A_112 = tpu.memref_slice %arg8[%run_scoped3A_33, %mul3A_32] : memref<16x10000xf32, #tpu.memory_space<vmem_shared>> -> memref<1x640xf32, #tpu.memory_space<vmem_shared>>
          %dma_wait3A_113 = tpu.memref_squeeze %dma_wait3A_112 : memref<1x640xf32, #tpu.memory_space<vmem_shared>> -> memref<640xf32, #tpu.memory_space<vmem_shared>>
          tpu.wait_dma2 semaphore(%run_scoped3A_95 : memref<!tpu.dma_semaphore, #tpu.memory_space<semaphore_mem>>) src(%dma_wait3A_113 : memref<640xf32, #tpu.memory_space<vmem_shared>>) dst(%dma_wait3A_111 : memref<640xf32, #tpu.memory_space<vmem>>)
          tpu.yield
        }) : () -> ()
        %mul3A_35 = arith.constant 640 : i32
        %mul3A_36 = arith.muli %arg1, %mul3A_35 : i32
        %run_scoped3A_37 = arith.constant 3 : i32
        %run_scoped3A_38 = arith.constant 3 : i32
        "tpu.region"() ({
          %run_scoped3A_95 = tpu.sem_alloc : memref<!tpu.dma_semaphore, #tpu.memory_space<semaphore_mem>>
          %dma_start3A = arith.constant 0 : i32
          %dma_start3A_96 = tpu.memref_slice %arg6[%run_scoped3A_38, %dma_start3A] : memref<16x640xf32, #tpu.memory_space<vmem>> -> memref<1x640xf32, #tpu.memory_space<vmem>>
          %dma_start3A_97 = tpu.memref_squeeze %dma_start3A_96 : memref<1x640xf32, #tpu.memory_space<vmem>> -> memref<640xf32, #tpu.memory_space<vmem>>
          %dma_start3A_98 = tpu.memref_slice %arg8[%run_scoped3A_37, %mul3A_36] : memref<16x10000xf32, #tpu.memory_space<vmem_shared>> -> memref<1x640xf32, #tpu.memory_space<vmem_shared>>
          %dma_start3A_99 = tpu.memref_squeeze %dma_start3A_98 : memref<1x640xf32, #tpu.memory_space<vmem_shared>> -> memref<640xf32, #tpu.memory_space<vmem_shared>>
          %dma_start3A_100 = arith.constant 0 : i32
          %dma_start3A_101 = tpu.memref_slice %arg6[%run_scoped3A_38, %dma_start3A_100] : memref<16x640xf32, #tpu.memory_space<vmem>> -> memref<1x640xf32, #tpu.memory_space<vmem>>
          %dma_start3A_102 = tpu.memref_squeeze %dma_start3A_101 : memref<1x640xf32, #tpu.memory_space<vmem>> -> memref<640xf32, #tpu.memory_space<vmem>>
          %dma_start3A_103 = tpu.memref_slice %arg8[%run_scoped3A_37, %mul3A_36] : memref<16x10000xf32, #tpu.memory_space<vmem_shared>> -> memref<1x640xf32, #tpu.memory_space<vmem_shared>>
          %dma_start3A_104 = tpu.memref_squeeze %dma_start3A_103 : memref<1x640xf32, #tpu.memory_space<vmem_shared>> -> memref<640xf32, #tpu.memory_space<vmem_shared>>
          tpu.enqueue_dma source(%dma_start3A_104 : memref<640xf32, #tpu.memory_space<vmem_shared>>) target(%dma_start3A_102 : memref<640xf32, #tpu.memory_space<vmem>>) target_semaphore(%run_scoped3A_95 : memref<!tpu.dma_semaphore, #tpu.memory_space<semaphore_mem>>)
          %dma_wait3A = arith.constant 0 : i32
          %dma_wait3A_105 = tpu.memref_slice %arg6[%run_scoped3A_38, %dma_wait3A] : memref<16x640xf32, #tpu.memory_space<vmem>> -> memref<1x640xf32, #tpu.memory_space<vmem>>
          %dma_wait3A_106 = tpu.memref_squeeze %dma_wait3A_105 : memref<1x640xf32, #tpu.memory_space<vmem>> -> memref<640xf32, #tpu.memory_space<vmem>>
          %dma_wait3A_107 = tpu.memref_slice %arg8[%run_scoped3A_37, %mul3A_36] : memref<16x10000xf32, #tpu.memory_space<vmem_shared>> -> memref<1x640xf32, #tpu.memory_space<vmem_shared>>
          %dma_wait3A_108 = tpu.memref_squeeze %dma_wait3A_107 : memref<1x640xf32, #tpu.memory_space<vmem_shared>> -> memref<640xf32, #tpu.memory_space<vmem_shared>>
          %dma_wait3A_109 = arith.constant 0 : i32
          %dma_wait3A_110 = tpu.memref_slice %arg6[%run_scoped3A_38, %dma_wait3A_109] : memref<16x640xf32, #tpu.memory_space<vmem>> -> memref<1x640xf32, #tpu.memory_space<vmem>>
          %dma_wait3A_111 = tpu.memref_squeeze %dma_wait3A_110 : memref<1x640xf32, #tpu.memory_space<vmem>> -> memref<640xf32, #tpu.memory_space<vmem>>
          %dma_wait3A_112 = tpu.memref_slice %arg8[%run_scoped3A_37, %mul3A_36] : memref<16x10000xf32, #tpu.memory_space<vmem_shared>> -> memref<1x640xf32, #tpu.memory_space<vmem_shared>>
          %dma_wait3A_113 = tpu.memref_squeeze %dma_wait3A_112 : memref<1x640xf32, #tpu.memory_space<vmem_shared>> -> memref<640xf32, #tpu.memory_space<vmem_shared>>
          tpu.wait_dma2 semaphore(%run_scoped3A_95 : memref<!tpu.dma_semaphore, #tpu.memory_space<semaphore_mem>>) src(%dma_wait3A_113 : memref<640xf32, #tpu.memory_space<vmem_shared>>) dst(%dma_wait3A_111 : memref<640xf32, #tpu.memory_space<vmem>>)
          tpu.yield
        }) : () -> ()
        %mul3A_39 = arith.constant 640 : i32
        %mul3A_40 = arith.muli %arg1, %mul3A_39 : i32
        %run_scoped3A_41 = arith.constant 4 : i32
        %run_scoped3A_42 = arith.constant 4 : i32
        "tpu.region"() ({
          %run_scoped3A_95 = tpu.sem_alloc : memref<!tpu.dma_semaphore, #tpu.memory_space<semaphore_mem>>
          %dma_start3A = arith.constant 0 : i32
          %dma_start3A_96 = tpu.memref_slice %arg6[%run_scoped3A_42, %dma_start3A] : memref<16x640xf32, #tpu.memory_space<vmem>> -> memref<1x640xf32, #tpu.memory_space<vmem>>
          %dma_start3A_97 = tpu.memref_squeeze %dma_start3A_96 : memref<1x640xf32, #tpu.memory_space<vmem>> -> memref<640xf32, #tpu.memory_space<vmem>>
          %dma_start3A_98 = tpu.memref_slice %arg8[%run_scoped3A_41, %mul3A_40] : memref<16x10000xf32, #tpu.memory_space<vmem_shared>> -> memref<1x640xf32, #tpu.memory_space<vmem_shared>>
          %dma_start3A_99 = tpu.memref_squeeze %dma_start3A_98 : memref<1x640xf32, #tpu.memory_space<vmem_shared>> -> memref<640xf32, #tpu.memory_space<vmem_shared>>
          %dma_start3A_100 = arith.constant 0 : i32
          %dma_start3A_101 = tpu.memref_slice %arg6[%run_scoped3A_42, %dma_start3A_100] : memref<16x640xf32, #tpu.memory_space<vmem>> -> memref<1x640xf32, #tpu.memory_space<vmem>>
          %dma_start3A_102 = tpu.memref_squeeze %dma_start3A_101 : memref<1x640xf32, #tpu.memory_space<vmem>> -> memref<640xf32, #tpu.memory_space<vmem>>
          %dma_start3A_103 = tpu.memref_slice %arg8[%run_scoped3A_41, %mul3A_40] : memref<16x10000xf32, #tpu.memory_space<vmem_shared>> -> memref<1x640xf32, #tpu.memory_space<vmem_shared>>
          %dma_start3A_104 = tpu.memref_squeeze %dma_start3A_103 : memref<1x640xf32, #tpu.memory_space<vmem_shared>> -> memref<640xf32, #tpu.memory_space<vmem_shared>>
          tpu.enqueue_dma source(%dma_start3A_104 : memref<640xf32, #tpu.memory_space<vmem_shared>>) target(%dma_start3A_102 : memref<640xf32, #tpu.memory_space<vmem>>) target_semaphore(%run_scoped3A_95 : memref<!tpu.dma_semaphore, #tpu.memory_space<semaphore_mem>>)
          %dma_wait3A = arith.constant 0 : i32
          %dma_wait3A_105 = tpu.memref_slice %arg6[%run_scoped3A_42, %dma_wait3A] : memref<16x640xf32, #tpu.memory_space<vmem>> -> memref<1x640xf32, #tpu.memory_space<vmem>>
          %dma_wait3A_106 = tpu.memref_squeeze %dma_wait3A_105 : memref<1x640xf32, #tpu.memory_space<vmem>> -> memref<640xf32, #tpu.memory_space<vmem>>
          %dma_wait3A_107 = tpu.memref_slice %arg8[%run_scoped3A_41, %mul3A_40] : memref<16x10000xf32, #tpu.memory_space<vmem_shared>> -> memref<1x640xf32, #tpu.memory_space<vmem_shared>>
          %dma_wait3A_108 = tpu.memref_squeeze %dma_wait3A_107 : memref<1x640xf32, #tpu.memory_space<vmem_shared>> -> memref<640xf32, #tpu.memory_space<vmem_shared>>
          %dma_wait3A_109 = arith.constant 0 : i32
          %dma_wait3A_110 = tpu.memref_slice %arg6[%run_scoped3A_42, %dma_wait3A_109] : memref<16x640xf32, #tpu.memory_space<vmem>> -> memref<1x640xf32, #tpu.memory_space<vmem>>
          %dma_wait3A_111 = tpu.memref_squeeze %dma_wait3A_110 : memref<1x640xf32, #tpu.memory_space<vmem>> -> memref<640xf32, #tpu.memory_space<vmem>>
          %dma_wait3A_112 = tpu.memref_slice %arg8[%run_scoped3A_41, %mul3A_40] : memref<16x10000xf32, #tpu.memory_space<vmem_shared>> -> memref<1x640xf32, #tpu.memory_space<vmem_shared>>
          %dma_wait3A_113 = tpu.memref_squeeze %dma_wait3A_112 : memref<1x640xf32, #tpu.memory_space<vmem_shared>> -> memref<640xf32, #tpu.memory_space<vmem_shared>>
          tpu.wait_dma2 semaphore(%run_scoped3A_95 : memref<!tpu.dma_semaphore, #tpu.memory_space<semaphore_mem>>) src(%dma_wait3A_113 : memref<640xf32, #tpu.memory_space<vmem_shared>>) dst(%dma_wait3A_111 : memref<640xf32, #tpu.memory_space<vmem>>)
          tpu.yield
        }) : () -> ()
        %mul3A_43 = arith.constant 640 : i32
        %mul3A_44 = arith.muli %arg1, %mul3A_43 : i32
        %run_scoped3A_45 = arith.constant 5 : i32
        %run_scoped3A_46 = arith.constant 5 : i32
        "tpu.region"() ({
          %run_scoped3A_95 = tpu.sem_alloc : memref<!tpu.dma_semaphore, #tpu.memory_space<semaphore_mem>>
          %dma_start3A = arith.constant 0 : i32
          %dma_start3A_96 = tpu.memref_slice %arg6[%run_scoped3A_46, %dma_start3A] : memref<16x640xf32, #tpu.memory_space<vmem>> -> memref<1x640xf32, #tpu.memory_space<vmem>>
          %dma_start3A_97 = tpu.memref_squeeze %dma_start3A_96 : memref<1x640xf32, #tpu.memory_space<vmem>> -> memref<640xf32, #tpu.memory_space<vmem>>
          %dma_start3A_98 = tpu.memref_slice %arg8[%run_scoped3A_45, %mul3A_44] : memref<16x10000xf32, #tpu.memory_space<vmem_shared>> -> memref<1x640xf32, #tpu.memory_space<vmem_shared>>
          %dma_start3A_99 = tpu.memref_squeeze %dma_start3A_98 : memref<1x640xf32, #tpu.memory_space<vmem_shared>> -> memref<640xf32, #tpu.memory_space<vmem_shared>>
          %dma_start3A_100 = arith.constant 0 : i32
          %dma_start3A_101 = tpu.memref_slice %arg6[%run_scoped3A_46, %dma_start3A_100] : memref<16x640xf32, #tpu.memory_space<vmem>> -> memref<1x640xf32, #tpu.memory_space<vmem>>
          %dma_start3A_102 = tpu.memref_squeeze %dma_start3A_101 : memref<1x640xf32, #tpu.memory_space<vmem>> -> memref<640xf32, #tpu.memory_space<vmem>>
          %dma_start3A_103 = tpu.memref_slice %arg8[%run_scoped3A_45, %mul3A_44] : memref<16x10000xf32, #tpu.memory_space<vmem_shared>> -> memref<1x640xf32, #tpu.memory_space<vmem_shared>>
          %dma_start3A_104 = tpu.memref_squeeze %dma_start3A_103 : memref<1x640xf32, #tpu.memory_space<vmem_shared>> -> memref<640xf32, #tpu.memory_space<vmem_shared>>
          tpu.enqueue_dma source(%dma_start3A_104 : memref<640xf32, #tpu.memory_space<vmem_shared>>) target(%dma_start3A_102 : memref<640xf32, #tpu.memory_space<vmem>>) target_semaphore(%run_scoped3A_95 : memref<!tpu.dma_semaphore, #tpu.memory_space<semaphore_mem>>)
          %dma_wait3A = arith.constant 0 : i32
          %dma_wait3A_105 = tpu.memref_slice %arg6[%run_scoped3A_46, %dma_wait3A] : memref<16x640xf32, #tpu.memory_space<vmem>> -> memref<1x640xf32, #tpu.memory_space<vmem>>
          %dma_wait3A_106 = tpu.memref_squeeze %dma_wait3A_105 : memref<1x640xf32, #tpu.memory_space<vmem>> -> memref<640xf32, #tpu.memory_space<vmem>>
          %dma_wait3A_107 = tpu.memref_slice %arg8[%run_scoped3A_45, %mul3A_44] : memref<16x10000xf32, #tpu.memory_space<vmem_shared>> -> memref<1x640xf32, #tpu.memory_space<vmem_shared>>
          %dma_wait3A_108 = tpu.memref_squeeze %dma_wait3A_107 : memref<1x640xf32, #tpu.memory_space<vmem_shared>> -> memref<640xf32, #tpu.memory_space<vmem_shared>>
          %dma_wait3A_109 = arith.constant 0 : i32
          %dma_wait3A_110 = tpu.memref_slice %arg6[%run_scoped3A_46, %dma_wait3A_109] : memref<16x640xf32, #tpu.memory_space<vmem>> -> memref<1x640xf32, #tpu.memory_space<vmem>>
          %dma_wait3A_111 = tpu.memref_squeeze %dma_wait3A_110 : memref<1x640xf32, #tpu.memory_space<vmem>> -> memref<640xf32, #tpu.memory_space<vmem>>
          %dma_wait3A_112 = tpu.memref_slice %arg8[%run_scoped3A_45, %mul3A_44] : memref<16x10000xf32, #tpu.memory_space<vmem_shared>> -> memref<1x640xf32, #tpu.memory_space<vmem_shared>>
          %dma_wait3A_113 = tpu.memref_squeeze %dma_wait3A_112 : memref<1x640xf32, #tpu.memory_space<vmem_shared>> -> memref<640xf32, #tpu.memory_space<vmem_shared>>
          tpu.wait_dma2 semaphore(%run_scoped3A_95 : memref<!tpu.dma_semaphore, #tpu.memory_space<semaphore_mem>>) src(%dma_wait3A_113 : memref<640xf32, #tpu.memory_space<vmem_shared>>) dst(%dma_wait3A_111 : memref<640xf32, #tpu.memory_space<vmem>>)
          tpu.yield
        }) : () -> ()
        %mul3A_47 = arith.constant 640 : i32
        %mul3A_48 = arith.muli %arg1, %mul3A_47 : i32
        %run_scoped3A_49 = arith.constant 6 : i32
        %run_scoped3A_50 = arith.constant 6 : i32
        "tpu.region"() ({
          %run_scoped3A_95 = tpu.sem_alloc : memref<!tpu.dma_semaphore, #tpu.memory_space<semaphore_mem>>
          %dma_start3A = arith.constant 0 : i32
          %dma_start3A_96 = tpu.memref_slice %arg6[%run_scoped3A_50, %dma_start3A] : memref<16x640xf32, #tpu.memory_space<vmem>> -> memref<1x640xf32, #tpu.memory_space<vmem>>
          %dma_start3A_97 = tpu.memref_squeeze %dma_start3A_96 : memref<1x640xf32, #tpu.memory_space<vmem>> -> memref<640xf32, #tpu.memory_space<vmem>>
          %dma_start3A_98 = tpu.memref_slice %arg8[%run_scoped3A_49, %mul3A_48] : memref<16x10000xf32, #tpu.memory_space<vmem_shared>> -> memref<1x640xf32, #tpu.memory_space<vmem_shared>>
          %dma_start3A_99 = tpu.memref_squeeze %dma_start3A_98 : memref<1x640xf32, #tpu.memory_space<vmem_shared>> -> memref<640xf32, #tpu.memory_space<vmem_shared>>
          %dma_start3A_100 = arith.constant 0 : i32
          %dma_start3A_101 = tpu.memref_slice %arg6[%run_scoped3A_50, %dma_start3A_100] : memref<16x640xf32, #tpu.memory_space<vmem>> -> memref<1x640xf32, #tpu.memory_space<vmem>>
          %dma_start3A_102 = tpu.memref_squeeze %dma_start3A_101 : memref<1x640xf32, #tpu.memory_space<vmem>> -> memref<640xf32, #tpu.memory_space<vmem>>
          %dma_start3A_103 = tpu.memref_slice %arg8[%run_scoped3A_49, %mul3A_48] : memref<16x10000xf32, #tpu.memory_space<vmem_shared>> -> memref<1x640xf32, #tpu.memory_space<vmem_shared>>
          %dma_start3A_104 = tpu.memref_squeeze %dma_start3A_103 : memref<1x640xf32, #tpu.memory_space<vmem_shared>> -> memref<640xf32, #tpu.memory_space<vmem_shared>>
          tpu.enqueue_dma source(%dma_start3A_104 : memref<640xf32, #tpu.memory_space<vmem_shared>>) target(%dma_start3A_102 : memref<640xf32, #tpu.memory_space<vmem>>) target_semaphore(%run_scoped3A_95 : memref<!tpu.dma_semaphore, #tpu.memory_space<semaphore_mem>>)
          %dma_wait3A = arith.constant 0 : i32
          %dma_wait3A_105 = tpu.memref_slice %arg6[%run_scoped3A_50, %dma_wait3A] : memref<16x640xf32, #tpu.memory_space<vmem>> -> memref<1x640xf32, #tpu.memory_space<vmem>>
          %dma_wait3A_106 = tpu.memref_squeeze %dma_wait3A_105 : memref<1x640xf32, #tpu.memory_space<vmem>> -> memref<640xf32, #tpu.memory_space<vmem>>
          %dma_wait3A_107 = tpu.memref_slice %arg8[%run_scoped3A_49, %mul3A_48] : memref<16x10000xf32, #tpu.memory_space<vmem_shared>> -> memref<1x640xf32, #tpu.memory_space<vmem_shared>>
          %dma_wait3A_108 = tpu.memref_squeeze %dma_wait3A_107 : memref<1x640xf32, #tpu.memory_space<vmem_shared>> -> memref<640xf32, #tpu.memory_space<vmem_shared>>
          %dma_wait3A_109 = arith.constant 0 : i32
          %dma_wait3A_110 = tpu.memref_slice %arg6[%run_scoped3A_50, %dma_wait3A_109] : memref<16x640xf32, #tpu.memory_space<vmem>> -> memref<1x640xf32, #tpu.memory_space<vmem>>
          %dma_wait3A_111 = tpu.memref_squeeze %dma_wait3A_110 : memref<1x640xf32, #tpu.memory_space<vmem>> -> memref<640xf32, #tpu.memory_space<vmem>>
          %dma_wait3A_112 = tpu.memref_slice %arg8[%run_scoped3A_49, %mul3A_48] : memref<16x10000xf32, #tpu.memory_space<vmem_shared>> -> memref<1x640xf32, #tpu.memory_space<vmem_shared>>
          %dma_wait3A_113 = tpu.memref_squeeze %dma_wait3A_112 : memref<1x640xf32, #tpu.memory_space<vmem_shared>> -> memref<640xf32, #tpu.memory_space<vmem_shared>>
          tpu.wait_dma2 semaphore(%run_scoped3A_95 : memref<!tpu.dma_semaphore, #tpu.memory_space<semaphore_mem>>) src(%dma_wait3A_113 : memref<640xf32, #tpu.memory_space<vmem_shared>>) dst(%dma_wait3A_111 : memref<640xf32, #tpu.memory_space<vmem>>)
          tpu.yield
        }) : () -> ()
        %mul3A_51 = arith.constant 640 : i32
        %mul3A_52 = arith.muli %arg1, %mul3A_51 : i32
        %run_scoped3A_53 = arith.constant 7 : i32
        %run_scoped3A_54 = arith.constant 7 : i32
        "tpu.region"() ({
          %run_scoped3A_95 = tpu.sem_alloc : memref<!tpu.dma_semaphore, #tpu.memory_space<semaphore_mem>>
          %dma_start3A = arith.constant 0 : i32
          %dma_start3A_96 = tpu.memref_slice %arg6[%run_scoped3A_54, %dma_start3A] : memref<16x640xf32, #tpu.memory_space<vmem>> -> memref<1x640xf32, #tpu.memory_space<vmem>>
          %dma_start3A_97 = tpu.memref_squeeze %dma_start3A_96 : memref<1x640xf32, #tpu.memory_space<vmem>> -> memref<640xf32, #tpu.memory_space<vmem>>
          %dma_start3A_98 = tpu.memref_slice %arg8[%run_scoped3A_53, %mul3A_52] : memref<16x10000xf32, #tpu.memory_space<vmem_shared>> -> memref<1x640xf32, #tpu.memory_space<vmem_shared>>
          %dma_start3A_99 = tpu.memref_squeeze %dma_start3A_98 : memref<1x640xf32, #tpu.memory_space<vmem_shared>> -> memref<640xf32, #tpu.memory_space<vmem_shared>>
          %dma_start3A_100 = arith.constant 0 : i32
          %dma_start3A_101 = tpu.memref_slice %arg6[%run_scoped3A_54, %dma_start3A_100] : memref<16x640xf32, #tpu.memory_space<vmem>> -> memref<1x640xf32, #tpu.memory_space<vmem>>
          %dma_start3A_102 = tpu.memref_squeeze %dma_start3A_101 : memref<1x640xf32, #tpu.memory_space<vmem>> -> memref<640xf32, #tpu.memory_space<vmem>>
          %dma_start3A_103 = tpu.memref_slice %arg8[%run_scoped3A_53, %mul3A_52] : memref<16x10000xf32, #tpu.memory_space<vmem_shared>> -> memref<1x640xf32, #tpu.memory_space<vmem_shared>>
          %dma_start3A_104 = tpu.memref_squeeze %dma_start3A_103 : memref<1x640xf32, #tpu.memory_space<vmem_shared>> -> memref<640xf32, #tpu.memory_space<vmem_shared>>
          tpu.enqueue_dma source(%dma_start3A_104 : memref<640xf32, #tpu.memory_space<vmem_shared>>) target(%dma_start3A_102 : memref<640xf32, #tpu.memory_space<vmem>>) target_semaphore(%run_scoped3A_95 : memref<!tpu.dma_semaphore, #tpu.memory_space<semaphore_mem>>)
          %dma_wait3A = arith.constant 0 : i32
          %dma_wait3A_105 = tpu.memref_slice %arg6[%run_scoped3A_54, %dma_wait3A] : memref<16x640xf32, #tpu.memory_space<vmem>> -> memref<1x640xf32, #tpu.memory_space<vmem>>
          %dma_wait3A_106 = tpu.memref_squeeze %dma_wait3A_105 : memref<1x640xf32, #tpu.memory_space<vmem>> -> memref<640xf32, #tpu.memory_space<vmem>>
          %dma_wait3A_107 = tpu.memref_slice %arg8[%run_scoped3A_53, %mul3A_52] : memref<16x10000xf32, #tpu.memory_space<vmem_shared>> -> memref<1x640xf32, #tpu.memory_space<vmem_shared>>
          %dma_wait3A_108 = tpu.memref_squeeze %dma_wait3A_107 : memref<1x640xf32, #tpu.memory_space<vmem_shared>> -> memref<640xf32, #tpu.memory_space<vmem_shared>>
          %dma_wait3A_109 = arith.constant 0 : i32
          %dma_wait3A_110 = tpu.memref_slice %arg6[%run_scoped3A_54, %dma_wait3A_109] : memref<16x640xf32, #tpu.memory_space<vmem>> -> memref<1x640xf32, #tpu.memory_space<vmem>>
          %dma_wait3A_111 = tpu.memref_squeeze %dma_wait3A_110 : memref<1x640xf32, #tpu.memory_space<vmem>> -> memref<640xf32, #tpu.memory_space<vmem>>
          %dma_wait3A_112 = tpu.memref_slice %arg8[%run_scoped3A_53, %mul3A_52] : memref<16x10000xf32, #tpu.memory_space<vmem_shared>> -> memref<1x640xf32, #tpu.memory_space<vmem_shared>>
          %dma_wait3A_113 = tpu.memref_squeeze %dma_wait3A_112 : memref<1x640xf32, #tpu.memory_space<vmem_shared>> -> memref<640xf32, #tpu.memory_space<vmem_shared>>
          tpu.wait_dma2 semaphore(%run_scoped3A_95 : memref<!tpu.dma_semaphore, #tpu.memory_space<semaphore_mem>>) src(%dma_wait3A_113 : memref<640xf32, #tpu.memory_space<vmem_shared>>) dst(%dma_wait3A_111 : memref<640xf32, #tpu.memory_space<vmem>>)
          tpu.yield
        }) : () -> ()
        %mul3A_55 = arith.constant 640 : i32
        %mul3A_56 = arith.muli %arg1, %mul3A_55 : i32
        %run_scoped3A_57 = arith.constant 8 : i32
        %run_scoped3A_58 = arith.constant 8 : i32
        "tpu.region"() ({
          %run_scoped3A_95 = tpu.sem_alloc : memref<!tpu.dma_semaphore, #tpu.memory_space<semaphore_mem>>
          %dma_start3A = arith.constant 0 : i32
          %dma_start3A_96 = tpu.memref_slice %arg6[%run_scoped3A_58, %dma_start3A] : memref<16x640xf32, #tpu.memory_space<vmem>> -> memref<1x640xf32, #tpu.memory_space<vmem>>
          %dma_start3A_97 = tpu.memref_squeeze %dma_start3A_96 : memref<1x640xf32, #tpu.memory_space<vmem>> -> memref<640xf32, #tpu.memory_space<vmem>>
          %dma_start3A_98 = tpu.memref_slice %arg8[%run_scoped3A_57, %mul3A_56] : memref<16x10000xf32, #tpu.memory_space<vmem_shared>> -> memref<1x640xf32, #tpu.memory_space<vmem_shared>>
          %dma_start3A_99 = tpu.memref_squeeze %dma_start3A_98 : memref<1x640xf32, #tpu.memory_space<vmem_shared>> -> memref<640xf32, #tpu.memory_space<vmem_shared>>
          %dma_start3A_100 = arith.constant 0 : i32
          %dma_start3A_101 = tpu.memref_slice %arg6[%run_scoped3A_58, %dma_start3A_100] : memref<16x640xf32, #tpu.memory_space<vmem>> -> memref<1x640xf32, #tpu.memory_space<vmem>>
          %dma_start3A_102 = tpu.memref_squeeze %dma_start3A_101 : memref<1x640xf32, #tpu.memory_space<vmem>> -> memref<640xf32, #tpu.memory_space<vmem>>
          %dma_start3A_103 = tpu.memref_slice %arg8[%run_scoped3A_57, %mul3A_56] : memref<16x10000xf32, #tpu.memory_space<vmem_shared>> -> memref<1x640xf32, #tpu.memory_space<vmem_shared>>
          %dma_start3A_104 = tpu.memref_squeeze %dma_start3A_103 : memref<1x640xf32, #tpu.memory_space<vmem_shared>> -> memref<640xf32, #tpu.memory_space<vmem_shared>>
          tpu.enqueue_dma source(%dma_start3A_104 : memref<640xf32, #tpu.memory_space<vmem_shared>>) target(%dma_start3A_102 : memref<640xf32, #tpu.memory_space<vmem>>) target_semaphore(%run_scoped3A_95 : memref<!tpu.dma_semaphore, #tpu.memory_space<semaphore_mem>>)
          %dma_wait3A = arith.constant 0 : i32
          %dma_wait3A_105 = tpu.memref_slice %arg6[%run_scoped3A_58, %dma_wait3A] : memref<16x640xf32, #tpu.memory_space<vmem>> -> memref<1x640xf32, #tpu.memory_space<vmem>>
          %dma_wait3A_106 = tpu.memref_squeeze %dma_wait3A_105 : memref<1x640xf32, #tpu.memory_space<vmem>> -> memref<640xf32, #tpu.memory_space<vmem>>
          %dma_wait3A_107 = tpu.memref_slice %arg8[%run_scoped3A_57, %mul3A_56] : memref<16x10000xf32, #tpu.memory_space<vmem_shared>> -> memref<1x640xf32, #tpu.memory_space<vmem_shared>>
          %dma_wait3A_108 = tpu.memref_squeeze %dma_wait3A_107 : memref<1x640xf32, #tpu.memory_space<vmem_shared>> -> memref<640xf32, #tpu.memory_space<vmem_shared>>
          %dma_wait3A_109 = arith.constant 0 : i32
          %dma_wait3A_110 = tpu.memref_slice %arg6[%run_scoped3A_58, %dma_wait3A_109] : memref<16x640xf32, #tpu.memory_space<vmem>> -> memref<1x640xf32, #tpu.memory_space<vmem>>
          %dma_wait3A_111 = tpu.memref_squeeze %dma_wait3A_110 : memref<1x640xf32, #tpu.memory_space<vmem>> -> memref<640xf32, #tpu.memory_space<vmem>>
          %dma_wait3A_112 = tpu.memref_slice %arg8[%run_scoped3A_57, %mul3A_56] : memref<16x10000xf32, #tpu.memory_space<vmem_shared>> -> memref<1x640xf32, #tpu.memory_space<vmem_shared>>
          %dma_wait3A_113 = tpu.memref_squeeze %dma_wait3A_112 : memref<1x640xf32, #tpu.memory_space<vmem_shared>> -> memref<640xf32, #tpu.memory_space<vmem_shared>>
          tpu.wait_dma2 semaphore(%run_scoped3A_95 : memref<!tpu.dma_semaphore, #tpu.memory_space<semaphore_mem>>) src(%dma_wait3A_113 : memref<640xf32, #tpu.memory_space<vmem_shared>>) dst(%dma_wait3A_111 : memref<640xf32, #tpu.memory_space<vmem>>)
          tpu.yield
        }) : () -> ()
        %mul3A_59 = arith.constant 640 : i32
        %mul3A_60 = arith.muli %arg1, %mul3A_59 : i32
        %run_scoped3A_61 = arith.constant 9 : i32
        %run_scoped3A_62 = arith.constant 9 : i32
        "tpu.region"() ({
          %run_scoped3A_95 = tpu.sem_alloc : memref<!tpu.dma_semaphore, #tpu.memory_space<semaphore_mem>>
          %dma_start3A = arith.constant 0 : i32
          %dma_start3A_96 = tpu.memref_slice %arg6[%run_scoped3A_62, %dma_start3A] : memref<16x640xf32, #tpu.memory_space<vmem>> -> memref<1x640xf32, #tpu.memory_space<vmem>>
          %dma_start3A_97 = tpu.memref_squeeze %dma_start3A_96 : memref<1x640xf32, #tpu.memory_space<vmem>> -> memref<640xf32, #tpu.memory_space<vmem>>
          %dma_start3A_98 = tpu.memref_slice %arg8[%run_scoped3A_61, %mul3A_60] : memref<16x10000xf32, #tpu.memory_space<vmem_shared>> -> memref<1x640xf32, #tpu.memory_space<vmem_shared>>
          %dma_start3A_99 = tpu.memref_squeeze %dma_start3A_98 : memref<1x640xf32, #tpu.memory_space<vmem_shared>> -> memref<640xf32, #tpu.memory_space<vmem_shared>>
          %dma_start3A_100 = arith.constant 0 : i32
          %dma_start3A_101 = tpu.memref_slice %arg6[%run_scoped3A_62, %dma_start3A_100] : memref<16x640xf32, #tpu.memory_space<vmem>> -> memref<1x640xf32, #tpu.memory_space<vmem>>
          %dma_start3A_102 = tpu.memref_squeeze %dma_start3A_101 : memref<1x640xf32, #tpu.memory_space<vmem>> -> memref<640xf32, #tpu.memory_space<vmem>>
          %dma_start3A_103 = tpu.memref_slice %arg8[%run_scoped3A_61, %mul3A_60] : memref<16x10000xf32, #tpu.memory_space<vmem_shared>> -> memref<1x640xf32, #tpu.memory_space<vmem_shared>>
          %dma_start3A_104 = tpu.memref_squeeze %dma_start3A_103 : memref<1x640xf32, #tpu.memory_space<vmem_shared>> -> memref<640xf32, #tpu.memory_space<vmem_shared>>
          tpu.enqueue_dma source(%dma_start3A_104 : memref<640xf32, #tpu.memory_space<vmem_shared>>) target(%dma_start3A_102 : memref<640xf32, #tpu.memory_space<vmem>>) target_semaphore(%run_scoped3A_95 : memref<!tpu.dma_semaphore, #tpu.memory_space<semaphore_mem>>)
          %dma_wait3A = arith.constant 0 : i32
          %dma_wait3A_105 = tpu.memref_slice %arg6[%run_scoped3A_62, %dma_wait3A] : memref<16x640xf32, #tpu.memory_space<vmem>> -> memref<1x640xf32, #tpu.memory_space<vmem>>
          %dma_wait3A_106 = tpu.memref_squeeze %dma_wait3A_105 : memref<1x640xf32, #tpu.memory_space<vmem>> -> memref<640xf32, #tpu.memory_space<vmem>>
          %dma_wait3A_107 = tpu.memref_slice %arg8[%run_scoped3A_61, %mul3A_60] : memref<16x10000xf32, #tpu.memory_space<vmem_shared>> -> memref<1x640xf32, #tpu.memory_space<vmem_shared>>
          %dma_wait3A_108 = tpu.memref_squeeze %dma_wait3A_107 : memref<1x640xf32, #tpu.memory_space<vmem_shared>> -> memref<640xf32, #tpu.memory_space<vmem_shared>>
          %dma_wait3A_109 = arith.constant 0 : i32
          %dma_wait3A_110 = tpu.memref_slice %arg6[%run_scoped3A_62, %dma_wait3A_109] : memref<16x640xf32, #tpu.memory_space<vmem>> -> memref<1x640xf32, #tpu.memory_space<vmem>>
          %dma_wait3A_111 = tpu.memref_squeeze %dma_wait3A_110 : memref<1x640xf32, #tpu.memory_space<vmem>> -> memref<640xf32, #tpu.memory_space<vmem>>
          %dma_wait3A_112 = tpu.memref_slice %arg8[%run_scoped3A_61, %mul3A_60] : memref<16x10000xf32, #tpu.memory_space<vmem_shared>> -> memref<1x640xf32, #tpu.memory_space<vmem_shared>>
          %dma_wait3A_113 = tpu.memref_squeeze %dma_wait3A_112 : memref<1x640xf32, #tpu.memory_space<vmem_shared>> -> memref<640xf32, #tpu.memory_space<vmem_shared>>
          tpu.wait_dma2 semaphore(%run_scoped3A_95 : memref<!tpu.dma_semaphore, #tpu.memory_space<semaphore_mem>>) src(%dma_wait3A_113 : memref<640xf32, #tpu.memory_space<vmem_shared>>) dst(%dma_wait3A_111 : memref<640xf32, #tpu.memory_space<vmem>>)
          tpu.yield
        }) : () -> ()
        %mul3A_63 = arith.constant 640 : i32
        %mul3A_64 = arith.muli %arg1, %mul3A_63 : i32
        %run_scoped3A_65 = arith.constant 10 : i32
        %run_scoped3A_66 = arith.constant 10 : i32
        "tpu.region"() ({
          %run_scoped3A_95 = tpu.sem_alloc : memref<!tpu.dma_semaphore, #tpu.memory_space<semaphore_mem>>
          %dma_start3A = arith.constant 0 : i32
          %dma_start3A_96 = tpu.memref_slice %arg6[%run_scoped3A_66, %dma_start3A] : memref<16x640xf32, #tpu.memory_space<vmem>> -> memref<1x640xf32, #tpu.memory_space<vmem>>
          %dma_start3A_97 = tpu.memref_squeeze %dma_start3A_96 : memref<1x640xf32, #tpu.memory_space<vmem>> -> memref<640xf32, #tpu.memory_space<vmem>>
          %dma_start3A_98 = tpu.memref_slice %arg8[%run_scoped3A_65, %mul3A_64] : memref<16x10000xf32, #tpu.memory_space<vmem_shared>> -> memref<1x640xf32, #tpu.memory_space<vmem_shared>>
          %dma_start3A_99 = tpu.memref_squeeze %dma_start3A_98 : memref<1x640xf32, #tpu.memory_space<vmem_shared>> -> memref<640xf32, #tpu.memory_space<vmem_shared>>
          %dma_start3A_100 = arith.constant 0 : i32
          %dma_start3A_101 = tpu.memref_slice %arg6[%run_scoped3A_66, %dma_start3A_100] : memref<16x640xf32, #tpu.memory_space<vmem>> -> memref<1x640xf32, #tpu.memory_space<vmem>>
          %dma_start3A_102 = tpu.memref_squeeze %dma_start3A_101 : memref<1x640xf32, #tpu.memory_space<vmem>> -> memref<640xf32, #tpu.memory_space<vmem>>
          %dma_start3A_103 = tpu.memref_slice %arg8[%run_scoped3A_65, %mul3A_64] : memref<16x10000xf32, #tpu.memory_space<vmem_shared>> -> memref<1x640xf32, #tpu.memory_space<vmem_shared>>
          %dma_start3A_104 = tpu.memref_squeeze %dma_start3A_103 : memref<1x640xf32, #tpu.memory_space<vmem_shared>> -> memref<640xf32, #tpu.memory_space<vmem_shared>>
          tpu.enqueue_dma source(%dma_start3A_104 : memref<640xf32, #tpu.memory_space<vmem_shared>>) target(%dma_start3A_102 : memref<640xf32, #tpu.memory_space<vmem>>) target_semaphore(%run_scoped3A_95 : memref<!tpu.dma_semaphore, #tpu.memory_space<semaphore_mem>>)
          %dma_wait3A = arith.constant 0 : i32
          %dma_wait3A_105 = tpu.memref_slice %arg6[%run_scoped3A_66, %dma_wait3A] : memref<16x640xf32, #tpu.memory_space<vmem>> -> memref<1x640xf32, #tpu.memory_space<vmem>>
          %dma_wait3A_106 = tpu.memref_squeeze %dma_wait3A_105 : memref<1x640xf32, #tpu.memory_space<vmem>> -> memref<640xf32, #tpu.memory_space<vmem>>
          %dma_wait3A_107 = tpu.memref_slice %arg8[%run_scoped3A_65, %mul3A_64] : memref<16x10000xf32, #tpu.memory_space<vmem_shared>> -> memref<1x640xf32, #tpu.memory_space<vmem_shared>>
          %dma_wait3A_108 = tpu.memref_squeeze %dma_wait3A_107 : memref<1x640xf32, #tpu.memory_space<vmem_shared>> -> memref<640xf32, #tpu.memory_space<vmem_shared>>
          %dma_wait3A_109 = arith.constant 0 : i32
          %dma_wait3A_110 = tpu.memref_slice %arg6[%run_scoped3A_66, %dma_wait3A_109] : memref<16x640xf32, #tpu.memory_space<vmem>> -> memref<1x640xf32, #tpu.memory_space<vmem>>
          %dma_wait3A_111 = tpu.memref_squeeze %dma_wait3A_110 : memref<1x640xf32, #tpu.memory_space<vmem>> -> memref<640xf32, #tpu.memory_space<vmem>>
          %dma_wait3A_112 = tpu.memref_slice %arg8[%run_scoped3A_65, %mul3A_64] : memref<16x10000xf32, #tpu.memory_space<vmem_shared>> -> memref<1x640xf32, #tpu.memory_space<vmem_shared>>
          %dma_wait3A_113 = tpu.memref_squeeze %dma_wait3A_112 : memref<1x640xf32, #tpu.memory_space<vmem_shared>> -> memref<640xf32, #tpu.memory_space<vmem_shared>>
          tpu.wait_dma2 semaphore(%run_scoped3A_95 : memref<!tpu.dma_semaphore, #tpu.memory_space<semaphore_mem>>) src(%dma_wait3A_113 : memref<640xf32, #tpu.memory_space<vmem_shared>>) dst(%dma_wait3A_111 : memref<640xf32, #tpu.memory_space<vmem>>)
          tpu.yield
        }) : () -> ()
        %mul3A_67 = arith.constant 640 : i32
        %mul3A_68 = arith.muli %arg1, %mul3A_67 : i32
        %run_scoped3A_69 = arith.constant 11 : i32
        %run_scoped3A_70 = arith.constant 11 : i32
        "tpu.region"() ({
          %run_scoped3A_95 = tpu.sem_alloc : memref<!tpu.dma_semaphore, #tpu.memory_space<semaphore_mem>>
          %dma_start3A = arith.constant 0 : i32
          %dma_start3A_96 = tpu.memref_slice %arg6[%run_scoped3A_70, %dma_start3A] : memref<16x640xf32, #tpu.memory_space<vmem>> -> memref<1x640xf32, #tpu.memory_space<vmem>>
          %dma_start3A_97 = tpu.memref_squeeze %dma_start3A_96 : memref<1x640xf32, #tpu.memory_space<vmem>> -> memref<640xf32, #tpu.memory_space<vmem>>
          %dma_start3A_98 = tpu.memref_slice %arg8[%run_scoped3A_69, %mul3A_68] : memref<16x10000xf32, #tpu.memory_space<vmem_shared>> -> memref<1x640xf32, #tpu.memory_space<vmem_shared>>
          %dma_start3A_99 = tpu.memref_squeeze %dma_start3A_98 : memref<1x640xf32, #tpu.memory_space<vmem_shared>> -> memref<640xf32, #tpu.memory_space<vmem_shared>>
          %dma_start3A_100 = arith.constant 0 : i32
          %dma_start3A_101 = tpu.memref_slice %arg6[%run_scoped3A_70, %dma_start3A_100] : memref<16x640xf32, #tpu.memory_space<vmem>> -> memref<1x640xf32, #tpu.memory_space<vmem>>
          %dma_start3A_102 = tpu.memref_squeeze %dma_start3A_101 : memref<1x640xf32, #tpu.memory_space<vmem>> -> memref<640xf32, #tpu.memory_space<vmem>>
          %dma_start3A_103 = tpu.memref_slice %arg8[%run_scoped3A_69, %mul3A_68] : memref<16x10000xf32, #tpu.memory_space<vmem_shared>> -> memref<1x640xf32, #tpu.memory_space<vmem_shared>>
          %dma_start3A_104 = tpu.memref_squeeze %dma_start3A_103 : memref<1x640xf32, #tpu.memory_space<vmem_shared>> -> memref<640xf32, #tpu.memory_space<vmem_shared>>
          tpu.enqueue_dma source(%dma_start3A_104 : memref<640xf32, #tpu.memory_space<vmem_shared>>) target(%dma_start3A_102 : memref<640xf32, #tpu.memory_space<vmem>>) target_semaphore(%run_scoped3A_95 : memref<!tpu.dma_semaphore, #tpu.memory_space<semaphore_mem>>)
          %dma_wait3A = arith.constant 0 : i32
          %dma_wait3A_105 = tpu.memref_slice %arg6[%run_scoped3A_70, %dma_wait3A] : memref<16x640xf32, #tpu.memory_space<vmem>> -> memref<1x640xf32, #tpu.memory_space<vmem>>
          %dma_wait3A_106 = tpu.memref_squeeze %dma_wait3A_105 : memref<1x640xf32, #tpu.memory_space<vmem>> -> memref<640xf32, #tpu.memory_space<vmem>>
          %dma_wait3A_107 = tpu.memref_slice %arg8[%run_scoped3A_69, %mul3A_68] : memref<16x10000xf32, #tpu.memory_space<vmem_shared>> -> memref<1x640xf32, #tpu.memory_space<vmem_shared>>
          %dma_wait3A_108 = tpu.memref_squeeze %dma_wait3A_107 : memref<1x640xf32, #tpu.memory_space<vmem_shared>> -> memref<640xf32, #tpu.memory_space<vmem_shared>>
          %dma_wait3A_109 = arith.constant 0 : i32
          %dma_wait3A_110 = tpu.memref_slice %arg6[%run_scoped3A_70, %dma_wait3A_109] : memref<16x640xf32, #tpu.memory_space<vmem>> -> memref<1x640xf32, #tpu.memory_space<vmem>>
          %dma_wait3A_111 = tpu.memref_squeeze %dma_wait3A_110 : memref<1x640xf32, #tpu.memory_space<vmem>> -> memref<640xf32, #tpu.memory_space<vmem>>
          %dma_wait3A_112 = tpu.memref_slice %arg8[%run_scoped3A_69, %mul3A_68] : memref<16x10000xf32, #tpu.memory_space<vmem_shared>> -> memref<1x640xf32, #tpu.memory_space<vmem_shared>>
          %dma_wait3A_113 = tpu.memref_squeeze %dma_wait3A_112 : memref<1x640xf32, #tpu.memory_space<vmem_shared>> -> memref<640xf32, #tpu.memory_space<vmem_shared>>
          tpu.wait_dma2 semaphore(%run_scoped3A_95 : memref<!tpu.dma_semaphore, #tpu.memory_space<semaphore_mem>>) src(%dma_wait3A_113 : memref<640xf32, #tpu.memory_space<vmem_shared>>) dst(%dma_wait3A_111 : memref<640xf32, #tpu.memory_space<vmem>>)
          tpu.yield
        }) : () -> ()
        %mul3A_71 = arith.constant 640 : i32
        %mul3A_72 = arith.muli %arg1, %mul3A_71 : i32
        %run_scoped3A_73 = arith.constant 12 : i32
        %run_scoped3A_74 = arith.constant 12 : i32
        "tpu.region"() ({
          %run_scoped3A_95 = tpu.sem_alloc : memref<!tpu.dma_semaphore, #tpu.memory_space<semaphore_mem>>
          %dma_start3A = arith.constant 0 : i32
          %dma_start3A_96 = tpu.memref_slice %arg6[%run_scoped3A_74, %dma_start3A] : memref<16x640xf32, #tpu.memory_space<vmem>> -> memref<1x640xf32, #tpu.memory_space<vmem>>
          %dma_start3A_97 = tpu.memref_squeeze %dma_start3A_96 : memref<1x640xf32, #tpu.memory_space<vmem>> -> memref<640xf32, #tpu.memory_space<vmem>>
          %dma_start3A_98 = tpu.memref_slice %arg8[%run_scoped3A_73, %mul3A_72] : memref<16x10000xf32, #tpu.memory_space<vmem_shared>> -> memref<1x640xf32, #tpu.memory_space<vmem_shared>>
          %dma_start3A_99 = tpu.memref_squeeze %dma_start3A_98 : memref<1x640xf32, #tpu.memory_space<vmem_shared>> -> memref<640xf32, #tpu.memory_space<vmem_shared>>
          %dma_start3A_100 = arith.constant 0 : i32
          %dma_start3A_101 = tpu.memref_slice %arg6[%run_scoped3A_74, %dma_start3A_100] : memref<16x640xf32, #tpu.memory_space<vmem>> -> memref<1x640xf32, #tpu.memory_space<vmem>>
          %dma_start3A_102 = tpu.memref_squeeze %dma_start3A_101 : memref<1x640xf32, #tpu.memory_space<vmem>> -> memref<640xf32, #tpu.memory_space<vmem>>
          %dma_start3A_103 = tpu.memref_slice %arg8[%run_scoped3A_73, %mul3A_72] : memref<16x10000xf32, #tpu.memory_space<vmem_shared>> -> memref<1x640xf32, #tpu.memory_space<vmem_shared>>
          %dma_start3A_104 = tpu.memref_squeeze %dma_start3A_103 : memref<1x640xf32, #tpu.memory_space<vmem_shared>> -> memref<640xf32, #tpu.memory_space<vmem_shared>>
          tpu.enqueue_dma source(%dma_start3A_104 : memref<640xf32, #tpu.memory_space<vmem_shared>>) target(%dma_start3A_102 : memref<640xf32, #tpu.memory_space<vmem>>) target_semaphore(%run_scoped3A_95 : memref<!tpu.dma_semaphore, #tpu.memory_space<semaphore_mem>>)
          %dma_wait3A = arith.constant 0 : i32
          %dma_wait3A_105 = tpu.memref_slice %arg6[%run_scoped3A_74, %dma_wait3A] : memref<16x640xf32, #tpu.memory_space<vmem>> -> memref<1x640xf32, #tpu.memory_space<vmem>>
          %dma_wait3A_106 = tpu.memref_squeeze %dma_wait3A_105 : memref<1x640xf32, #tpu.memory_space<vmem>> -> memref<640xf32, #tpu.memory_space<vmem>>
          %dma_wait3A_107 = tpu.memref_slice %arg8[%run_scoped3A_73, %mul3A_72] : memref<16x10000xf32, #tpu.memory_space<vmem_shared>> -> memref<1x640xf32, #tpu.memory_space<vmem_shared>>
          %dma_wait3A_108 = tpu.memref_squeeze %dma_wait3A_107 : memref<1x640xf32, #tpu.memory_space<vmem_shared>> -> memref<640xf32, #tpu.memory_space<vmem_shared>>
          %dma_wait3A_109 = arith.constant 0 : i32
          %dma_wait3A_110 = tpu.memref_slice %arg6[%run_scoped3A_74, %dma_wait3A_109] : memref<16x640xf32, #tpu.memory_space<vmem>> -> memref<1x640xf32, #tpu.memory_space<vmem>>
          %dma_wait3A_111 = tpu.memref_squeeze %dma_wait3A_110 : memref<1x640xf32, #tpu.memory_space<vmem>> -> memref<640xf32, #tpu.memory_space<vmem>>
          %dma_wait3A_112 = tpu.memref_slice %arg8[%run_scoped3A_73, %mul3A_72] : memref<16x10000xf32, #tpu.memory_space<vmem_shared>> -> memref<1x640xf32, #tpu.memory_space<vmem_shared>>
          %dma_wait3A_113 = tpu.memref_squeeze %dma_wait3A_112 : memref<1x640xf32, #tpu.memory_space<vmem_shared>> -> memref<640xf32, #tpu.memory_space<vmem_shared>>
          tpu.wait_dma2 semaphore(%run_scoped3A_95 : memref<!tpu.dma_semaphore, #tpu.memory_space<semaphore_mem>>) src(%dma_wait3A_113 : memref<640xf32, #tpu.memory_space<vmem_shared>>) dst(%dma_wait3A_111 : memref<640xf32, #tpu.memory_space<vmem>>)
          tpu.yield
        }) : () -> ()
        %mul3A_75 = arith.constant 640 : i32
        %mul3A_76 = arith.muli %arg1, %mul3A_75 : i32
        %run_scoped3A_77 = arith.constant 13 : i32
        %run_scoped3A_78 = arith.constant 13 : i32
        "tpu.region"() ({
          %run_scoped3A_95 = tpu.sem_alloc : memref<!tpu.dma_semaphore, #tpu.memory_space<semaphore_mem>>
          %dma_start3A = arith.constant 0 : i32
          %dma_start3A_96 = tpu.memref_slice %arg6[%run_scoped3A_78, %dma_start3A] : memref<16x640xf32, #tpu.memory_space<vmem>> -> memref<1x640xf32, #tpu.memory_space<vmem>>
          %dma_start3A_97 = tpu.memref_squeeze %dma_start3A_96 : memref<1x640xf32, #tpu.memory_space<vmem>> -> memref<640xf32, #tpu.memory_space<vmem>>
          %dma_start3A_98 = tpu.memref_slice %arg8[%run_scoped3A_77, %mul3A_76] : memref<16x10000xf32, #tpu.memory_space<vmem_shared>> -> memref<1x640xf32, #tpu.memory_space<vmem_shared>>
          %dma_start3A_99 = tpu.memref_squeeze %dma_start3A_98 : memref<1x640xf32, #tpu.memory_space<vmem_shared>> -> memref<640xf32, #tpu.memory_space<vmem_shared>>
          %dma_start3A_100 = arith.constant 0 : i32
          %dma_start3A_101 = tpu.memref_slice %arg6[%run_scoped3A_78, %dma_start3A_100] : memref<16x640xf32, #tpu.memory_space<vmem>> -> memref<1x640xf32, #tpu.memory_space<vmem>>
          %dma_start3A_102 = tpu.memref_squeeze %dma_start3A_101 : memref<1x640xf32, #tpu.memory_space<vmem>> -> memref<640xf32, #tpu.memory_space<vmem>>
          %dma_start3A_103 = tpu.memref_slice %arg8[%run_scoped3A_77, %mul3A_76] : memref<16x10000xf32, #tpu.memory_space<vmem_shared>> -> memref<1x640xf32, #tpu.memory_space<vmem_shared>>
          %dma_start3A_104 = tpu.memref_squeeze %dma_start3A_103 : memref<1x640xf32, #tpu.memory_space<vmem_shared>> -> memref<640xf32, #tpu.memory_space<vmem_shared>>
          tpu.enqueue_dma source(%dma_start3A_104 : memref<640xf32, #tpu.memory_space<vmem_shared>>) target(%dma_start3A_102 : memref<640xf32, #tpu.memory_space<vmem>>) target_semaphore(%run_scoped3A_95 : memref<!tpu.dma_semaphore, #tpu.memory_space<semaphore_mem>>)
          %dma_wait3A = arith.constant 0 : i32
          %dma_wait3A_105 = tpu.memref_slice %arg6[%run_scoped3A_78, %dma_wait3A] : memref<16x640xf32, #tpu.memory_space<vmem>> -> memref<1x640xf32, #tpu.memory_space<vmem>>
          %dma_wait3A_106 = tpu.memref_squeeze %dma_wait3A_105 : memref<1x640xf32, #tpu.memory_space<vmem>> -> memref<640xf32, #tpu.memory_space<vmem>>
          %dma_wait3A_107 = tpu.memref_slice %arg8[%run_scoped3A_77, %mul3A_76] : memref<16x10000xf32, #tpu.memory_space<vmem_shared>> -> memref<1x640xf32, #tpu.memory_space<vmem_shared>>
          %dma_wait3A_108 = tpu.memref_squeeze %dma_wait3A_107 : memref<1x640xf32, #tpu.memory_space<vmem_shared>> -> memref<640xf32, #tpu.memory_space<vmem_shared>>
          %dma_wait3A_109 = arith.constant 0 : i32
          %dma_wait3A_110 = tpu.memref_slice %arg6[%run_scoped3A_78, %dma_wait3A_109] : memref<16x640xf32, #tpu.memory_space<vmem>> -> memref<1x640xf32, #tpu.memory_space<vmem>>
          %dma_wait3A_111 = tpu.memref_squeeze %dma_wait3A_110 : memref<1x640xf32, #tpu.memory_space<vmem>> -> memref<640xf32, #tpu.memory_space<vmem>>
          %dma_wait3A_112 = tpu.memref_slice %arg8[%run_scoped3A_77, %mul3A_76] : memref<16x10000xf32, #tpu.memory_space<vmem_shared>> -> memref<1x640xf32, #tpu.memory_space<vmem_shared>>
          %dma_wait3A_113 = tpu.memref_squeeze %dma_wait3A_112 : memref<1x640xf32, #tpu.memory_space<vmem_shared>> -> memref<640xf32, #tpu.memory_space<vmem_shared>>
          tpu.wait_dma2 semaphore(%run_scoped3A_95 : memref<!tpu.dma_semaphore, #tpu.memory_space<semaphore_mem>>) src(%dma_wait3A_113 : memref<640xf32, #tpu.memory_space<vmem_shared>>) dst(%dma_wait3A_111 : memref<640xf32, #tpu.memory_space<vmem>>)
          tpu.yield
        }) : () -> ()
        %mul3A_79 = arith.constant 640 : i32
        %mul3A_80 = arith.muli %arg1, %mul3A_79 : i32
        %run_scoped3A_81 = arith.constant 14 : i32
        %run_scoped3A_82 = arith.constant 14 : i32
        "tpu.region"() ({
          %run_scoped3A_95 = tpu.sem_alloc : memref<!tpu.dma_semaphore, #tpu.memory_space<semaphore_mem>>
          %dma_start3A = arith.constant 0 : i32
          %dma_start3A_96 = tpu.memref_slice %arg6[%run_scoped3A_82, %dma_start3A] : memref<16x640xf32, #tpu.memory_space<vmem>> -> memref<1x640xf32, #tpu.memory_space<vmem>>
          %dma_start3A_97 = tpu.memref_squeeze %dma_start3A_96 : memref<1x640xf32, #tpu.memory_space<vmem>> -> memref<640xf32, #tpu.memory_space<vmem>>
          %dma_start3A_98 = tpu.memref_slice %arg8[%run_scoped3A_81, %mul3A_80] : memref<16x10000xf32, #tpu.memory_space<vmem_shared>> -> memref<1x640xf32, #tpu.memory_space<vmem_shared>>
          %dma_start3A_99 = tpu.memref_squeeze %dma_start3A_98 : memref<1x640xf32, #tpu.memory_space<vmem_shared>> -> memref<640xf32, #tpu.memory_space<vmem_shared>>
          %dma_start3A_100 = arith.constant 0 : i32
          %dma_start3A_101 = tpu.memref_slice %arg6[%run_scoped3A_82, %dma_start3A_100] : memref<16x640xf32, #tpu.memory_space<vmem>> -> memref<1x640xf32, #tpu.memory_space<vmem>>
          %dma_start3A_102 = tpu.memref_squeeze %dma_start3A_101 : memref<1x640xf32, #tpu.memory_space<vmem>> -> memref<640xf32, #tpu.memory_space<vmem>>
          %dma_start3A_103 = tpu.memref_slice %arg8[%run_scoped3A_81, %mul3A_80] : memref<16x10000xf32, #tpu.memory_space<vmem_shared>> -> memref<1x640xf32, #tpu.memory_space<vmem_shared>>
          %dma_start3A_104 = tpu.memref_squeeze %dma_start3A_103 : memref<1x640xf32, #tpu.memory_space<vmem_shared>> -> memref<640xf32, #tpu.memory_space<vmem_shared>>
          tpu.enqueue_dma source(%dma_start3A_104 : memref<640xf32, #tpu.memory_space<vmem_shared>>) target(%dma_start3A_102 : memref<640xf32, #tpu.memory_space<vmem>>) target_semaphore(%run_scoped3A_95 : memref<!tpu.dma_semaphore, #tpu.memory_space<semaphore_mem>>)
          %dma_wait3A = arith.constant 0 : i32
          %dma_wait3A_105 = tpu.memref_slice %arg6[%run_scoped3A_82, %dma_wait3A] : memref<16x640xf32, #tpu.memory_space<vmem>> -> memref<1x640xf32, #tpu.memory_space<vmem>>
          %dma_wait3A_106 = tpu.memref_squeeze %dma_wait3A_105 : memref<1x640xf32, #tpu.memory_space<vmem>> -> memref<640xf32, #tpu.memory_space<vmem>>
          %dma_wait3A_107 = tpu.memref_slice %arg8[%run_scoped3A_81, %mul3A_80] : memref<16x10000xf32, #tpu.memory_space<vmem_shared>> -> memref<1x640xf32, #tpu.memory_space<vmem_shared>>
          %dma_wait3A_108 = tpu.memref_squeeze %dma_wait3A_107 : memref<1x640xf32, #tpu.memory_space<vmem_shared>> -> memref<640xf32, #tpu.memory_space<vmem_shared>>
          %dma_wait3A_109 = arith.constant 0 : i32
          %dma_wait3A_110 = tpu.memref_slice %arg6[%run_scoped3A_82, %dma_wait3A_109] : memref<16x640xf32, #tpu.memory_space<vmem>> -> memref<1x640xf32, #tpu.memory_space<vmem>>
          %dma_wait3A_111 = tpu.memref_squeeze %dma_wait3A_110 : memref<1x640xf32, #tpu.memory_space<vmem>> -> memref<640xf32, #tpu.memory_space<vmem>>
          %dma_wait3A_112 = tpu.memref_slice %arg8[%run_scoped3A_81, %mul3A_80] : memref<16x10000xf32, #tpu.memory_space<vmem_shared>> -> memref<1x640xf32, #tpu.memory_space<vmem_shared>>
          %dma_wait3A_113 = tpu.memref_squeeze %dma_wait3A_112 : memref<1x640xf32, #tpu.memory_space<vmem_shared>> -> memref<640xf32, #tpu.memory_space<vmem_shared>>
          tpu.wait_dma2 semaphore(%run_scoped3A_95 : memref<!tpu.dma_semaphore, #tpu.memory_space<semaphore_mem>>) src(%dma_wait3A_113 : memref<640xf32, #tpu.memory_space<vmem_shared>>) dst(%dma_wait3A_111 : memref<640xf32, #tpu.memory_space<vmem>>)
          tpu.yield
        }) : () -> ()
        %mul3A_83 = arith.constant 640 : i32
        %mul3A_84 = arith.muli %arg1, %mul3A_83 : i32
        %run_scoped3A_85 = arith.constant 15 : i32
        %run_scoped3A_86 = arith.constant 15 : i32
        "tpu.region"() ({
          %run_scoped3A_95 = tpu.sem_alloc : memref<!tpu.dma_semaphore, #tpu.memory_space<semaphore_mem>>
          %dma_start3A = arith.constant 0 : i32
          %dma_start3A_96 = tpu.memref_slice %arg6[%run_scoped3A_86, %dma_start3A] : memref<16x640xf32, #tpu.memory_space<vmem>> -> memref<1x640xf32, #tpu.memory_space<vmem>>
          %dma_start3A_97 = tpu.memref_squeeze %dma_start3A_96 : memref<1x640xf32, #tpu.memory_space<vmem>> -> memref<640xf32, #tpu.memory_space<vmem>>
          %dma_start3A_98 = tpu.memref_slice %arg8[%run_scoped3A_85, %mul3A_84] : memref<16x10000xf32, #tpu.memory_space<vmem_shared>> -> memref<1x640xf32, #tpu.memory_space<vmem_shared>>
          %dma_start3A_99 = tpu.memref_squeeze %dma_start3A_98 : memref<1x640xf32, #tpu.memory_space<vmem_shared>> -> memref<640xf32, #tpu.memory_space<vmem_shared>>
          %dma_start3A_100 = arith.constant 0 : i32
          %dma_start3A_101 = tpu.memref_slice %arg6[%run_scoped3A_86, %dma_start3A_100] : memref<16x640xf32, #tpu.memory_space<vmem>> -> memref<1x640xf32, #tpu.memory_space<vmem>>
          %dma_start3A_102 = tpu.memref_squeeze %dma_start3A_101 : memref<1x640xf32, #tpu.memory_space<vmem>> -> memref<640xf32, #tpu.memory_space<vmem>>
          %dma_start3A_103 = tpu.memref_slice %arg8[%run_scoped3A_85, %mul3A_84] : memref<16x10000xf32, #tpu.memory_space<vmem_shared>> -> memref<1x640xf32, #tpu.memory_space<vmem_shared>>
          %dma_start3A_104 = tpu.memref_squeeze %dma_start3A_103 : memref<1x640xf32, #tpu.memory_space<vmem_shared>> -> memref<640xf32, #tpu.memory_space<vmem_shared>>
          tpu.enqueue_dma source(%dma_start3A_104 : memref<640xf32, #tpu.memory_space<vmem_shared>>) target(%dma_start3A_102 : memref<640xf32, #tpu.memory_space<vmem>>) target_semaphore(%run_scoped3A_95 : memref<!tpu.dma_semaphore, #tpu.memory_space<semaphore_mem>>)
          %dma_wait3A = arith.constant 0 : i32
          %dma_wait3A_105 = tpu.memref_slice %arg6[%run_scoped3A_86, %dma_wait3A] : memref<16x640xf32, #tpu.memory_space<vmem>> -> memref<1x640xf32, #tpu.memory_space<vmem>>
          %dma_wait3A_106 = tpu.memref_squeeze %dma_wait3A_105 : memref<1x640xf32, #tpu.memory_space<vmem>> -> memref<640xf32, #tpu.memory_space<vmem>>
          %dma_wait3A_107 = tpu.memref_slice %arg8[%run_scoped3A_85, %mul3A_84] : memref<16x10000xf32, #tpu.memory_space<vmem_shared>> -> memref<1x640xf32, #tpu.memory_space<vmem_shared>>
          %dma_wait3A_108 = tpu.memref_squeeze %dma_wait3A_107 : memref<1x640xf32, #tpu.memory_space<vmem_shared>> -> memref<640xf32, #tpu.memory_space<vmem_shared>>
          %dma_wait3A_109 = arith.constant 0 : i32
          %dma_wait3A_110 = tpu.memref_slice %arg6[%run_scoped3A_86, %dma_wait3A_109] : memref<16x640xf32, #tpu.memory_space<vmem>> -> memref<1x640xf32, #tpu.memory_space<vmem>>
          %dma_wait3A_111 = tpu.memref_squeeze %dma_wait3A_110 : memref<1x640xf32, #tpu.memory_space<vmem>> -> memref<640xf32, #tpu.memory_space<vmem>>
          %dma_wait3A_112 = tpu.memref_slice %arg8[%run_scoped3A_85, %mul3A_84] : memref<16x10000xf32, #tpu.memory_space<vmem_shared>> -> memref<1x640xf32, #tpu.memory_space<vmem_shared>>
          %dma_wait3A_113 = tpu.memref_squeeze %dma_wait3A_112 : memref<1x640xf32, #tpu.memory_space<vmem_shared>> -> memref<640xf32, #tpu.memory_space<vmem_shared>>
          tpu.wait_dma2 semaphore(%run_scoped3A_95 : memref<!tpu.dma_semaphore, #tpu.memory_space<semaphore_mem>>) src(%dma_wait3A_113 : memref<640xf32, #tpu.memory_space<vmem_shared>>) dst(%dma_wait3A_111 : memref<640xf32, #tpu.memory_space<vmem>>)
          tpu.yield
        }) : () -> ()
        %scan3A_87 = arith.constant 0 : i32
        %scan3A_88 = arith.constant 0 : i32
        %scan3A_89 = arith.constant 40 : i32
        %scan3A_90 = arith.addi %scan3A_88, %scan3A_89 : i32
        %scan3A_91 = arith.constant 1 : i32
        scf.for %scan3A_95 = %scan3A_88 to %scan3A_90 step %scan3A_91  : i32 {
          %mul3A_96 = arith.constant 16 : i32
          %mul3A_97 = arith.muli %scan3A_95, %mul3A_96 : i32
          %get3A = arith.constant 0 : i32
          %get3A_98 = arith.index_cast %get3A : i32 to index
          %get3A_99 = arith.index_cast %mul3A_97 : i32 to index
          %get3A_100 = tpu.vector_load %arg6[%get3A_98, %get3A_99] {strides = array<i32>} : memref<16x640xf32, #tpu.memory_space<vmem>>, vector<16xf32>,
          %mul3A_101 = arith.constant 16 : i32
          %mul3A_102 = arith.muli %scan3A_95, %mul3A_101 : i32
          %get3A_103 = arith.constant 1 : i32
          %get3A_104 = arith.index_cast %get3A_103 : i32 to index
          %get3A_105 = arith.index_cast %mul3A_102 : i32 to index
          %get3A_106 = tpu.vector_load %arg6[%get3A_104, %get3A_105] {strides = array<i32>} : memref<16x640xf32, #tpu.memory_space<vmem>>, vector<16xf32>,
          %add3A = arith.addf %get3A_100, %get3A_106 : vector<16xf32>
          %mul3A_107 = arith.constant 16 : i32
          %mul3A_108 = arith.muli %scan3A_95, %mul3A_107 : i32
          %get3A_109 = arith.constant 2 : i32
          %get3A_110 = arith.index_cast %get3A_109 : i32 to index
          %get3A_111 = arith.index_cast %mul3A_108 : i32 to index
          %get3A_112 = tpu.vector_load %arg6[%get3A_110, %get3A_111] {strides = array<i32>} : memref<16x640xf32, #tpu.memory_space<vmem>>, vector<16xf32>,
          %add3A_113 = arith.addf %add3A, %get3A_112 : vector<16xf32>
          %mul3A_114 = arith.constant 16 : i32
          %mul3A_115 = arith.muli %scan3A_95, %mul3A_114 : i32
          %get3A_116 = arith.constant 3 : i32
          %get3A_117 = arith.index_cast %get3A_116 : i32 to index
          %get3A_118 = arith.index_cast %mul3A_115 : i32 to index
          %get3A_119 = tpu.vector_load %arg6[%get3A_117, %get3A_118] {strides = array<i32>} : memref<16x640xf32, #tpu.memory_space<vmem>>, vector<16xf32>,
          %add3A_120 = arith.addf %add3A_113, %get3A_119 : vector<16xf32>
          %mul3A_121 = arith.constant 16 : i32
          %mul3A_122 = arith.muli %scan3A_95, %mul3A_121 : i32
          %get3A_123 = arith.constant 4 : i32
          %get3A_124 = arith.index_cast %get3A_123 : i32 to index
          %get3A_125 = arith.index_cast %mul3A_122 : i32 to index
          %get3A_126 = tpu.vector_load %arg6[%get3A_124, %get3A_125] {strides = array<i32>} : memref<16x640xf32, #tpu.memory_space<vmem>>, vector<16xf32>,
          %add3A_127 = arith.addf %add3A_120, %get3A_126 : vector<16xf32>
          %mul3A_128 = arith.constant 16 : i32
          %mul3A_129 = arith.muli %scan3A_95, %mul3A_128 : i32
          %get3A_130 = arith.constant 5 : i32
          %get3A_131 = arith.index_cast %get3A_130 : i32 to index
          %get3A_132 = arith.index_cast %mul3A_129 : i32 to index
          %get3A_133 = tpu.vector_load %arg6[%get3A_131, %get3A_132] {strides = array<i32>} : memref<16x640xf32, #tpu.memory_space<vmem>>, vector<16xf32>,
          %add3A_134 = arith.addf %add3A_127, %get3A_133 : vector<16xf32>
          %mul3A_135 = arith.constant 16 : i32
          %mul3A_136 = arith.muli %scan3A_95, %mul3A_135 : i32
          %get3A_137 = arith.constant 6 : i32
          %get3A_138 = arith.index_cast %get3A_137 : i32 to index
          %get3A_139 = arith.index_cast %mul3A_136 : i32 to index
          %get3A_140 = tpu.vector_load %arg6[%get3A_138, %get3A_139] {strides = array<i32>} : memref<16x640xf32, #tpu.memory_space<vmem>>, vector<16xf32>,
          %add3A_141 = arith.addf %add3A_134, %get3A_140 : vector<16xf32>
          %mul3A_142 = arith.constant 16 : i32
          %mul3A_143 = arith.muli %scan3A_95, %mul3A_142 : i32
          %get3A_144 = arith.constant 7 : i32
          %get3A_145 = arith.index_cast %get3A_144 : i32 to index
          %get3A_146 = arith.index_cast %mul3A_143 : i32 to index
          %get3A_147 = tpu.vector_load %arg6[%get3A_145, %get3A_146] {strides = array<i32>} : memref<16x640xf32, #tpu.memory_space<vmem>>, vector<16xf32>,
          %add3A_148 = arith.addf %add3A_141, %get3A_147 : vector<16xf32>
          %mul3A_149 = arith.constant 16 : i32
          %mul3A_150 = arith.muli %scan3A_95, %mul3A_149 : i32
          %get3A_151 = arith.constant 8 : i32
          %get3A_152 = arith.index_cast %get3A_151 : i32 to index
          %get3A_153 = arith.index_cast %mul3A_150 : i32 to index
          %get3A_154 = tpu.vector_load %arg6[%get3A_152, %get3A_153] {strides = array<i32>} : memref<16x640xf32, #tpu.memory_space<vmem>>, vector<16xf32>,
          %add3A_155 = arith.addf %add3A_148, %get3A_154 : vector<16xf32>
          %mul3A_156 = arith.constant 16 : i32
          %mul3A_157 = arith.muli %scan3A_95, %mul3A_156 : i32
          %get3A_158 = arith.constant 9 : i32
          %get3A_159 = arith.index_cast %get3A_158 : i32 to index
          %get3A_160 = arith.index_cast %mul3A_157 : i32 to index
          %get3A_161 = tpu.vector_load %arg6[%get3A_159, %get3A_160] {strides = array<i32>} : memref<16x640xf32, #tpu.memory_space<vmem>>, vector<16xf32>,
          %add3A_162 = arith.addf %add3A_155, %get3A_161 : vector<16xf32>
          %mul3A_163 = arith.constant 16 : i32
          %mul3A_164 = arith.muli %scan3A_95, %mul3A_163 : i32
          %get3A_165 = arith.constant 10 : i32
          %get3A_166 = arith.index_cast %get3A_165 : i32 to index
          %get3A_167 = arith.index_cast %mul3A_164 : i32 to index
          %get3A_168 = tpu.vector_load %arg6[%get3A_166, %get3A_167] {strides = array<i32>} : memref<16x640xf32, #tpu.memory_space<vmem>>, vector<16xf32>,
          %add3A_169 = arith.addf %add3A_162, %get3A_168 : vector<16xf32>
          %mul3A_170 = arith.constant 16 : i32
          %mul3A_171 = arith.muli %scan3A_95, %mul3A_170 : i32
          %get3A_172 = arith.constant 11 : i32
          %get3A_173 = arith.index_cast %get3A_172 : i32 to index
          %get3A_174 = arith.index_cast %mul3A_171 : i32 to index
          %get3A_175 = tpu.vector_load %arg6[%get3A_173, %get3A_174] {strides = array<i32>} : memref<16x640xf32, #tpu.memory_space<vmem>>, vector<16xf32>,
          %add3A_176 = arith.addf %add3A_169, %get3A_175 : vector<16xf32>
          %mul3A_177 = arith.constant 16 : i32
          %mul3A_178 = arith.muli %scan3A_95, %mul3A_177 : i32
          %get3A_179 = arith.constant 12 : i32
          %get3A_180 = arith.index_cast %get3A_179 : i32 to index
          %get3A_181 = arith.index_cast %mul3A_178 : i32 to index
          %get3A_182 = tpu.vector_load %arg6[%get3A_180, %get3A_181] {strides = array<i32>} : memref<16x640xf32, #tpu.memory_space<vmem>>, vector<16xf32>,
          %add3A_183 = arith.addf %add3A_176, %get3A_182 : vector<16xf32>
          %mul3A_184 = arith.constant 16 : i32
          %mul3A_185 = arith.muli %scan3A_95, %mul3A_184 : i32
          %get3A_186 = arith.constant 13 : i32
          %get3A_187 = arith.index_cast %get3A_186 : i32 to index
          %get3A_188 = arith.index_cast %mul3A_185 : i32 to index
          %get3A_189 = tpu.vector_load %arg6[%get3A_187, %get3A_188] {strides = array<i32>} : memref<16x640xf32, #tpu.memory_space<vmem>>, vector<16xf32>,
          %add3A_190 = arith.addf %add3A_183, %get3A_189 : vector<16xf32>
          %mul3A_191 = arith.constant 16 : i32
          %mul3A_192 = arith.muli %scan3A_95, %mul3A_191 : i32
          %get3A_193 = arith.constant 14 : i32
          %get3A_194 = arith.index_cast %get3A_193 : i32 to index
          %get3A_195 = arith.index_cast %mul3A_192 : i32 to index
          %get3A_196 = tpu.vector_load %arg6[%get3A_194, %get3A_195] {strides = array<i32>} : memref<16x640xf32, #tpu.memory_space<vmem>>, vector<16xf32>,
          %add3A_197 = arith.addf %add3A_190, %get3A_196 : vector<16xf32>
          %mul3A_198 = arith.constant 16 : i32
          %mul3A_199 = arith.muli %scan3A_95, %mul3A_198 : i32
          %get3A_200 = arith.constant 15 : i32
          %get3A_201 = arith.index_cast %get3A_200 : i32 to index
          %get3A_202 = arith.index_cast %mul3A_199 : i32 to index
          %get3A_203 = tpu.vector_load %arg6[%get3A_201, %get3A_202] {strides = array<i32>} : memref<16x640xf32, #tpu.memory_space<vmem>>, vector<16xf32>,
          %add3A_204 = arith.addf %add3A_197, %get3A_203 : vector<16xf32>
          %mul3A_205 = arith.constant 16 : i32
          %mul3A_206 = arith.muli %scan3A_95, %mul3A_205 : i32
          %swap3A = arith.index_cast %mul3A_206 : i32 to index
          %swap3A_207 = tpu.vector_load %arg7[%swap3A] {strides = array<i32>} : memref<640xf32, #tpu.memory_space<vmem>>, vector<16xf32>,
          tpu.vector_store %arg7[%swap3A], %add3A_204 {strides = array<i32>} : memref<640xf32, #tpu.memory_space<vmem>>, vector<16xf32>,
        }
        %scan3A_92 = arith.constant 40 : i32
        %mul3A_93 = arith.constant 640 : i32
        %mul3A_94 = arith.muli %arg1, %mul3A_93 : i32
        "tpu.region"() ({
          %run_scoped3A_95 = tpu.sem_alloc : memref<!tpu.dma_semaphore, #tpu.memory_space<semaphore_mem>>
          %dma_start3A = arith.constant 0 : i32
          %dma_start3A_96 = tpu.memref_slice %arg7[%dma_start3A] : memref<640xf32, #tpu.memory_space<vmem>> -> memref<640xf32, #tpu.memory_space<vmem>>
          %dma_start3A_97 = tpu.memref_slice %arg3[%mul3A_94] : memref<10000xf32, #tpu.memory_space<hbm>> -> memref<640xf32, #tpu.memory_space<hbm>>
          %dma_start3A_98 = tpu.memref_slice %arg3[%mul3A_94] : memref<10000xf32, #tpu.memory_space<hbm>> -> memref<640xf32, #tpu.memory_space<hbm>>
          %dma_start3A_99 = arith.constant 0 : i32
          %dma_start3A_100 = tpu.memref_slice %arg7[%dma_start3A_99] : memref<640xf32, #tpu.memory_space<vmem>> -> memref<640xf32, #tpu.memory_space<vmem>>
          tpu.enqueue_dma source(%dma_start3A_100 : memref<640xf32, #tpu.memory_space<vmem>>) target(%dma_start3A_98 : memref<640xf32, #tpu.memory_space<hbm>>) target_semaphore(%run_scoped3A_95 : memref<!tpu.dma_semaphore, #tpu.memory_space<semaphore_mem>>)
          %dma_wait3A = arith.constant 0 : i32
          %dma_wait3A_101 = tpu.memref_slice %arg7[%dma_wait3A] : memref<640xf32, #tpu.memory_space<vmem>> -> memref<640xf32, #tpu.memory_space<vmem>>
          %dma_wait3A_102 = tpu.memref_slice %arg3[%mul3A_94] : memref<10000xf32, #tpu.memory_space<hbm>> -> memref<640xf32, #tpu.memory_space<hbm>>
          %dma_wait3A_103 = tpu.memref_slice %arg3[%mul3A_94] : memref<10000xf32, #tpu.memory_space<hbm>> -> memref<640xf32, #tpu.memory_space<hbm>>
          %dma_wait3A_104 = arith.constant 0 : i32
          %dma_wait3A_105 = tpu.memref_slice %arg7[%dma_wait3A_104] : memref<640xf32, #tpu.memory_space<vmem>> -> memref<640xf32, #tpu.memory_space<vmem>>
          tpu.wait_dma2 semaphore(%run_scoped3A_95 : memref<!tpu.dma_semaphore, #tpu.memory_space<semaphore_mem>>) src(%dma_wait3A_105 : memref<640xf32, #tpu.memory_space<vmem>>) dst(%dma_wait3A_103 : memref<640xf32, #tpu.memory_space<hbm>>)
          tpu.yield
        }) : () -> ()
      } else {
      }
      %eq3A_19 = arith.constant 15 : i32
      %eq3A_20 = arith.cmpi eq, %arg1, %eq3A_19 : i32
      %convert_element_type3A_21 = arith.extui %eq3A_20 : i1 to i32
      %cond3A_22 = arith.constant 0 : i32
      %cond3A_23 = arith.cmpi ne, %convert_element_type3A_21, %cond3A_22 : i32
      scf.if %cond3A_23 {
        %mul3A_24 = arith.constant 640 : i32
        %mul3A_25 = arith.muli %arg1, %mul3A_24 : i32
        %run_scoped3A = arith.constant 0 : i32
        %run_scoped3A_26 = arith.constant 0 : i32
        "tpu.region"() ({
          %run_scoped3A_95 = tpu.sem_alloc : memref<!tpu.dma_semaphore, #tpu.memory_space<semaphore_mem>>
          %dma_start3A = arith.constant 0 : i32
          %dma_start3A_96 = tpu.memref_slice %arg6[%run_scoped3A_26, %dma_start3A] : memref<16x640xf32, #tpu.memory_space<vmem>> -> memref<1x400xf32, #tpu.memory_space<vmem>>
          %dma_start3A_97 = tpu.memref_squeeze %dma_start3A_96 : memref<1x400xf32, #tpu.memory_space<vmem>> -> memref<400xf32, #tpu.memory_space<vmem>>
          %dma_start3A_98 = tpu.memref_slice %arg8[%run_scoped3A, %mul3A_25] : memref<16x10000xf32, #tpu.memory_space<vmem_shared>> -> memref<1x400xf32, #tpu.memory_space<vmem_shared>>
          %dma_start3A_99 = tpu.memref_squeeze %dma_start3A_98 : memref<1x400xf32, #tpu.memory_space<vmem_shared>> -> memref<400xf32, #tpu.memory_space<vmem_shared>>
          %dma_start3A_100 = arith.constant 0 : i32
          %dma_start3A_101 = tpu.memref_slice %arg6[%run_scoped3A_26, %dma_start3A_100] : memref<16x640xf32, #tpu.memory_space<vmem>> -> memref<1x400xf32, #tpu.memory_space<vmem>>
          %dma_start3A_102 = tpu.memref_squeeze %dma_start3A_101 : memref<1x400xf32, #tpu.memory_space<vmem>> -> memref<400xf32, #tpu.memory_space<vmem>>
          %dma_start3A_103 = tpu.memref_slice %arg8[%run_scoped3A, %mul3A_25] : memref<16x10000xf32, #tpu.memory_space<vmem_shared>> -> memref<1x400xf32, #tpu.memory_space<vmem_shared>>
          %dma_start3A_104 = tpu.memref_squeeze %dma_start3A_103 : memref<1x400xf32, #tpu.memory_space<vmem_shared>> -> memref<400xf32, #tpu.memory_space<vmem_shared>>
          tpu.enqueue_dma source(%dma_start3A_104 : memref<400xf32, #tpu.memory_space<vmem_shared>>) target(%dma_start3A_102 : memref<400xf32, #tpu.memory_space<vmem>>) target_semaphore(%run_scoped3A_95 : memref<!tpu.dma_semaphore, #tpu.memory_space<semaphore_mem>>)
          %dma_wait3A = arith.constant 0 : i32
          %dma_wait3A_105 = tpu.memref_slice %arg6[%run_scoped3A_26, %dma_wait3A] : memref<16x640xf32, #tpu.memory_space<vmem>> -> memref<1x400xf32, #tpu.memory_space<vmem>>
          %dma_wait3A_106 = tpu.memref_squeeze %dma_wait3A_105 : memref<1x400xf32, #tpu.memory_space<vmem>> -> memref<400xf32, #tpu.memory_space<vmem>>
          %dma_wait3A_107 = tpu.memref_slice %arg8[%run_scoped3A, %mul3A_25] : memref<16x10000xf32, #tpu.memory_space<vmem_shared>> -> memref<1x400xf32, #tpu.memory_space<vmem_shared>>
          %dma_wait3A_108 = tpu.memref_squeeze %dma_wait3A_107 : memref<1x400xf32, #tpu.memory_space<vmem_shared>> -> memref<400xf32, #tpu.memory_space<vmem_shared>>
          %dma_wait3A_109 = arith.constant 0 : i32
          %dma_wait3A_110 = tpu.memref_slice %arg6[%run_scoped3A_26, %dma_wait3A_109] : memref<16x640xf32, #tpu.memory_space<vmem>> -> memref<1x400xf32, #tpu.memory_space<vmem>>
          %dma_wait3A_111 = tpu.memref_squeeze %dma_wait3A_110 : memref<1x400xf32, #tpu.memory_space<vmem>> -> memref<400xf32, #tpu.memory_space<vmem>>
          %dma_wait3A_112 = tpu.memref_slice %arg8[%run_scoped3A, %mul3A_25] : memref<16x10000xf32, #tpu.memory_space<vmem_shared>> -> memref<1x400xf32, #tpu.memory_space<vmem_shared>>
          %dma_wait3A_113 = tpu.memref_squeeze %dma_wait3A_112 : memref<1x400xf32, #tpu.memory_space<vmem_shared>> -> memref<400xf32, #tpu.memory_space<vmem_shared>>
          tpu.wait_dma2 semaphore(%run_scoped3A_95 : memref<!tpu.dma_semaphore, #tpu.memory_space<semaphore_mem>>) src(%dma_wait3A_113 : memref<400xf32, #tpu.memory_space<vmem_shared>>) dst(%dma_wait3A_111 : memref<400xf32, #tpu.memory_space<vmem>>)
          tpu.yield
        }) : () -> ()
        %mul3A_27 = arith.constant 640 : i32
        %mul3A_28 = arith.muli %arg1, %mul3A_27 : i32
        %run_scoped3A_29 = arith.constant 1 : i32
        %run_scoped3A_30 = arith.constant 1 : i32
        "tpu.region"() ({
          %run_scoped3A_95 = tpu.sem_alloc : memref<!tpu.dma_semaphore, #tpu.memory_space<semaphore_mem>>
          %dma_start3A = arith.constant 0 : i32
          %dma_start3A_96 = tpu.memref_slice %arg6[%run_scoped3A_30, %dma_start3A] : memref<16x640xf32, #tpu.memory_space<vmem>> -> memref<1x400xf32, #tpu.memory_space<vmem>>
          %dma_start3A_97 = tpu.memref_squeeze %dma_start3A_96 : memref<1x400xf32, #tpu.memory_space<vmem>> -> memref<400xf32, #tpu.memory_space<vmem>>
          %dma_start3A_98 = tpu.memref_slice %arg8[%run_scoped3A_29, %mul3A_28] : memref<16x10000xf32, #tpu.memory_space<vmem_shared>> -> memref<1x400xf32, #tpu.memory_space<vmem_shared>>
          %dma_start3A_99 = tpu.memref_squeeze %dma_start3A_98 : memref<1x400xf32, #tpu.memory_space<vmem_shared>> -> memref<400xf32, #tpu.memory_space<vmem_shared>>
          %dma_start3A_100 = arith.constant 0 : i32
          %dma_start3A_101 = tpu.memref_slice %arg6[%run_scoped3A_30, %dma_start3A_100] : memref<16x640xf32, #tpu.memory_space<vmem>> -> memref<1x400xf32, #tpu.memory_space<vmem>>
          %dma_start3A_102 = tpu.memref_squeeze %dma_start3A_101 : memref<1x400xf32, #tpu.memory_space<vmem>> -> memref<400xf32, #tpu.memory_space<vmem>>
          %dma_start3A_103 = tpu.memref_slice %arg8[%run_scoped3A_29, %mul3A_28] : memref<16x10000xf32, #tpu.memory_space<vmem_shared>> -> memref<1x400xf32, #tpu.memory_space<vmem_shared>>
          %dma_start3A_104 = tpu.memref_squeeze %dma_start3A_103 : memref<1x400xf32, #tpu.memory_space<vmem_shared>> -> memref<400xf32, #tpu.memory_space<vmem_shared>>
          tpu.enqueue_dma source(%dma_start3A_104 : memref<400xf32, #tpu.memory_space<vmem_shared>>) target(%dma_start3A_102 : memref<400xf32, #tpu.memory_space<vmem>>) target_semaphore(%run_scoped3A_95 : memref<!tpu.dma_semaphore, #tpu.memory_space<semaphore_mem>>)
          %dma_wait3A = arith.constant 0 : i32
          %dma_wait3A_105 = tpu.memref_slice %arg6[%run_scoped3A_30, %dma_wait3A] : memref<16x640xf32, #tpu.memory_space<vmem>> -> memref<1x400xf32, #tpu.memory_space<vmem>>
          %dma_wait3A_106 = tpu.memref_squeeze %dma_wait3A_105 : memref<1x400xf32, #tpu.memory_space<vmem>> -> memref<400xf32, #tpu.memory_space<vmem>>
          %dma_wait3A_107 = tpu.memref_slice %arg8[%run_scoped3A_29, %mul3A_28] : memref<16x10000xf32, #tpu.memory_space<vmem_shared>> -> memref<1x400xf32, #tpu.memory_space<vmem_shared>>
          %dma_wait3A_108 = tpu.memref_squeeze %dma_wait3A_107 : memref<1x400xf32, #tpu.memory_space<vmem_shared>> -> memref<400xf32, #tpu.memory_space<vmem_shared>>
          %dma_wait3A_109 = arith.constant 0 : i32
          %dma_wait3A_110 = tpu.memref_slice %arg6[%run_scoped3A_30, %dma_wait3A_109] : memref<16x640xf32, #tpu.memory_space<vmem>> -> memref<1x400xf32, #tpu.memory_space<vmem>>
          %dma_wait3A_111 = tpu.memref_squeeze %dma_wait3A_110 : memref<1x400xf32, #tpu.memory_space<vmem>> -> memref<400xf32, #tpu.memory_space<vmem>>
          %dma_wait3A_112 = tpu.memref_slice %arg8[%run_scoped3A_29, %mul3A_28] : memref<16x10000xf32, #tpu.memory_space<vmem_shared>> -> memref<1x400xf32, #tpu.memory_space<vmem_shared>>
          %dma_wait3A_113 = tpu.memref_squeeze %dma_wait3A_112 : memref<1x400xf32, #tpu.memory_space<vmem_shared>> -> memref<400xf32, #tpu.memory_space<vmem_shared>>
          tpu.wait_dma2 semaphore(%run_scoped3A_95 : memref<!tpu.dma_semaphore, #tpu.memory_space<semaphore_mem>>) src(%dma_wait3A_113 : memref<400xf32, #tpu.memory_space<vmem_shared>>) dst(%dma_wait3A_111 : memref<400xf32, #tpu.memory_space<vmem>>)
          tpu.yield
        }) : () -> ()
        %mul3A_31 = arith.constant 640 : i32
        %mul3A_32 = arith.muli %arg1, %mul3A_31 : i32
        %run_scoped3A_33 = arith.constant 2 : i32
        %run_scoped3A_34 = arith.constant 2 : i32
        "tpu.region"() ({
          %run_scoped3A_95 = tpu.sem_alloc : memref<!tpu.dma_semaphore, #tpu.memory_space<semaphore_mem>>
          %dma_start3A = arith.constant 0 : i32
          %dma_start3A_96 = tpu.memref_slice %arg6[%run_scoped3A_34, %dma_start3A] : memref<16x640xf32, #tpu.memory_space<vmem>> -> memref<1x400xf32, #tpu.memory_space<vmem>>
          %dma_start3A_97 = tpu.memref_squeeze %dma_start3A_96 : memref<1x400xf32, #tpu.memory_space<vmem>> -> memref<400xf32, #tpu.memory_space<vmem>>
          %dma_start3A_98 = tpu.memref_slice %arg8[%run_scoped3A_33, %mul3A_32] : memref<16x10000xf32, #tpu.memory_space<vmem_shared>> -> memref<1x400xf32, #tpu.memory_space<vmem_shared>>
          %dma_start3A_99 = tpu.memref_squeeze %dma_start3A_98 : memref<1x400xf32, #tpu.memory_space<vmem_shared>> -> memref<400xf32, #tpu.memory_space<vmem_shared>>
          %dma_start3A_100 = arith.constant 0 : i32
          %dma_start3A_101 = tpu.memref_slice %arg6[%run_scoped3A_34, %dma_start3A_100] : memref<16x640xf32, #tpu.memory_space<vmem>> -> memref<1x400xf32, #tpu.memory_space<vmem>>
          %dma_start3A_102 = tpu.memref_squeeze %dma_start3A_101 : memref<1x400xf32, #tpu.memory_space<vmem>> -> memref<400xf32, #tpu.memory_space<vmem>>
          %dma_start3A_103 = tpu.memref_slice %arg8[%run_scoped3A_33, %mul3A_32] : memref<16x10000xf32, #tpu.memory_space<vmem_shared>> -> memref<1x400xf32, #tpu.memory_space<vmem_shared>>
          %dma_start3A_104 = tpu.memref_squeeze %dma_start3A_103 : memref<1x400xf32, #tpu.memory_space<vmem_shared>> -> memref<400xf32, #tpu.memory_space<vmem_shared>>
          tpu.enqueue_dma source(%dma_start3A_104 : memref<400xf32, #tpu.memory_space<vmem_shared>>) target(%dma_start3A_102 : memref<400xf32, #tpu.memory_space<vmem>>) target_semaphore(%run_scoped3A_95 : memref<!tpu.dma_semaphore, #tpu.memory_space<semaphore_mem>>)
          %dma_wait3A = arith.constant 0 : i32
          %dma_wait3A_105 = tpu.memref_slice %arg6[%run_scoped3A_34, %dma_wait3A] : memref<16x640xf32, #tpu.memory_space<vmem>> -> memref<1x400xf32, #tpu.memory_space<vmem>>
          %dma_wait3A_106 = tpu.memref_squeeze %dma_wait3A_105 : memref<1x400xf32, #tpu.memory_space<vmem>> -> memref<400xf32, #tpu.memory_space<vmem>>
          %dma_wait3A_107 = tpu.memref_slice %arg8[%run_scoped3A_33, %mul3A_32] : memref<16x10000xf32, #tpu.memory_space<vmem_shared>> -> memref<1x400xf32, #tpu.memory_space<vmem_shared>>
          %dma_wait3A_108 = tpu.memref_squeeze %dma_wait3A_107 : memref<1x400xf32, #tpu.memory_space<vmem_shared>> -> memref<400xf32, #tpu.memory_space<vmem_shared>>
          %dma_wait3A_109 = arith.constant 0 : i32
          %dma_wait3A_110 = tpu.memref_slice %arg6[%run_scoped3A_34, %dma_wait3A_109] : memref<16x640xf32, #tpu.memory_space<vmem>> -> memref<1x400xf32, #tpu.memory_space<vmem>>
          %dma_wait3A_111 = tpu.memref_squeeze %dma_wait3A_110 : memref<1x400xf32, #tpu.memory_space<vmem>> -> memref<400xf32, #tpu.memory_space<vmem>>
          %dma_wait3A_112 = tpu.memref_slice %arg8[%run_scoped3A_33, %mul3A_32] : memref<16x10000xf32, #tpu.memory_space<vmem_shared>> -> memref<1x400xf32, #tpu.memory_space<vmem_shared>>
          %dma_wait3A_113 = tpu.memref_squeeze %dma_wait3A_112 : memref<1x400xf32, #tpu.memory_space<vmem_shared>> -> memref<400xf32, #tpu.memory_space<vmem_shared>>
          tpu.wait_dma2 semaphore(%run_scoped3A_95 : memref<!tpu.dma_semaphore, #tpu.memory_space<semaphore_mem>>) src(%dma_wait3A_113 : memref<400xf32, #tpu.memory_space<vmem_shared>>) dst(%dma_wait3A_111 : memref<400xf32, #tpu.memory_space<vmem>>)
          tpu.yield
        }) : () -> ()
        %mul3A_35 = arith.constant 640 : i32
        %mul3A_36 = arith.muli %arg1, %mul3A_35 : i32
        %run_scoped3A_37 = arith.constant 3 : i32
        %run_scoped3A_38 = arith.constant 3 : i32
        "tpu.region"() ({
          %run_scoped3A_95 = tpu.sem_alloc : memref<!tpu.dma_semaphore, #tpu.memory_space<semaphore_mem>>
          %dma_start3A = arith.constant 0 : i32
          %dma_start3A_96 = tpu.memref_slice %arg6[%run_scoped3A_38, %dma_start3A] : memref<16x640xf32, #tpu.memory_space<vmem>> -> memref<1x400xf32, #tpu.memory_space<vmem>>
          %dma_start3A_97 = tpu.memref_squeeze %dma_start3A_96 : memref<1x400xf32, #tpu.memory_space<vmem>> -> memref<400xf32, #tpu.memory_space<vmem>>
          %dma_start3A_98 = tpu.memref_slice %arg8[%run_scoped3A_37, %mul3A_36] : memref<16x10000xf32, #tpu.memory_space<vmem_shared>> -> memref<1x400xf32, #tpu.memory_space<vmem_shared>>
          %dma_start3A_99 = tpu.memref_squeeze %dma_start3A_98 : memref<1x400xf32, #tpu.memory_space<vmem_shared>> -> memref<400xf32, #tpu.memory_space<vmem_shared>>
          %dma_start3A_100 = arith.constant 0 : i32
          %dma_start3A_101 = tpu.memref_slice %arg6[%run_scoped3A_38, %dma_start3A_100] : memref<16x640xf32, #tpu.memory_space<vmem>> -> memref<1x400xf32, #tpu.memory_space<vmem>>
          %dma_start3A_102 = tpu.memref_squeeze %dma_start3A_101 : memref<1x400xf32, #tpu.memory_space<vmem>> -> memref<400xf32, #tpu.memory_space<vmem>>
          %dma_start3A_103 = tpu.memref_slice %arg8[%run_scoped3A_37, %mul3A_36] : memref<16x10000xf32, #tpu.memory_space<vmem_shared>> -> memref<1x400xf32, #tpu.memory_space<vmem_shared>>
          %dma_start3A_104 = tpu.memref_squeeze %dma_start3A_103 : memref<1x400xf32, #tpu.memory_space<vmem_shared>> -> memref<400xf32, #tpu.memory_space<vmem_shared>>
          tpu.enqueue_dma source(%dma_start3A_104 : memref<400xf32, #tpu.memory_space<vmem_shared>>) target(%dma_start3A_102 : memref<400xf32, #tpu.memory_space<vmem>>) target_semaphore(%run_scoped3A_95 : memref<!tpu.dma_semaphore, #tpu.memory_space<semaphore_mem>>)
          %dma_wait3A = arith.constant 0 : i32
          %dma_wait3A_105 = tpu.memref_slice %arg6[%run_scoped3A_38, %dma_wait3A] : memref<16x640xf32, #tpu.memory_space<vmem>> -> memref<1x400xf32, #tpu.memory_space<vmem>>
          %dma_wait3A_106 = tpu.memref_squeeze %dma_wait3A_105 : memref<1x400xf32, #tpu.memory_space<vmem>> -> memref<400xf32, #tpu.memory_space<vmem>>
          %dma_wait3A_107 = tpu.memref_slice %arg8[%run_scoped3A_37, %mul3A_36] : memref<16x10000xf32, #tpu.memory_space<vmem_shared>> -> memref<1x400xf32, #tpu.memory_space<vmem_shared>>
          %dma_wait3A_108 = tpu.memref_squeeze %dma_wait3A_107 : memref<1x400xf32, #tpu.memory_space<vmem_shared>> -> memref<400xf32, #tpu.memory_space<vmem_shared>>
          %dma_wait3A_109 = arith.constant 0 : i32
          %dma_wait3A_110 = tpu.memref_slice %arg6[%run_scoped3A_38, %dma_wait3A_109] : memref<16x640xf32, #tpu.memory_space<vmem>> -> memref<1x400xf32, #tpu.memory_space<vmem>>
          %dma_wait3A_111 = tpu.memref_squeeze %dma_wait3A_110 : memref<1x400xf32, #tpu.memory_space<vmem>> -> memref<400xf32, #tpu.memory_space<vmem>>
          %dma_wait3A_112 = tpu.memref_slice %arg8[%run_scoped3A_37, %mul3A_36] : memref<16x10000xf32, #tpu.memory_space<vmem_shared>> -> memref<1x400xf32, #tpu.memory_space<vmem_shared>>
          %dma_wait3A_113 = tpu.memref_squeeze %dma_wait3A_112 : memref<1x400xf32, #tpu.memory_space<vmem_shared>> -> memref<400xf32, #tpu.memory_space<vmem_shared>>
          tpu.wait_dma2 semaphore(%run_scoped3A_95 : memref<!tpu.dma_semaphore, #tpu.memory_space<semaphore_mem>>) src(%dma_wait3A_113 : memref<400xf32, #tpu.memory_space<vmem_shared>>) dst(%dma_wait3A_111 : memref<400xf32, #tpu.memory_space<vmem>>)
          tpu.yield
        }) : () -> ()
        %mul3A_39 = arith.constant 640 : i32
        %mul3A_40 = arith.muli %arg1, %mul3A_39 : i32
        %run_scoped3A_41 = arith.constant 4 : i32
        %run_scoped3A_42 = arith.constant 4 : i32
        "tpu.region"() ({
          %run_scoped3A_95 = tpu.sem_alloc : memref<!tpu.dma_semaphore, #tpu.memory_space<semaphore_mem>>
          %dma_start3A = arith.constant 0 : i32
          %dma_start3A_96 = tpu.memref_slice %arg6[%run_scoped3A_42, %dma_start3A] : memref<16x640xf32, #tpu.memory_space<vmem>> -> memref<1x400xf32, #tpu.memory_space<vmem>>
          %dma_start3A_97 = tpu.memref_squeeze %dma_start3A_96 : memref<1x400xf32, #tpu.memory_space<vmem>> -> memref<400xf32, #tpu.memory_space<vmem>>
          %dma_start3A_98 = tpu.memref_slice %arg8[%run_scoped3A_41, %mul3A_40] : memref<16x10000xf32, #tpu.memory_space<vmem_shared>> -> memref<1x400xf32, #tpu.memory_space<vmem_shared>>
          %dma_start3A_99 = tpu.memref_squeeze %dma_start3A_98 : memref<1x400xf32, #tpu.memory_space<vmem_shared>> -> memref<400xf32, #tpu.memory_space<vmem_shared>>
          %dma_start3A_100 = arith.constant 0 : i32
          %dma_start3A_101 = tpu.memref_slice %arg6[%run_scoped3A_42, %dma_start3A_100] : memref<16x640xf32, #tpu.memory_space<vmem>> -> memref<1x400xf32, #tpu.memory_space<vmem>>
          %dma_start3A_102 = tpu.memref_squeeze %dma_start3A_101 : memref<1x400xf32, #tpu.memory_space<vmem>> -> memref<400xf32, #tpu.memory_space<vmem>>
          %dma_start3A_103 = tpu.memref_slice %arg8[%run_scoped3A_41, %mul3A_40] : memref<16x10000xf32, #tpu.memory_space<vmem_shared>> -> memref<1x400xf32, #tpu.memory_space<vmem_shared>>
          %dma_start3A_104 = tpu.memref_squeeze %dma_start3A_103 : memref<1x400xf32, #tpu.memory_space<vmem_shared>> -> memref<400xf32, #tpu.memory_space<vmem_shared>>
          tpu.enqueue_dma source(%dma_start3A_104 : memref<400xf32, #tpu.memory_space<vmem_shared>>) target(%dma_start3A_102 : memref<400xf32, #tpu.memory_space<vmem>>) target_semaphore(%run_scoped3A_95 : memref<!tpu.dma_semaphore, #tpu.memory_space<semaphore_mem>>)
          %dma_wait3A = arith.constant 0 : i32
          %dma_wait3A_105 = tpu.memref_slice %arg6[%run_scoped3A_42, %dma_wait3A] : memref<16x640xf32, #tpu.memory_space<vmem>> -> memref<1x400xf32, #tpu.memory_space<vmem>>
          %dma_wait3A_106 = tpu.memref_squeeze %dma_wait3A_105 : memref<1x400xf32, #tpu.memory_space<vmem>> -> memref<400xf32, #tpu.memory_space<vmem>>
          %dma_wait3A_107 = tpu.memref_slice %arg8[%run_scoped3A_41, %mul3A_40] : memref<16x10000xf32, #tpu.memory_space<vmem_shared>> -> memref<1x400xf32, #tpu.memory_space<vmem_shared>>
          %dma_wait3A_108 = tpu.memref_squeeze %dma_wait3A_107 : memref<1x400xf32, #tpu.memory_space<vmem_shared>> -> memref<400xf32, #tpu.memory_space<vmem_shared>>
          %dma_wait3A_109 = arith.constant 0 : i32
          %dma_wait3A_110 = tpu.memref_slice %arg6[%run_scoped3A_42, %dma_wait3A_109] : memref<16x640xf32, #tpu.memory_space<vmem>> -> memref<1x400xf32, #tpu.memory_space<vmem>>
          %dma_wait3A_111 = tpu.memref_squeeze %dma_wait3A_110 : memref<1x400xf32, #tpu.memory_space<vmem>> -> memref<400xf32, #tpu.memory_space<vmem>>
          %dma_wait3A_112 = tpu.memref_slice %arg8[%run_scoped3A_41, %mul3A_40] : memref<16x10000xf32, #tpu.memory_space<vmem_shared>> -> memref<1x400xf32, #tpu.memory_space<vmem_shared>>
          %dma_wait3A_113 = tpu.memref_squeeze %dma_wait3A_112 : memref<1x400xf32, #tpu.memory_space<vmem_shared>> -> memref<400xf32, #tpu.memory_space<vmem_shared>>
          tpu.wait_dma2 semaphore(%run_scoped3A_95 : memref<!tpu.dma_semaphore, #tpu.memory_space<semaphore_mem>>) src(%dma_wait3A_113 : memref<400xf32, #tpu.memory_space<vmem_shared>>) dst(%dma_wait3A_111 : memref<400xf32, #tpu.memory_space<vmem>>)
          tpu.yield
        }) : () -> ()
        %mul3A_43 = arith.constant 640 : i32
        %mul3A_44 = arith.muli %arg1, %mul3A_43 : i32
        %run_scoped3A_45 = arith.constant 5 : i32
        %run_scoped3A_46 = arith.constant 5 : i32
        "tpu.region"() ({
          %run_scoped3A_95 = tpu.sem_alloc : memref<!tpu.dma_semaphore, #tpu.memory_space<semaphore_mem>>
          %dma_start3A = arith.constant 0 : i32
          %dma_start3A_96 = tpu.memref_slice %arg6[%run_scoped3A_46, %dma_start3A] : memref<16x640xf32, #tpu.memory_space<vmem>> -> memref<1x400xf32, #tpu.memory_space<vmem>>
          %dma_start3A_97 = tpu.memref_squeeze %dma_start3A_96 : memref<1x400xf32, #tpu.memory_space<vmem>> -> memref<400xf32, #tpu.memory_space<vmem>>
          %dma_start3A_98 = tpu.memref_slice %arg8[%run_scoped3A_45, %mul3A_44] : memref<16x10000xf32, #tpu.memory_space<vmem_shared>> -> memref<1x400xf32, #tpu.memory_space<vmem_shared>>
          %dma_start3A_99 = tpu.memref_squeeze %dma_start3A_98 : memref<1x400xf32, #tpu.memory_space<vmem_shared>> -> memref<400xf32, #tpu.memory_space<vmem_shared>>
          %dma_start3A_100 = arith.constant 0 : i32
          %dma_start3A_101 = tpu.memref_slice %arg6[%run_scoped3A_46, %dma_start3A_100] : memref<16x640xf32, #tpu.memory_space<vmem>> -> memref<1x400xf32, #tpu.memory_space<vmem>>
          %dma_start3A_102 = tpu.memref_squeeze %dma_start3A_101 : memref<1x400xf32, #tpu.memory_space<vmem>> -> memref<400xf32, #tpu.memory_space<vmem>>
          %dma_start3A_103 = tpu.memref_slice %arg8[%run_scoped3A_45, %mul3A_44] : memref<16x10000xf32, #tpu.memory_space<vmem_shared>> -> memref<1x400xf32, #tpu.memory_space<vmem_shared>>
          %dma_start3A_104 = tpu.memref_squeeze %dma_start3A_103 : memref<1x400xf32, #tpu.memory_space<vmem_shared>> -> memref<400xf32, #tpu.memory_space<vmem_shared>>
          tpu.enqueue_dma source(%dma_start3A_104 : memref<400xf32, #tpu.memory_space<vmem_shared>>) target(%dma_start3A_102 : memref<400xf32, #tpu.memory_space<vmem>>) target_semaphore(%run_scoped3A_95 : memref<!tpu.dma_semaphore, #tpu.memory_space<semaphore_mem>>)
          %dma_wait3A = arith.constant 0 : i32
          %dma_wait3A_105 = tpu.memref_slice %arg6[%run_scoped3A_46, %dma_wait3A] : memref<16x640xf32, #tpu.memory_space<vmem>> -> memref<1x400xf32, #tpu.memory_space<vmem>>
          %dma_wait3A_106 = tpu.memref_squeeze %dma_wait3A_105 : memref<1x400xf32, #tpu.memory_space<vmem>> -> memref<400xf32, #tpu.memory_space<vmem>>
          %dma_wait3A_107 = tpu.memref_slice %arg8[%run_scoped3A_45, %mul3A_44] : memref<16x10000xf32, #tpu.memory_space<vmem_shared>> -> memref<1x400xf32, #tpu.memory_space<vmem_shared>>
          %dma_wait3A_108 = tpu.memref_squeeze %dma_wait3A_107 : memref<1x400xf32, #tpu.memory_space<vmem_shared>> -> memref<400xf32, #tpu.memory_space<vmem_shared>>
          %dma_wait3A_109 = arith.constant 0 : i32
          %dma_wait3A_110 = tpu.memref_slice %arg6[%run_scoped3A_46, %dma_wait3A_109] : memref<16x640xf32, #tpu.memory_space<vmem>> -> memref<1x400xf32, #tpu.memory_space<vmem>>
          %dma_wait3A_111 = tpu.memref_squeeze %dma_wait3A_110 : memref<1x400xf32, #tpu.memory_space<vmem>> -> memref<400xf32, #tpu.memory_space<vmem>>
          %dma_wait3A_112 = tpu.memref_slice %arg8[%run_scoped3A_45, %mul3A_44] : memref<16x10000xf32, #tpu.memory_space<vmem_shared>> -> memref<1x400xf32, #tpu.memory_space<vmem_shared>>
          %dma_wait3A_113 = tpu.memref_squeeze %dma_wait3A_112 : memref<1x400xf32, #tpu.memory_space<vmem_shared>> -> memref<400xf32, #tpu.memory_space<vmem_shared>>
          tpu.wait_dma2 semaphore(%run_scoped3A_95 : memref<!tpu.dma_semaphore, #tpu.memory_space<semaphore_mem>>) src(%dma_wait3A_113 : memref<400xf32, #tpu.memory_space<vmem_shared>>) dst(%dma_wait3A_111 : memref<400xf32, #tpu.memory_space<vmem>>)
          tpu.yield
        }) : () -> ()
        %mul3A_47 = arith.constant 640 : i32
        %mul3A_48 = arith.muli %arg1, %mul3A_47 : i32
        %run_scoped3A_49 = arith.constant 6 : i32
        %run_scoped3A_50 = arith.constant 6 : i32
        "tpu.region"() ({
          %run_scoped3A_95 = tpu.sem_alloc : memref<!tpu.dma_semaphore, #tpu.memory_space<semaphore_mem>>
          %dma_start3A = arith.constant 0 : i32
          %dma_start3A_96 = tpu.memref_slice %arg6[%run_scoped3A_50, %dma_start3A] : memref<16x640xf32, #tpu.memory_space<vmem>> -> memref<1x400xf32, #tpu.memory_space<vmem>>
          %dma_start3A_97 = tpu.memref_squeeze %dma_start3A_96 : memref<1x400xf32, #tpu.memory_space<vmem>> -> memref<400xf32, #tpu.memory_space<vmem>>
          %dma_start3A_98 = tpu.memref_slice %arg8[%run_scoped3A_49, %mul3A_48] : memref<16x10000xf32, #tpu.memory_space<vmem_shared>> -> memref<1x400xf32, #tpu.memory_space<vmem_shared>>
          %dma_start3A_99 = tpu.memref_squeeze %dma_start3A_98 : memref<1x400xf32, #tpu.memory_space<vmem_shared>> -> memref<400xf32, #tpu.memory_space<vmem_shared>>
          %dma_start3A_100 = arith.constant 0 : i32
          %dma_start3A_101 = tpu.memref_slice %arg6[%run_scoped3A_50, %dma_start3A_100] : memref<16x640xf32, #tpu.memory_space<vmem>> -> memref<1x400xf32, #tpu.memory_space<vmem>>
          %dma_start3A_102 = tpu.memref_squeeze %dma_start3A_101 : memref<1x400xf32, #tpu.memory_space<vmem>> -> memref<400xf32, #tpu.memory_space<vmem>>
          %dma_start3A_103 = tpu.memref_slice %arg8[%run_scoped3A_49, %mul3A_48] : memref<16x10000xf32, #tpu.memory_space<vmem_shared>> -> memref<1x400xf32, #tpu.memory_space<vmem_shared>>
          %dma_start3A_104 = tpu.memref_squeeze %dma_start3A_103 : memref<1x400xf32, #tpu.memory_space<vmem_shared>> -> memref<400xf32, #tpu.memory_space<vmem_shared>>
          tpu.enqueue_dma source(%dma_start3A_104 : memref<400xf32, #tpu.memory_space<vmem_shared>>) target(%dma_start3A_102 : memref<400xf32, #tpu.memory_space<vmem>>) target_semaphore(%run_scoped3A_95 : memref<!tpu.dma_semaphore, #tpu.memory_space<semaphore_mem>>)
          %dma_wait3A = arith.constant 0 : i32
          %dma_wait3A_105 = tpu.memref_slice %arg6[%run_scoped3A_50, %dma_wait3A] : memref<16x640xf32, #tpu.memory_space<vmem>> -> memref<1x400xf32, #tpu.memory_space<vmem>>
          %dma_wait3A_106 = tpu.memref_squeeze %dma_wait3A_105 : memref<1x400xf32, #tpu.memory_space<vmem>> -> memref<400xf32, #tpu.memory_space<vmem>>
          %dma_wait3A_107 = tpu.memref_slice %arg8[%run_scoped3A_49, %mul3A_48] : memref<16x10000xf32, #tpu.memory_space<vmem_shared>> -> memref<1x400xf32, #tpu.memory_space<vmem_shared>>
          %dma_wait3A_108 = tpu.memref_squeeze %dma_wait3A_107 : memref<1x400xf32, #tpu.memory_space<vmem_shared>> -> memref<400xf32, #tpu.memory_space<vmem_shared>>
          %dma_wait3A_109 = arith.constant 0 : i32
          %dma_wait3A_110 = tpu.memref_slice %arg6[%run_scoped3A_50, %dma_wait3A_109] : memref<16x640xf32, #tpu.memory_space<vmem>> -> memref<1x400xf32, #tpu.memory_space<vmem>>
          %dma_wait3A_111 = tpu.memref_squeeze %dma_wait3A_110 : memref<1x400xf32, #tpu.memory_space<vmem>> -> memref<400xf32, #tpu.memory_space<vmem>>
          %dma_wait3A_112 = tpu.memref_slice %arg8[%run_scoped3A_49, %mul3A_48] : memref<16x10000xf32, #tpu.memory_space<vmem_shared>> -> memref<1x400xf32, #tpu.memory_space<vmem_shared>>
          %dma_wait3A_113 = tpu.memref_squeeze %dma_wait3A_112 : memref<1x400xf32, #tpu.memory_space<vmem_shared>> -> memref<400xf32, #tpu.memory_space<vmem_shared>>
          tpu.wait_dma2 semaphore(%run_scoped3A_95 : memref<!tpu.dma_semaphore, #tpu.memory_space<semaphore_mem>>) src(%dma_wait3A_113 : memref<400xf32, #tpu.memory_space<vmem_shared>>) dst(%dma_wait3A_111 : memref<400xf32, #tpu.memory_space<vmem>>)
          tpu.yield
        }) : () -> ()
        %mul3A_51 = arith.constant 640 : i32
        %mul3A_52 = arith.muli %arg1, %mul3A_51 : i32
        %run_scoped3A_53 = arith.constant 7 : i32
        %run_scoped3A_54 = arith.constant 7 : i32
        "tpu.region"() ({
          %run_scoped3A_95 = tpu.sem_alloc : memref<!tpu.dma_semaphore, #tpu.memory_space<semaphore_mem>>
          %dma_start3A = arith.constant 0 : i32
          %dma_start3A_96 = tpu.memref_slice %arg6[%run_scoped3A_54, %dma_start3A] : memref<16x640xf32, #tpu.memory_space<vmem>> -> memref<1x400xf32, #tpu.memory_space<vmem>>
          %dma_start3A_97 = tpu.memref_squeeze %dma_start3A_96 : memref<1x400xf32, #tpu.memory_space<vmem>> -> memref<400xf32, #tpu.memory_space<vmem>>
          %dma_start3A_98 = tpu.memref_slice %arg8[%run_scoped3A_53, %mul3A_52] : memref<16x10000xf32, #tpu.memory_space<vmem_shared>> -> memref<1x400xf32, #tpu.memory_space<vmem_shared>>
          %dma_start3A_99 = tpu.memref_squeeze %dma_start3A_98 : memref<1x400xf32, #tpu.memory_space<vmem_shared>> -> memref<400xf32, #tpu.memory_space<vmem_shared>>
          %dma_start3A_100 = arith.constant 0 : i32
          %dma_start3A_101 = tpu.memref_slice %arg6[%run_scoped3A_54, %dma_start3A_100] : memref<16x640xf32, #tpu.memory_space<vmem>> -> memref<1x400xf32, #tpu.memory_space<vmem>>
          %dma_start3A_102 = tpu.memref_squeeze %dma_start3A_101 : memref<1x400xf32, #tpu.memory_space<vmem>> -> memref<400xf32, #tpu.memory_space<vmem>>
          %dma_start3A_103 = tpu.memref_slice %arg8[%run_scoped3A_53, %mul3A_52] : memref<16x10000xf32, #tpu.memory_space<vmem_shared>> -> memref<1x400xf32, #tpu.memory_space<vmem_shared>>
          %dma_start3A_104 = tpu.memref_squeeze %dma_start3A_103 : memref<1x400xf32, #tpu.memory_space<vmem_shared>> -> memref<400xf32, #tpu.memory_space<vmem_shared>>
          tpu.enqueue_dma source(%dma_start3A_104 : memref<400xf32, #tpu.memory_space<vmem_shared>>) target(%dma_start3A_102 : memref<400xf32, #tpu.memory_space<vmem>>) target_semaphore(%run_scoped3A_95 : memref<!tpu.dma_semaphore, #tpu.memory_space<semaphore_mem>>)
          %dma_wait3A = arith.constant 0 : i32
          %dma_wait3A_105 = tpu.memref_slice %arg6[%run_scoped3A_54, %dma_wait3A] : memref<16x640xf32, #tpu.memory_space<vmem>> -> memref<1x400xf32, #tpu.memory_space<vmem>>
          %dma_wait3A_106 = tpu.memref_squeeze %dma_wait3A_105 : memref<1x400xf32, #tpu.memory_space<vmem>> -> memref<400xf32, #tpu.memory_space<vmem>>
          %dma_wait3A_107 = tpu.memref_slice %arg8[%run_scoped3A_53, %mul3A_52] : memref<16x10000xf32, #tpu.memory_space<vmem_shared>> -> memref<1x400xf32, #tpu.memory_space<vmem_shared>>
          %dma_wait3A_108 = tpu.memref_squeeze %dma_wait3A_107 : memref<1x400xf32, #tpu.memory_space<vmem_shared>> -> memref<400xf32, #tpu.memory_space<vmem_shared>>
          %dma_wait3A_109 = arith.constant 0 : i32
          %dma_wait3A_110 = tpu.memref_slice %arg6[%run_scoped3A_54, %dma_wait3A_109] : memref<16x640xf32, #tpu.memory_space<vmem>> -> memref<1x400xf32, #tpu.memory_space<vmem>>
          %dma_wait3A_111 = tpu.memref_squeeze %dma_wait3A_110 : memref<1x400xf32, #tpu.memory_space<vmem>> -> memref<400xf32, #tpu.memory_space<vmem>>
          %dma_wait3A_112 = tpu.memref_slice %arg8[%run_scoped3A_53, %mul3A_52] : memref<16x10000xf32, #tpu.memory_space<vmem_shared>> -> memref<1x400xf32, #tpu.memory_space<vmem_shared>>
          %dma_wait3A_113 = tpu.memref_squeeze %dma_wait3A_112 : memref<1x400xf32, #tpu.memory_space<vmem_shared>> -> memref<400xf32, #tpu.memory_space<vmem_shared>>
          tpu.wait_dma2 semaphore(%run_scoped3A_95 : memref<!tpu.dma_semaphore, #tpu.memory_space<semaphore_mem>>) src(%dma_wait3A_113 : memref<400xf32, #tpu.memory_space<vmem_shared>>) dst(%dma_wait3A_111 : memref<400xf32, #tpu.memory_space<vmem>>)
          tpu.yield
        }) : () -> ()
        %mul3A_55 = arith.constant 640 : i32
        %mul3A_56 = arith.muli %arg1, %mul3A_55 : i32
        %run_scoped3A_57 = arith.constant 8 : i32
        %run_scoped3A_58 = arith.constant 8 : i32
        "tpu.region"() ({
          %run_scoped3A_95 = tpu.sem_alloc : memref<!tpu.dma_semaphore, #tpu.memory_space<semaphore_mem>>
          %dma_start3A = arith.constant 0 : i32
          %dma_start3A_96 = tpu.memref_slice %arg6[%run_scoped3A_58, %dma_start3A] : memref<16x640xf32, #tpu.memory_space<vmem>> -> memref<1x400xf32, #tpu.memory_space<vmem>>
          %dma_start3A_97 = tpu.memref_squeeze %dma_start3A_96 : memref<1x400xf32, #tpu.memory_space<vmem>> -> memref<400xf32, #tpu.memory_space<vmem>>
          %dma_start3A_98 = tpu.memref_slice %arg8[%run_scoped3A_57, %mul3A_56] : memref<16x10000xf32, #tpu.memory_space<vmem_shared>> -> memref<1x400xf32, #tpu.memory_space<vmem_shared>>
          %dma_start3A_99 = tpu.memref_squeeze %dma_start3A_98 : memref<1x400xf32, #tpu.memory_space<vmem_shared>> -> memref<400xf32, #tpu.memory_space<vmem_shared>>
          %dma_start3A_100 = arith.constant 0 : i32
          %dma_start3A_101 = tpu.memref_slice %arg6[%run_scoped3A_58, %dma_start3A_100] : memref<16x640xf32, #tpu.memory_space<vmem>> -> memref<1x400xf32, #tpu.memory_space<vmem>>
          %dma_start3A_102 = tpu.memref_squeeze %dma_start3A_101 : memref<1x400xf32, #tpu.memory_space<vmem>> -> memref<400xf32, #tpu.memory_space<vmem>>
          %dma_start3A_103 = tpu.memref_slice %arg8[%run_scoped3A_57, %mul3A_56] : memref<16x10000xf32, #tpu.memory_space<vmem_shared>> -> memref<1x400xf32, #tpu.memory_space<vmem_shared>>
          %dma_start3A_104 = tpu.memref_squeeze %dma_start3A_103 : memref<1x400xf32, #tpu.memory_space<vmem_shared>> -> memref<400xf32, #tpu.memory_space<vmem_shared>>
          tpu.enqueue_dma source(%dma_start3A_104 : memref<400xf32, #tpu.memory_space<vmem_shared>>) target(%dma_start3A_102 : memref<400xf32, #tpu.memory_space<vmem>>) target_semaphore(%run_scoped3A_95 : memref<!tpu.dma_semaphore, #tpu.memory_space<semaphore_mem>>)
          %dma_wait3A = arith.constant 0 : i32
          %dma_wait3A_105 = tpu.memref_slice %arg6[%run_scoped3A_58, %dma_wait3A] : memref<16x640xf32, #tpu.memory_space<vmem>> -> memref<1x400xf32, #tpu.memory_space<vmem>>
          %dma_wait3A_106 = tpu.memref_squeeze %dma_wait3A_105 : memref<1x400xf32, #tpu.memory_space<vmem>> -> memref<400xf32, #tpu.memory_space<vmem>>
          %dma_wait3A_107 = tpu.memref_slice %arg8[%run_scoped3A_57, %mul3A_56] : memref<16x10000xf32, #tpu.memory_space<vmem_shared>> -> memref<1x400xf32, #tpu.memory_space<vmem_shared>>
          %dma_wait3A_108 = tpu.memref_squeeze %dma_wait3A_107 : memref<1x400xf32, #tpu.memory_space<vmem_shared>> -> memref<400xf32, #tpu.memory_space<vmem_shared>>
          %dma_wait3A_109 = arith.constant 0 : i32
          %dma_wait3A_110 = tpu.memref_slice %arg6[%run_scoped3A_58, %dma_wait3A_109] : memref<16x640xf32, #tpu.memory_space<vmem>> -> memref<1x400xf32, #tpu.memory_space<vmem>>
          %dma_wait3A_111 = tpu.memref_squeeze %dma_wait3A_110 : memref<1x400xf32, #tpu.memory_space<vmem>> -> memref<400xf32, #tpu.memory_space<vmem>>
          %dma_wait3A_112 = tpu.memref_slice %arg8[%run_scoped3A_57, %mul3A_56] : memref<16x10000xf32, #tpu.memory_space<vmem_shared>> -> memref<1x400xf32, #tpu.memory_space<vmem_shared>>
          %dma_wait3A_113 = tpu.memref_squeeze %dma_wait3A_112 : memref<1x400xf32, #tpu.memory_space<vmem_shared>> -> memref<400xf32, #tpu.memory_space<vmem_shared>>
          tpu.wait_dma2 semaphore(%run_scoped3A_95 : memref<!tpu.dma_semaphore, #tpu.memory_space<semaphore_mem>>) src(%dma_wait3A_113 : memref<400xf32, #tpu.memory_space<vmem_shared>>) dst(%dma_wait3A_111 : memref<400xf32, #tpu.memory_space<vmem>>)
          tpu.yield
        }) : () -> ()
        %mul3A_59 = arith.constant 640 : i32
        %mul3A_60 = arith.muli %arg1, %mul3A_59 : i32
        %run_scoped3A_61 = arith.constant 9 : i32
        %run_scoped3A_62 = arith.constant 9 : i32
        "tpu.region"() ({
          %run_scoped3A_95 = tpu.sem_alloc : memref<!tpu.dma_semaphore, #tpu.memory_space<semaphore_mem>>
          %dma_start3A = arith.constant 0 : i32
          %dma_start3A_96 = tpu.memref_slice %arg6[%run_scoped3A_62, %dma_start3A] : memref<16x640xf32, #tpu.memory_space<vmem>> -> memref<1x400xf32, #tpu.memory_space<vmem>>
          %dma_start3A_97 = tpu.memref_squeeze %dma_start3A_96 : memref<1x400xf32, #tpu.memory_space<vmem>> -> memref<400xf32, #tpu.memory_space<vmem>>
          %dma_start3A_98 = tpu.memref_slice %arg8[%run_scoped3A_61, %mul3A_60] : memref<16x10000xf32, #tpu.memory_space<vmem_shared>> -> memref<1x400xf32, #tpu.memory_space<vmem_shared>>
          %dma_start3A_99 = tpu.memref_squeeze %dma_start3A_98 : memref<1x400xf32, #tpu.memory_space<vmem_shared>> -> memref<400xf32, #tpu.memory_space<vmem_shared>>
          %dma_start3A_100 = arith.constant 0 : i32
          %dma_start3A_101 = tpu.memref_slice %arg6[%run_scoped3A_62, %dma_start3A_100] : memref<16x640xf32, #tpu.memory_space<vmem>> -> memref<1x400xf32, #tpu.memory_space<vmem>>
          %dma_start3A_102 = tpu.memref_squeeze %dma_start3A_101 : memref<1x400xf32, #tpu.memory_space<vmem>> -> memref<400xf32, #tpu.memory_space<vmem>>
          %dma_start3A_103 = tpu.memref_slice %arg8[%run_scoped3A_61, %mul3A_60] : memref<16x10000xf32, #tpu.memory_space<vmem_shared>> -> memref<1x400xf32, #tpu.memory_space<vmem_shared>>
          %dma_start3A_104 = tpu.memref_squeeze %dma_start3A_103 : memref<1x400xf32, #tpu.memory_space<vmem_shared>> -> memref<400xf32, #tpu.memory_space<vmem_shared>>
          tpu.enqueue_dma source(%dma_start3A_104 : memref<400xf32, #tpu.memory_space<vmem_shared>>) target(%dma_start3A_102 : memref<400xf32, #tpu.memory_space<vmem>>) target_semaphore(%run_scoped3A_95 : memref<!tpu.dma_semaphore, #tpu.memory_space<semaphore_mem>>)
          %dma_wait3A = arith.constant 0 : i32
          %dma_wait3A_105 = tpu.memref_slice %arg6[%run_scoped3A_62, %dma_wait3A] : memref<16x640xf32, #tpu.memory_space<vmem>> -> memref<1x400xf32, #tpu.memory_space<vmem>>
          %dma_wait3A_106 = tpu.memref_squeeze %dma_wait3A_105 : memref<1x400xf32, #tpu.memory_space<vmem>> -> memref<400xf32, #tpu.memory_space<vmem>>
          %dma_wait3A_107 = tpu.memref_slice %arg8[%run_scoped3A_61, %mul3A_60] : memref<16x10000xf32, #tpu.memory_space<vmem_shared>> -> memref<1x400xf32, #tpu.memory_space<vmem_shared>>
          %dma_wait3A_108 = tpu.memref_squeeze %dma_wait3A_107 : memref<1x400xf32, #tpu.memory_space<vmem_shared>> -> memref<400xf32, #tpu.memory_space<vmem_shared>>
          %dma_wait3A_109 = arith.constant 0 : i32
          %dma_wait3A_110 = tpu.memref_slice %arg6[%run_scoped3A_62, %dma_wait3A_109] : memref<16x640xf32, #tpu.memory_space<vmem>> -> memref<1x400xf32, #tpu.memory_space<vmem>>
          %dma_wait3A_111 = tpu.memref_squeeze %dma_wait3A_110 : memref<1x400xf32, #tpu.memory_space<vmem>> -> memref<400xf32, #tpu.memory_space<vmem>>
          %dma_wait3A_112 = tpu.memref_slice %arg8[%run_scoped3A_61, %mul3A_60] : memref<16x10000xf32, #tpu.memory_space<vmem_shared>> -> memref<1x400xf32, #tpu.memory_space<vmem_shared>>
          %dma_wait3A_113 = tpu.memref_squeeze %dma_wait3A_112 : memref<1x400xf32, #tpu.memory_space<vmem_shared>> -> memref<400xf32, #tpu.memory_space<vmem_shared>>
          tpu.wait_dma2 semaphore(%run_scoped3A_95 : memref<!tpu.dma_semaphore, #tpu.memory_space<semaphore_mem>>) src(%dma_wait3A_113 : memref<400xf32, #tpu.memory_space<vmem_shared>>) dst(%dma_wait3A_111 : memref<400xf32, #tpu.memory_space<vmem>>)
          tpu.yield
        }) : () -> ()
        %mul3A_63 = arith.constant 640 : i32
        %mul3A_64 = arith.muli %arg1, %mul3A_63 : i32
        %run_scoped3A_65 = arith.constant 10 : i32
        %run_scoped3A_66 = arith.constant 10 : i32
        "tpu.region"() ({
          %run_scoped3A_95 = tpu.sem_alloc : memref<!tpu.dma_semaphore, #tpu.memory_space<semaphore_mem>>
          %dma_start3A = arith.constant 0 : i32
          %dma_start3A_96 = tpu.memref_slice %arg6[%run_scoped3A_66, %dma_start3A] : memref<16x640xf32, #tpu.memory_space<vmem>> -> memref<1x400xf32, #tpu.memory_space<vmem>>
          %dma_start3A_97 = tpu.memref_squeeze %dma_start3A_96 : memref<1x400xf32, #tpu.memory_space<vmem>> -> memref<400xf32, #tpu.memory_space<vmem>>
          %dma_start3A_98 = tpu.memref_slice %arg8[%run_scoped3A_65, %mul3A_64] : memref<16x10000xf32, #tpu.memory_space<vmem_shared>> -> memref<1x400xf32, #tpu.memory_space<vmem_shared>>
          %dma_start3A_99 = tpu.memref_squeeze %dma_start3A_98 : memref<1x400xf32, #tpu.memory_space<vmem_shared>> -> memref<400xf32, #tpu.memory_space<vmem_shared>>
          %dma_start3A_100 = arith.constant 0 : i32
          %dma_start3A_101 = tpu.memref_slice %arg6[%run_scoped3A_66, %dma_start3A_100] : memref<16x640xf32, #tpu.memory_space<vmem>> -> memref<1x400xf32, #tpu.memory_space<vmem>>
          %dma_start3A_102 = tpu.memref_squeeze %dma_start3A_101 : memref<1x400xf32, #tpu.memory_space<vmem>> -> memref<400xf32, #tpu.memory_space<vmem>>
          %dma_start3A_103 = tpu.memref_slice %arg8[%run_scoped3A_65, %mul3A_64] : memref<16x10000xf32, #tpu.memory_space<vmem_shared>> -> memref<1x400xf32, #tpu.memory_space<vmem_shared>>
          %dma_start3A_104 = tpu.memref_squeeze %dma_start3A_103 : memref<1x400xf32, #tpu.memory_space<vmem_shared>> -> memref<400xf32, #tpu.memory_space<vmem_shared>>
          tpu.enqueue_dma source(%dma_start3A_104 : memref<400xf32, #tpu.memory_space<vmem_shared>>) target(%dma_start3A_102 : memref<400xf32, #tpu.memory_space<vmem>>) target_semaphore(%run_scoped3A_95 : memref<!tpu.dma_semaphore, #tpu.memory_space<semaphore_mem>>)
          %dma_wait3A = arith.constant 0 : i32
          %dma_wait3A_105 = tpu.memref_slice %arg6[%run_scoped3A_66, %dma_wait3A] : memref<16x640xf32, #tpu.memory_space<vmem>> -> memref<1x400xf32, #tpu.memory_space<vmem>>
          %dma_wait3A_106 = tpu.memref_squeeze %dma_wait3A_105 : memref<1x400xf32, #tpu.memory_space<vmem>> -> memref<400xf32, #tpu.memory_space<vmem>>
          %dma_wait3A_107 = tpu.memref_slice %arg8[%run_scoped3A_65, %mul3A_64] : memref<16x10000xf32, #tpu.memory_space<vmem_shared>> -> memref<1x400xf32, #tpu.memory_space<vmem_shared>>
          %dma_wait3A_108 = tpu.memref_squeeze %dma_wait3A_107 : memref<1x400xf32, #tpu.memory_space<vmem_shared>> -> memref<400xf32, #tpu.memory_space<vmem_shared>>
          %dma_wait3A_109 = arith.constant 0 : i32
          %dma_wait3A_110 = tpu.memref_slice %arg6[%run_scoped3A_66, %dma_wait3A_109] : memref<16x640xf32, #tpu.memory_space<vmem>> -> memref<1x400xf32, #tpu.memory_space<vmem>>
          %dma_wait3A_111 = tpu.memref_squeeze %dma_wait3A_110 : memref<1x400xf32, #tpu.memory_space<vmem>> -> memref<400xf32, #tpu.memory_space<vmem>>
          %dma_wait3A_112 = tpu.memref_slice %arg8[%run_scoped3A_65, %mul3A_64] : memref<16x10000xf32, #tpu.memory_space<vmem_shared>> -> memref<1x400xf32, #tpu.memory_space<vmem_shared>>
          %dma_wait3A_113 = tpu.memref_squeeze %dma_wait3A_112 : memref<1x400xf32, #tpu.memory_space<vmem_shared>> -> memref<400xf32, #tpu.memory_space<vmem_shared>>
          tpu.wait_dma2 semaphore(%run_scoped3A_95 : memref<!tpu.dma_semaphore, #tpu.memory_space<semaphore_mem>>) src(%dma_wait3A_113 : memref<400xf32, #tpu.memory_space<vmem_shared>>) dst(%dma_wait3A_111 : memref<400xf32, #tpu.memory_space<vmem>>)
          tpu.yield
        }) : () -> ()
        %mul3A_67 = arith.constant 640 : i32
        %mul3A_68 = arith.muli %arg1, %mul3A_67 : i32
        %run_scoped3A_69 = arith.constant 11 : i32
        %run_scoped3A_70 = arith.constant 11 : i32
        "tpu.region"() ({
          %run_scoped3A_95 = tpu.sem_alloc : memref<!tpu.dma_semaphore, #tpu.memory_space<semaphore_mem>>
          %dma_start3A = arith.constant 0 : i32
          %dma_start3A_96 = tpu.memref_slice %arg6[%run_scoped3A_70, %dma_start3A] : memref<16x640xf32, #tpu.memory_space<vmem>> -> memref<1x400xf32, #tpu.memory_space<vmem>>
          %dma_start3A_97 = tpu.memref_squeeze %dma_start3A_96 : memref<1x400xf32, #tpu.memory_space<vmem>> -> memref<400xf32, #tpu.memory_space<vmem>>
          %dma_start3A_98 = tpu.memref_slice %arg8[%run_scoped3A_69, %mul3A_68] : memref<16x10000xf32, #tpu.memory_space<vmem_shared>> -> memref<1x400xf32, #tpu.memory_space<vmem_shared>>
          %dma_start3A_99 = tpu.memref_squeeze %dma_start3A_98 : memref<1x400xf32, #tpu.memory_space<vmem_shared>> -> memref<400xf32, #tpu.memory_space<vmem_shared>>
          %dma_start3A_100 = arith.constant 0 : i32
          %dma_start3A_101 = tpu.memref_slice %arg6[%run_scoped3A_70, %dma_start3A_100] : memref<16x640xf32, #tpu.memory_space<vmem>> -> memref<1x400xf32, #tpu.memory_space<vmem>>
          %dma_start3A_102 = tpu.memref_squeeze %dma_start3A_101 : memref<1x400xf32, #tpu.memory_space<vmem>> -> memref<400xf32, #tpu.memory_space<vmem>>
          %dma_start3A_103 = tpu.memref_slice %arg8[%run_scoped3A_69, %mul3A_68] : memref<16x10000xf32, #tpu.memory_space<vmem_shared>> -> memref<1x400xf32, #tpu.memory_space<vmem_shared>>
          %dma_start3A_104 = tpu.memref_squeeze %dma_start3A_103 : memref<1x400xf32, #tpu.memory_space<vmem_shared>> -> memref<400xf32, #tpu.memory_space<vmem_shared>>
          tpu.enqueue_dma source(%dma_start3A_104 : memref<400xf32, #tpu.memory_space<vmem_shared>>) target(%dma_start3A_102 : memref<400xf32, #tpu.memory_space<vmem>>) target_semaphore(%run_scoped3A_95 : memref<!tpu.dma_semaphore, #tpu.memory_space<semaphore_mem>>)
          %dma_wait3A = arith.constant 0 : i32
          %dma_wait3A_105 = tpu.memref_slice %arg6[%run_scoped3A_70, %dma_wait3A] : memref<16x640xf32, #tpu.memory_space<vmem>> -> memref<1x400xf32, #tpu.memory_space<vmem>>
          %dma_wait3A_106 = tpu.memref_squeeze %dma_wait3A_105 : memref<1x400xf32, #tpu.memory_space<vmem>> -> memref<400xf32, #tpu.memory_space<vmem>>
          %dma_wait3A_107 = tpu.memref_slice %arg8[%run_scoped3A_69, %mul3A_68] : memref<16x10000xf32, #tpu.memory_space<vmem_shared>> -> memref<1x400xf32, #tpu.memory_space<vmem_shared>>
          %dma_wait3A_108 = tpu.memref_squeeze %dma_wait3A_107 : memref<1x400xf32, #tpu.memory_space<vmem_shared>> -> memref<400xf32, #tpu.memory_space<vmem_shared>>
          %dma_wait3A_109 = arith.constant 0 : i32
          %dma_wait3A_110 = tpu.memref_slice %arg6[%run_scoped3A_70, %dma_wait3A_109] : memref<16x640xf32, #tpu.memory_space<vmem>> -> memref<1x400xf32, #tpu.memory_space<vmem>>
          %dma_wait3A_111 = tpu.memref_squeeze %dma_wait3A_110 : memref<1x400xf32, #tpu.memory_space<vmem>> -> memref<400xf32, #tpu.memory_space<vmem>>
          %dma_wait3A_112 = tpu.memref_slice %arg8[%run_scoped3A_69, %mul3A_68] : memref<16x10000xf32, #tpu.memory_space<vmem_shared>> -> memref<1x400xf32, #tpu.memory_space<vmem_shared>>
          %dma_wait3A_113 = tpu.memref_squeeze %dma_wait3A_112 : memref<1x400xf32, #tpu.memory_space<vmem_shared>> -> memref<400xf32, #tpu.memory_space<vmem_shared>>
          tpu.wait_dma2 semaphore(%run_scoped3A_95 : memref<!tpu.dma_semaphore, #tpu.memory_space<semaphore_mem>>) src(%dma_wait3A_113 : memref<400xf32, #tpu.memory_space<vmem_shared>>) dst(%dma_wait3A_111 : memref<400xf32, #tpu.memory_space<vmem>>)
          tpu.yield
        }) : () -> ()
        %mul3A_71 = arith.constant 640 : i32
        %mul3A_72 = arith.muli %arg1, %mul3A_71 : i32
        %run_scoped3A_73 = arith.constant 12 : i32
        %run_scoped3A_74 = arith.constant 12 : i32
        "tpu.region"() ({
          %run_scoped3A_95 = tpu.sem_alloc : memref<!tpu.dma_semaphore, #tpu.memory_space<semaphore_mem>>
          %dma_start3A = arith.constant 0 : i32
          %dma_start3A_96 = tpu.memref_slice %arg6[%run_scoped3A_74, %dma_start3A] : memref<16x640xf32, #tpu.memory_space<vmem>> -> memref<1x400xf32, #tpu.memory_space<vmem>>
          %dma_start3A_97 = tpu.memref_squeeze %dma_start3A_96 : memref<1x400xf32, #tpu.memory_space<vmem>> -> memref<400xf32, #tpu.memory_space<vmem>>
          %dma_start3A_98 = tpu.memref_slice %arg8[%run_scoped3A_73, %mul3A_72] : memref<16x10000xf32, #tpu.memory_space<vmem_shared>> -> memref<1x400xf32, #tpu.memory_space<vmem_shared>>
          %dma_start3A_99 = tpu.memref_squeeze %dma_start3A_98 : memref<1x400xf32, #tpu.memory_space<vmem_shared>> -> memref<400xf32, #tpu.memory_space<vmem_shared>>
          %dma_start3A_100 = arith.constant 0 : i32
          %dma_start3A_101 = tpu.memref_slice %arg6[%run_scoped3A_74, %dma_start3A_100] : memref<16x640xf32, #tpu.memory_space<vmem>> -> memref<1x400xf32, #tpu.memory_space<vmem>>
          %dma_start3A_102 = tpu.memref_squeeze %dma_start3A_101 : memref<1x400xf32, #tpu.memory_space<vmem>> -> memref<400xf32, #tpu.memory_space<vmem>>
          %dma_start3A_103 = tpu.memref_slice %arg8[%run_scoped3A_73, %mul3A_72] : memref<16x10000xf32, #tpu.memory_space<vmem_shared>> -> memref<1x400xf32, #tpu.memory_space<vmem_shared>>
          %dma_start3A_104 = tpu.memref_squeeze %dma_start3A_103 : memref<1x400xf32, #tpu.memory_space<vmem_shared>> -> memref<400xf32, #tpu.memory_space<vmem_shared>>
          tpu.enqueue_dma source(%dma_start3A_104 : memref<400xf32, #tpu.memory_space<vmem_shared>>) target(%dma_start3A_102 : memref<400xf32, #tpu.memory_space<vmem>>) target_semaphore(%run_scoped3A_95 : memref<!tpu.dma_semaphore, #tpu.memory_space<semaphore_mem>>)
          %dma_wait3A = arith.constant 0 : i32
          %dma_wait3A_105 = tpu.memref_slice %arg6[%run_scoped3A_74, %dma_wait3A] : memref<16x640xf32, #tpu.memory_space<vmem>> -> memref<1x400xf32, #tpu.memory_space<vmem>>
          %dma_wait3A_106 = tpu.memref_squeeze %dma_wait3A_105 : memref<1x400xf32, #tpu.memory_space<vmem>> -> memref<400xf32, #tpu.memory_space<vmem>>
          %dma_wait3A_107 = tpu.memref_slice %arg8[%run_scoped3A_73, %mul3A_72] : memref<16x10000xf32, #tpu.memory_space<vmem_shared>> -> memref<1x400xf32, #tpu.memory_space<vmem_shared>>
          %dma_wait3A_108 = tpu.memref_squeeze %dma_wait3A_107 : memref<1x400xf32, #tpu.memory_space<vmem_shared>> -> memref<400xf32, #tpu.memory_space<vmem_shared>>
          %dma_wait3A_109 = arith.constant 0 : i32
          %dma_wait3A_110 = tpu.memref_slice %arg6[%run_scoped3A_74, %dma_wait3A_109] : memref<16x640xf32, #tpu.memory_space<vmem>> -> memref<1x400xf32, #tpu.memory_space<vmem>>
          %dma_wait3A_111 = tpu.memref_squeeze %dma_wait3A_110 : memref<1x400xf32, #tpu.memory_space<vmem>> -> memref<400xf32, #tpu.memory_space<vmem>>
          %dma_wait3A_112 = tpu.memref_slice %arg8[%run_scoped3A_73, %mul3A_72] : memref<16x10000xf32, #tpu.memory_space<vmem_shared>> -> memref<1x400xf32, #tpu.memory_space<vmem_shared>>
          %dma_wait3A_113 = tpu.memref_squeeze %dma_wait3A_112 : memref<1x400xf32, #tpu.memory_space<vmem_shared>> -> memref<400xf32, #tpu.memory_space<vmem_shared>>
          tpu.wait_dma2 semaphore(%run_scoped3A_95 : memref<!tpu.dma_semaphore, #tpu.memory_space<semaphore_mem>>) src(%dma_wait3A_113 : memref<400xf32, #tpu.memory_space<vmem_shared>>) dst(%dma_wait3A_111 : memref<400xf32, #tpu.memory_space<vmem>>)
          tpu.yield
        }) : () -> ()
        %mul3A_75 = arith.constant 640 : i32
        %mul3A_76 = arith.muli %arg1, %mul3A_75 : i32
        %run_scoped3A_77 = arith.constant 13 : i32
        %run_scoped3A_78 = arith.constant 13 : i32
        "tpu.region"() ({
          %run_scoped3A_95 = tpu.sem_alloc : memref<!tpu.dma_semaphore, #tpu.memory_space<semaphore_mem>>
          %dma_start3A = arith.constant 0 : i32
          %dma_start3A_96 = tpu.memref_slice %arg6[%run_scoped3A_78, %dma_start3A] : memref<16x640xf32, #tpu.memory_space<vmem>> -> memref<1x400xf32, #tpu.memory_space<vmem>>
          %dma_start3A_97 = tpu.memref_squeeze %dma_start3A_96 : memref<1x400xf32, #tpu.memory_space<vmem>> -> memref<400xf32, #tpu.memory_space<vmem>>
          %dma_start3A_98 = tpu.memref_slice %arg8[%run_scoped3A_77, %mul3A_76] : memref<16x10000xf32, #tpu.memory_space<vmem_shared>> -> memref<1x400xf32, #tpu.memory_space<vmem_shared>>
          %dma_start3A_99 = tpu.memref_squeeze %dma_start3A_98 : memref<1x400xf32, #tpu.memory_space<vmem_shared>> -> memref<400xf32, #tpu.memory_space<vmem_shared>>
          %dma_start3A_100 = arith.constant 0 : i32
          %dma_start3A_101 = tpu.memref_slice %arg6[%run_scoped3A_78, %dma_start3A_100] : memref<16x640xf32, #tpu.memory_space<vmem>> -> memref<1x400xf32, #tpu.memory_space<vmem>>
          %dma_start3A_102 = tpu.memref_squeeze %dma_start3A_101 : memref<1x400xf32, #tpu.memory_space<vmem>> -> memref<400xf32, #tpu.memory_space<vmem>>
          %dma_start3A_103 = tpu.memref_slice %arg8[%run_scoped3A_77, %mul3A_76] : memref<16x10000xf32, #tpu.memory_space<vmem_shared>> -> memref<1x400xf32, #tpu.memory_space<vmem_shared>>
          %dma_start3A_104 = tpu.memref_squeeze %dma_start3A_103 : memref<1x400xf32, #tpu.memory_space<vmem_shared>> -> memref<400xf32, #tpu.memory_space<vmem_shared>>
          tpu.enqueue_dma source(%dma_start3A_104 : memref<400xf32, #tpu.memory_space<vmem_shared>>) target(%dma_start3A_102 : memref<400xf32, #tpu.memory_space<vmem>>) target_semaphore(%run_scoped3A_95 : memref<!tpu.dma_semaphore, #tpu.memory_space<semaphore_mem>>)
          %dma_wait3A = arith.constant 0 : i32
          %dma_wait3A_105 = tpu.memref_slice %arg6[%run_scoped3A_78, %dma_wait3A] : memref<16x640xf32, #tpu.memory_space<vmem>> -> memref<1x400xf32, #tpu.memory_space<vmem>>
          %dma_wait3A_106 = tpu.memref_squeeze %dma_wait3A_105 : memref<1x400xf32, #tpu.memory_space<vmem>> -> memref<400xf32, #tpu.memory_space<vmem>>
          %dma_wait3A_107 = tpu.memref_slice %arg8[%run_scoped3A_77, %mul3A_76] : memref<16x10000xf32, #tpu.memory_space<vmem_shared>> -> memref<1x400xf32, #tpu.memory_space<vmem_shared>>
          %dma_wait3A_108 = tpu.memref_squeeze %dma_wait3A_107 : memref<1x400xf32, #tpu.memory_space<vmem_shared>> -> memref<400xf32, #tpu.memory_space<vmem_shared>>
          %dma_wait3A_109 = arith.constant 0 : i32
          %dma_wait3A_110 = tpu.memref_slice %arg6[%run_scoped3A_78, %dma_wait3A_109] : memref<16x640xf32, #tpu.memory_space<vmem>> -> memref<1x400xf32, #tpu.memory_space<vmem>>
          %dma_wait3A_111 = tpu.memref_squeeze %dma_wait3A_110 : memref<1x400xf32, #tpu.memory_space<vmem>> -> memref<400xf32, #tpu.memory_space<vmem>>
          %dma_wait3A_112 = tpu.memref_slice %arg8[%run_scoped3A_77, %mul3A_76] : memref<16x10000xf32, #tpu.memory_space<vmem_shared>> -> memref<1x400xf32, #tpu.memory_space<vmem_shared>>
          %dma_wait3A_113 = tpu.memref_squeeze %dma_wait3A_112 : memref<1x400xf32, #tpu.memory_space<vmem_shared>> -> memref<400xf32, #tpu.memory_space<vmem_shared>>
          tpu.wait_dma2 semaphore(%run_scoped3A_95 : memref<!tpu.dma_semaphore, #tpu.memory_space<semaphore_mem>>) src(%dma_wait3A_113 : memref<400xf32, #tpu.memory_space<vmem_shared>>) dst(%dma_wait3A_111 : memref<400xf32, #tpu.memory_space<vmem>>)
          tpu.yield
        }) : () -> ()
        %mul3A_79 = arith.constant 640 : i32
        %mul3A_80 = arith.muli %arg1, %mul3A_79 : i32
        %run_scoped3A_81 = arith.constant 14 : i32
        %run_scoped3A_82 = arith.constant 14 : i32
        "tpu.region"() ({
          %run_scoped3A_95 = tpu.sem_alloc : memref<!tpu.dma_semaphore, #tpu.memory_space<semaphore_mem>>
          %dma_start3A = arith.constant 0 : i32
          %dma_start3A_96 = tpu.memref_slice %arg6[%run_scoped3A_82, %dma_start3A] : memref<16x640xf32, #tpu.memory_space<vmem>> -> memref<1x400xf32, #tpu.memory_space<vmem>>
          %dma_start3A_97 = tpu.memref_squeeze %dma_start3A_96 : memref<1x400xf32, #tpu.memory_space<vmem>> -> memref<400xf32, #tpu.memory_space<vmem>>
          %dma_start3A_98 = tpu.memref_slice %arg8[%run_scoped3A_81, %mul3A_80] : memref<16x10000xf32, #tpu.memory_space<vmem_shared>> -> memref<1x400xf32, #tpu.memory_space<vmem_shared>>
          %dma_start3A_99 = tpu.memref_squeeze %dma_start3A_98 : memref<1x400xf32, #tpu.memory_space<vmem_shared>> -> memref<400xf32, #tpu.memory_space<vmem_shared>>
          %dma_start3A_100 = arith.constant 0 : i32
          %dma_start3A_101 = tpu.memref_slice %arg6[%run_scoped3A_82, %dma_start3A_100] : memref<16x640xf32, #tpu.memory_space<vmem>> -> memref<1x400xf32, #tpu.memory_space<vmem>>
          %dma_start3A_102 = tpu.memref_squeeze %dma_start3A_101 : memref<1x400xf32, #tpu.memory_space<vmem>> -> memref<400xf32, #tpu.memory_space<vmem>>
          %dma_start3A_103 = tpu.memref_slice %arg8[%run_scoped3A_81, %mul3A_80] : memref<16x10000xf32, #tpu.memory_space<vmem_shared>> -> memref<1x400xf32, #tpu.memory_space<vmem_shared>>
          %dma_start3A_104 = tpu.memref_squeeze %dma_start3A_103 : memref<1x400xf32, #tpu.memory_space<vmem_shared>> -> memref<400xf32, #tpu.memory_space<vmem_shared>>
          tpu.enqueue_dma source(%dma_start3A_104 : memref<400xf32, #tpu.memory_space<vmem_shared>>) target(%dma_start3A_102 : memref<400xf32, #tpu.memory_space<vmem>>) target_semaphore(%run_scoped3A_95 : memref<!tpu.dma_semaphore, #tpu.memory_space<semaphore_mem>>)
          %dma_wait3A = arith.constant 0 : i32
          %dma_wait3A_105 = tpu.memref_slice %arg6[%run_scoped3A_82, %dma_wait3A] : memref<16x640xf32, #tpu.memory_space<vmem>> -> memref<1x400xf32, #tpu.memory_space<vmem>>
          %dma_wait3A_106 = tpu.memref_squeeze %dma_wait3A_105 : memref<1x400xf32, #tpu.memory_space<vmem>> -> memref<400xf32, #tpu.memory_space<vmem>>
          %dma_wait3A_107 = tpu.memref_slice %arg8[%run_scoped3A_81, %mul3A_80] : memref<16x10000xf32, #tpu.memory_space<vmem_shared>> -> memref<1x400xf32, #tpu.memory_space<vmem_shared>>
          %dma_wait3A_108 = tpu.memref_squeeze %dma_wait3A_107 : memref<1x400xf32, #tpu.memory_space<vmem_shared>> -> memref<400xf32, #tpu.memory_space<vmem_shared>>
          %dma_wait3A_109 = arith.constant 0 : i32
          %dma_wait3A_110 = tpu.memref_slice %arg6[%run_scoped3A_82, %dma_wait3A_109] : memref<16x640xf32, #tpu.memory_space<vmem>> -> memref<1x400xf32, #tpu.memory_space<vmem>>
          %dma_wait3A_111 = tpu.memref_squeeze %dma_wait3A_110 : memref<1x400xf32, #tpu.memory_space<vmem>> -> memref<400xf32, #tpu.memory_space<vmem>>
          %dma_wait3A_112 = tpu.memref_slice %arg8[%run_scoped3A_81, %mul3A_80] : memref<16x10000xf32, #tpu.memory_space<vmem_shared>> -> memref<1x400xf32, #tpu.memory_space<vmem_shared>>
          %dma_wait3A_113 = tpu.memref_squeeze %dma_wait3A_112 : memref<1x400xf32, #tpu.memory_space<vmem_shared>> -> memref<400xf32, #tpu.memory_space<vmem_shared>>
          tpu.wait_dma2 semaphore(%run_scoped3A_95 : memref<!tpu.dma_semaphore, #tpu.memory_space<semaphore_mem>>) src(%dma_wait3A_113 : memref<400xf32, #tpu.memory_space<vmem_shared>>) dst(%dma_wait3A_111 : memref<400xf32, #tpu.memory_space<vmem>>)
          tpu.yield
        }) : () -> ()
        %mul3A_83 = arith.constant 640 : i32
        %mul3A_84 = arith.muli %arg1, %mul3A_83 : i32
        %run_scoped3A_85 = arith.constant 15 : i32
        %run_scoped3A_86 = arith.constant 15 : i32
        "tpu.region"() ({
          %run_scoped3A_95 = tpu.sem_alloc : memref<!tpu.dma_semaphore, #tpu.memory_space<semaphore_mem>>
          %dma_start3A = arith.constant 0 : i32
          %dma_start3A_96 = tpu.memref_slice %arg6[%run_scoped3A_86, %dma_start3A] : memref<16x640xf32, #tpu.memory_space<vmem>> -> memref<1x400xf32, #tpu.memory_space<vmem>>
          %dma_start3A_97 = tpu.memref_squeeze %dma_start3A_96 : memref<1x400xf32, #tpu.memory_space<vmem>> -> memref<400xf32, #tpu.memory_space<vmem>>
          %dma_start3A_98 = tpu.memref_slice %arg8[%run_scoped3A_85, %mul3A_84] : memref<16x10000xf32, #tpu.memory_space<vmem_shared>> -> memref<1x400xf32, #tpu.memory_space<vmem_shared>>
          %dma_start3A_99 = tpu.memref_squeeze %dma_start3A_98 : memref<1x400xf32, #tpu.memory_space<vmem_shared>> -> memref<400xf32, #tpu.memory_space<vmem_shared>>
          %dma_start3A_100 = arith.constant 0 : i32
          %dma_start3A_101 = tpu.memref_slice %arg6[%run_scoped3A_86, %dma_start3A_100] : memref<16x640xf32, #tpu.memory_space<vmem>> -> memref<1x400xf32, #tpu.memory_space<vmem>>
          %dma_start3A_102 = tpu.memref_squeeze %dma_start3A_101 : memref<1x400xf32, #tpu.memory_space<vmem>> -> memref<400xf32, #tpu.memory_space<vmem>>
          %dma_start3A_103 = tpu.memref_slice %arg8[%run_scoped3A_85, %mul3A_84] : memref<16x10000xf32, #tpu.memory_space<vmem_shared>> -> memref<1x400xf32, #tpu.memory_space<vmem_shared>>
          %dma_start3A_104 = tpu.memref_squeeze %dma_start3A_103 : memref<1x400xf32, #tpu.memory_space<vmem_shared>> -> memref<400xf32, #tpu.memory_space<vmem_shared>>
          tpu.enqueue_dma source(%dma_start3A_104 : memref<400xf32, #tpu.memory_space<vmem_shared>>) target(%dma_start3A_102 : memref<400xf32, #tpu.memory_space<vmem>>) target_semaphore(%run_scoped3A_95 : memref<!tpu.dma_semaphore, #tpu.memory_space<semaphore_mem>>)
          %dma_wait3A = arith.constant 0 : i32
          %dma_wait3A_105 = tpu.memref_slice %arg6[%run_scoped3A_86, %dma_wait3A] : memref<16x640xf32, #tpu.memory_space<vmem>> -> memref<1x400xf32, #tpu.memory_space<vmem>>
          %dma_wait3A_106 = tpu.memref_squeeze %dma_wait3A_105 : memref<1x400xf32, #tpu.memory_space<vmem>> -> memref<400xf32, #tpu.memory_space<vmem>>
          %dma_wait3A_107 = tpu.memref_slice %arg8[%run_scoped3A_85, %mul3A_84] : memref<16x10000xf32, #tpu.memory_space<vmem_shared>> -> memref<1x400xf32, #tpu.memory_space<vmem_shared>>
          %dma_wait3A_108 = tpu.memref_squeeze %dma_wait3A_107 : memref<1x400xf32, #tpu.memory_space<vmem_shared>> -> memref<400xf32, #tpu.memory_space<vmem_shared>>
          %dma_wait3A_109 = arith.constant 0 : i32
          %dma_wait3A_110 = tpu.memref_slice %arg6[%run_scoped3A_86, %dma_wait3A_109] : memref<16x640xf32, #tpu.memory_space<vmem>> -> memref<1x400xf32, #tpu.memory_space<vmem>>
          %dma_wait3A_111 = tpu.memref_squeeze %dma_wait3A_110 : memref<1x400xf32, #tpu.memory_space<vmem>> -> memref<400xf32, #tpu.memory_space<vmem>>
          %dma_wait3A_112 = tpu.memref_slice %arg8[%run_scoped3A_85, %mul3A_84] : memref<16x10000xf32, #tpu.memory_space<vmem_shared>> -> memref<1x400xf32, #tpu.memory_space<vmem_shared>>
          %dma_wait3A_113 = tpu.memref_squeeze %dma_wait3A_112 : memref<1x400xf32, #tpu.memory_space<vmem_shared>> -> memref<400xf32, #tpu.memory_space<vmem_shared>>
          tpu.wait_dma2 semaphore(%run_scoped3A_95 : memref<!tpu.dma_semaphore, #tpu.memory_space<semaphore_mem>>) src(%dma_wait3A_113 : memref<400xf32, #tpu.memory_space<vmem_shared>>) dst(%dma_wait3A_111 : memref<400xf32, #tpu.memory_space<vmem>>)
          tpu.yield
        }) : () -> ()
        %scan3A_87 = arith.constant 0 : i32
        %scan3A_88 = arith.constant 0 : i32
        %scan3A_89 = arith.constant 25 : i32
        %scan3A_90 = arith.addi %scan3A_88, %scan3A_89 : i32
        %scan3A_91 = arith.constant 1 : i32
        scf.for %scan3A_95 = %scan3A_88 to %scan3A_90 step %scan3A_91  : i32 {
          %mul3A_96 = arith.constant 16 : i32
          %mul3A_97 = arith.muli %scan3A_95, %mul3A_96 : i32
          %get3A = arith.constant 0 : i32
          %get3A_98 = arith.index_cast %get3A : i32 to index
          %get3A_99 = arith.index_cast %mul3A_97 : i32 to index
          %get3A_100 = tpu.vector_load %arg6[%get3A_98, %get3A_99] {strides = array<i32>} : memref<16x640xf32, #tpu.memory_space<vmem>>, vector<16xf32>,
          %mul3A_101 = arith.constant 16 : i32
          %mul3A_102 = arith.muli %scan3A_95, %mul3A_101 : i32
          %get3A_103 = arith.constant 1 : i32
          %get3A_104 = arith.index_cast %get3A_103 : i32 to index
          %get3A_105 = arith.index_cast %mul3A_102 : i32 to index
          %get3A_106 = tpu.vector_load %arg6[%get3A_104, %get3A_105] {strides = array<i32>} : memref<16x640xf32, #tpu.memory_space<vmem>>, vector<16xf32>,
          %add3A = arith.addf %get3A_100, %get3A_106 : vector<16xf32>
          %mul3A_107 = arith.constant 16 : i32
          %mul3A_108 = arith.muli %scan3A_95, %mul3A_107 : i32
          %get3A_109 = arith.constant 2 : i32
          %get3A_110 = arith.index_cast %get3A_109 : i32 to index
          %get3A_111 = arith.index_cast %mul3A_108 : i32 to index
          %get3A_112 = tpu.vector_load %arg6[%get3A_110, %get3A_111] {strides = array<i32>} : memref<16x640xf32, #tpu.memory_space<vmem>>, vector<16xf32>,
          %add3A_113 = arith.addf %add3A, %get3A_112 : vector<16xf32>
          %mul3A_114 = arith.constant 16 : i32
          %mul3A_115 = arith.muli %scan3A_95, %mul3A_114 : i32
          %get3A_116 = arith.constant 3 : i32
          %get3A_117 = arith.index_cast %get3A_116 : i32 to index
          %get3A_118 = arith.index_cast %mul3A_115 : i32 to index
          %get3A_119 = tpu.vector_load %arg6[%get3A_117, %get3A_118] {strides = array<i32>} : memref<16x640xf32, #tpu.memory_space<vmem>>, vector<16xf32>,
          %add3A_120 = arith.addf %add3A_113, %get3A_119 : vector<16xf32>
          %mul3A_121 = arith.constant 16 : i32
          %mul3A_122 = arith.muli %scan3A_95, %mul3A_121 : i32
          %get3A_123 = arith.constant 4 : i32
          %get3A_124 = arith.index_cast %get3A_123 : i32 to index
          %get3A_125 = arith.index_cast %mul3A_122 : i32 to index
          %get3A_126 = tpu.vector_load %arg6[%get3A_124, %get3A_125] {strides = array<i32>} : memref<16x640xf32, #tpu.memory_space<vmem>>, vector<16xf32>,
          %add3A_127 = arith.addf %add3A_120, %get3A_126 : vector<16xf32>
          %mul3A_128 = arith.constant 16 : i32
          %mul3A_129 = arith.muli %scan3A_95, %mul3A_128 : i32
          %get3A_130 = arith.constant 5 : i32
          %get3A_131 = arith.index_cast %get3A_130 : i32 to index
          %get3A_132 = arith.index_cast %mul3A_129 : i32 to index
          %get3A_133 = tpu.vector_load %arg6[%get3A_131, %get3A_132] {strides = array<i32>} : memref<16x640xf32, #tpu.memory_space<vmem>>, vector<16xf32>,
          %add3A_134 = arith.addf %add3A_127, %get3A_133 : vector<16xf32>
          %mul3A_135 = arith.constant 16 : i32
          %mul3A_136 = arith.muli %scan3A_95, %mul3A_135 : i32
          %get3A_137 = arith.constant 6 : i32
          %get3A_138 = arith.index_cast %get3A_137 : i32 to index
          %get3A_139 = arith.index_cast %mul3A_136 : i32 to index
          %get3A_140 = tpu.vector_load %arg6[%get3A_138, %get3A_139] {strides = array<i32>} : memref<16x640xf32, #tpu.memory_space<vmem>>, vector<16xf32>,
          %add3A_141 = arith.addf %add3A_134, %get3A_140 : vector<16xf32>
          %mul3A_142 = arith.constant 16 : i32
          %mul3A_143 = arith.muli %scan3A_95, %mul3A_142 : i32
          %get3A_144 = arith.constant 7 : i32
          %get3A_145 = arith.index_cast %get3A_144 : i32 to index
          %get3A_146 = arith.index_cast %mul3A_143 : i32 to index
          %get3A_147 = tpu.vector_load %arg6[%get3A_145, %get3A_146] {strides = array<i32>} : memref<16x640xf32, #tpu.memory_space<vmem>>, vector<16xf32>,
          %add3A_148 = arith.addf %add3A_141, %get3A_147 : vector<16xf32>
          %mul3A_149 = arith.constant 16 : i32
          %mul3A_150 = arith.muli %scan3A_95, %mul3A_149 : i32
          %get3A_151 = arith.constant 8 : i32
          %get3A_152 = arith.index_cast %get3A_151 : i32 to index
          %get3A_153 = arith.index_cast %mul3A_150 : i32 to index
          %get3A_154 = tpu.vector_load %arg6[%get3A_152, %get3A_153] {strides = array<i32>} : memref<16x640xf32, #tpu.memory_space<vmem>>, vector<16xf32>,
          %add3A_155 = arith.addf %add3A_148, %get3A_154 : vector<16xf32>
          %mul3A_156 = arith.constant 16 : i32
          %mul3A_157 = arith.muli %scan3A_95, %mul3A_156 : i32
          %get3A_158 = arith.constant 9 : i32
          %get3A_159 = arith.index_cast %get3A_158 : i32 to index
          %get3A_160 = arith.index_cast %mul3A_157 : i32 to index
          %get3A_161 = tpu.vector_load %arg6[%get3A_159, %get3A_160] {strides = array<i32>} : memref<16x640xf32, #tpu.memory_space<vmem>>, vector<16xf32>,
          %add3A_162 = arith.addf %add3A_155, %get3A_161 : vector<16xf32>
          %mul3A_163 = arith.constant 16 : i32
          %mul3A_164 = arith.muli %scan3A_95, %mul3A_163 : i32
          %get3A_165 = arith.constant 10 : i32
          %get3A_166 = arith.index_cast %get3A_165 : i32 to index
          %get3A_167 = arith.index_cast %mul3A_164 : i32 to index
          %get3A_168 = tpu.vector_load %arg6[%get3A_166, %get3A_167] {strides = array<i32>} : memref<16x640xf32, #tpu.memory_space<vmem>>, vector<16xf32>,
          %add3A_169 = arith.addf %add3A_162, %get3A_168 : vector<16xf32>
          %mul3A_170 = arith.constant 16 : i32
          %mul3A_171 = arith.muli %scan3A_95, %mul3A_170 : i32
          %get3A_172 = arith.constant 11 : i32
          %get3A_173 = arith.index_cast %get3A_172 : i32 to index
          %get3A_174 = arith.index_cast %mul3A_171 : i32 to index
          %get3A_175 = tpu.vector_load %arg6[%get3A_173, %get3A_174] {strides = array<i32>} : memref<16x640xf32, #tpu.memory_space<vmem>>, vector<16xf32>,
          %add3A_176 = arith.addf %add3A_169, %get3A_175 : vector<16xf32>
          %mul3A_177 = arith.constant 16 : i32
          %mul3A_178 = arith.muli %scan3A_95, %mul3A_177 : i32
          %get3A_179 = arith.constant 12 : i32
          %get3A_180 = arith.index_cast %get3A_179 : i32 to index
          %get3A_181 = arith.index_cast %mul3A_178 : i32 to index
          %get3A_182 = tpu.vector_load %arg6[%get3A_180, %get3A_181] {strides = array<i32>} : memref<16x640xf32, #tpu.memory_space<vmem>>, vector<16xf32>,
          %add3A_183 = arith.addf %add3A_176, %get3A_182 : vector<16xf32>
          %mul3A_184 = arith.constant 16 : i32
          %mul3A_185 = arith.muli %scan3A_95, %mul3A_184 : i32
          %get3A_186 = arith.constant 13 : i32
          %get3A_187 = arith.index_cast %get3A_186 : i32 to index
          %get3A_188 = arith.index_cast %mul3A_185 : i32 to index
          %get3A_189 = tpu.vector_load %arg6[%get3A_187, %get3A_188] {strides = array<i32>} : memref<16x640xf32, #tpu.memory_space<vmem>>, vector<16xf32>,
          %add3A_190 = arith.addf %add3A_183, %get3A_189 : vector<16xf32>
          %mul3A_191 = arith.constant 16 : i32
          %mul3A_192 = arith.muli %scan3A_95, %mul3A_191 : i32
          %get3A_193 = arith.constant 14 : i32
          %get3A_194 = arith.index_cast %get3A_193 : i32 to index
          %get3A_195 = arith.index_cast %mul3A_192 : i32 to index
          %get3A_196 = tpu.vector_load %arg6[%get3A_194, %get3A_195] {strides = array<i32>} : memref<16x640xf32, #tpu.memory_space<vmem>>, vector<16xf32>,
          %add3A_197 = arith.addf %add3A_190, %get3A_196 : vector<16xf32>
          %mul3A_198 = arith.constant 16 : i32
          %mul3A_199 = arith.muli %scan3A_95, %mul3A_198 : i32
          %get3A_200 = arith.constant 15 : i32
          %get3A_201 = arith.index_cast %get3A_200 : i32 to index
          %get3A_202 = arith.index_cast %mul3A_199 : i32 to index
          %get3A_203 = tpu.vector_load %arg6[%get3A_201, %get3A_202] {strides = array<i32>} : memref<16x640xf32, #tpu.memory_space<vmem>>, vector<16xf32>,
          %add3A_204 = arith.addf %add3A_197, %get3A_203 : vector<16xf32>
          %mul3A_205 = arith.constant 16 : i32
          %mul3A_206 = arith.muli %scan3A_95, %mul3A_205 : i32
          %swap3A = arith.index_cast %mul3A_206 : i32 to index
          %swap3A_207 = tpu.vector_load %arg7[%swap3A] {strides = array<i32>} : memref<640xf32, #tpu.memory_space<vmem>>, vector<16xf32>,
          tpu.vector_store %arg7[%swap3A], %add3A_204 {strides = array<i32>} : memref<640xf32, #tpu.memory_space<vmem>>, vector<16xf32>,
        }
        %scan3A_92 = arith.constant 25 : i32
        %mul3A_93 = arith.constant 640 : i32
        %mul3A_94 = arith.muli %arg1, %mul3A_93 : i32
        "tpu.region"() ({
          %run_scoped3A_95 = tpu.sem_alloc : memref<!tpu.dma_semaphore, #tpu.memory_space<semaphore_mem>>
          %dma_start3A = arith.constant 0 : i32
          %dma_start3A_96 = tpu.memref_slice %arg7[%dma_start3A] : memref<640xf32, #tpu.memory_space<vmem>> -> memref<400xf32, #tpu.memory_space<vmem>>
          %dma_start3A_97 = tpu.memref_slice %arg3[%mul3A_94] : memref<10000xf32, #tpu.memory_space<hbm>> -> memref<400xf32, #tpu.memory_space<hbm>>
          %dma_start3A_98 = tpu.memref_slice %arg3[%mul3A_94] : memref<10000xf32, #tpu.memory_space<hbm>> -> memref<400xf32, #tpu.memory_space<hbm>>
          %dma_start3A_99 = arith.constant 0 : i32
          %dma_start3A_100 = tpu.memref_slice %arg7[%dma_start3A_99] : memref<640xf32, #tpu.memory_space<vmem>> -> memref<400xf32, #tpu.memory_space<vmem>>
          tpu.enqueue_dma source(%dma_start3A_100 : memref<400xf32, #tpu.memory_space<vmem>>) target(%dma_start3A_98 : memref<400xf32, #tpu.memory_space<hbm>>) target_semaphore(%run_scoped3A_95 : memref<!tpu.dma_semaphore, #tpu.memory_space<semaphore_mem>>)
          %dma_wait3A = arith.constant 0 : i32
          %dma_wait3A_101 = tpu.memref_slice %arg7[%dma_wait3A] : memref<640xf32, #tpu.memory_space<vmem>> -> memref<400xf32, #tpu.memory_space<vmem>>
          %dma_wait3A_102 = tpu.memref_slice %arg3[%mul3A_94] : memref<10000xf32, #tpu.memory_space<hbm>> -> memref<400xf32, #tpu.memory_space<hbm>>
          %dma_wait3A_103 = tpu.memref_slice %arg3[%mul3A_94] : memref<10000xf32, #tpu.memory_space<hbm>> -> memref<400xf32, #tpu.memory_space<hbm>>
          %dma_wait3A_104 = arith.constant 0 : i32
          %dma_wait3A_105 = tpu.memref_slice %arg7[%dma_wait3A_104] : memref<640xf32, #tpu.memory_space<vmem>> -> memref<400xf32, #tpu.memory_space<vmem>>
          tpu.wait_dma2 semaphore(%run_scoped3A_95 : memref<!tpu.dma_semaphore, #tpu.memory_space<semaphore_mem>>) src(%dma_wait3A_105 : memref<400xf32, #tpu.memory_space<vmem>>) dst(%dma_wait3A_103 : memref<400xf32, #tpu.memory_space<hbm>>)
          tpu.yield
        }) : () -> ()
      } else {
      }
    } else {
    }
    return
  }
}

module attributes {stable_mosaic.version = 14 : i64} {
  func.func @_xws_body(%arg0: i32, %arg1: memref<1000x1536xf32, #tpu.memory_space<vmem>>, %arg2: memref<1536x80xf32, #tpu.memory_space<vmem>>, %arg3: memref<1000x1xf32, #tpu.memory_space<vmem>>, %arg4: memref<1000x80xf32, #tpu.memory_space<vmem>>) attributes {dimension_semantics = [#tpu.dimension_semantics<arbitrary>], iteration_bounds = array<i64: 10>, scalar_prefetch = 0 : i64, scratch_operands = 0 : i64, tpu.core_type = #tpu.core_type<tc>, window_params = [{transform_indices = @transform_0, window_bounds = array<i64: 1000, 1536>}, {pipeline_mode = #tpu.pipeline_mode<synchronous>, transform_indices = @transform_1, window_bounds = array<i64: 1536, 80>}, {transform_indices = @transform_2, window_bounds = array<i64: 1000, 1>}, {transform_indices = @transform_3, window_bounds = array<i64: 1000, 80>}]} {
    %get3A = arith.constant 0 : index
    %get3A_0 = arith.constant 0 : index
    %get3A_1 = vector.load %arg3[%get3A, %get3A_0] : memref<1000x1xf32, #tpu.memory_space<vmem>>, vector<1000x1xf32>
    %add3A = arith.constant 1.000000e+00 : f32
    %add3A_2 = vector.broadcast %add3A : f32 to vector<1000x1xf32>
    %add3A_3 = arith.addf %get3A_1, %add3A_2 : vector<1000x1xf32>
    %rsqrt3A = math.rsqrt %add3A_3 : vector<1000x1xf32>
    %get3A_4 = arith.constant 0 : index
    %get3A_5 = arith.constant 0 : index
    %get3A_6 = vector.load %arg1[%get3A_4, %get3A_5] : memref<1000x1536xf32, #tpu.memory_space<vmem>>, vector<1000x1536xf32>
    %get3A_7 = arith.constant 0 : index
    %get3A_8 = arith.constant 0 : index
    %get3A_9 = vector.load %arg2[%get3A_7, %get3A_8] : memref<1536x80xf32, #tpu.memory_space<vmem>>, vector<1536x80xf32>
    %dot_general3A = arith.constant dense<0.000000e+00> : vector<1000x80xf32>
    %dot_general3A_10 = tpu.matmul %get3A_6, %get3A_9, %dot_general3A {dimension_numbers = #tpu.dot_dimension_numbers<[1], [0], [0], [1], [0, 0, 1, 1], [], []>, transpose_lhs_hint = false} : vector<1000x1536xf32>, vector<1536x80xf32>, vector<1000x80xf32> -> vector<1000x80xf32>
    %mul3A = vector.broadcast %rsqrt3A : vector<1000x1xf32> to vector<1000x80xf32>
    %mul3A_11 = arith.mulf %dot_general3A_10, %mul3A : vector<1000x80xf32>
    %swap3A = arith.constant 0 : index
    %swap3A_12 = arith.constant 0 : index
    %swap3A_13 = vector.load %arg4[%swap3A, %swap3A_12] : memref<1000x80xf32, #tpu.memory_space<vmem>>, vector<1000x80xf32>
    tpu.vector_store %arg4[%swap3A, %swap3A_12], %mul3A_11 {strides = array<i32>} : memref<1000x80xf32, #tpu.memory_space<vmem>>, vector<1000x80xf32>,
    return
  }
  func.func @transform_0(%arg0: i32) -> (i32, i32) {
    %c0_i32 = arith.constant 0 : i32
    %c0_i32_0 = arith.constant 0 : i32
    return %arg0, %c0_i32 : i32, i32
  }
  func.func @transform_1(%arg0: i32) -> (i32, i32) {
    %c0_i32 = arith.constant 0 : i32
    %c0_i32_0 = arith.constant 0 : i32
    %c0_i32_1 = arith.constant 0 : i32
    return %c0_i32, %c0_i32_0 : i32, i32
  }
  func.func @transform_2(%arg0: i32) -> (i32, i32) {
    %c0_i32 = arith.constant 0 : i32
    %c0_i32_0 = arith.constant 0 : i32
    return %arg0, %c0_i32 : i32, i32
  }
  func.func @transform_3(%arg0: i32) -> (i32, i32) {
    %c0_i32 = arith.constant 0 : i32
    %c0_i32_0 = arith.constant 0 : i32
    return %arg0, %c0_i32 : i32, i32
  }
}

module attributes {stable_mosaic.version = 14 : i64} {
  func.func @_post_body(%arg0: i32, %arg1: memref<2x1000x80xf32, #tpu.memory_space<vmem>>, %arg2: memref<1000x80xf32, #tpu.memory_space<vmem>>, %arg3: memref<1000x1xf32, #tpu.memory_space<vmem>>, %arg4: memref<80x80xf32, #tpu.memory_space<vmem>>, %arg5: memref<1x80xf32, #tpu.memory_space<vmem>>, %arg6: memref<36x3xf32, #tpu.memory_space<vmem>>, %arg7: memref<3x12xf32, #tpu.memory_space<vmem>>, %arg8: memref<1x12xf32, #tpu.memory_space<vmem>>, %arg9: memref<1000x12xf32, #tpu.memory_space<vmem>>) attributes {dimension_semantics = [#tpu.dimension_semantics<arbitrary>], iteration_bounds = array<i64: 10>, scalar_prefetch = 0 : i64, scratch_operands = 0 : i64, tpu.core_type = #tpu.core_type<tc>, window_params = [{transform_indices = @transform_0, window_bounds = array<i64: 2, 1000, 80>}, {transform_indices = @transform_1, window_bounds = array<i64: 1000, 80>}, {transform_indices = @transform_2, window_bounds = array<i64: 1000, 1>}, {pipeline_mode = #tpu.pipeline_mode<synchronous>, transform_indices = @transform_3, window_bounds = array<i64: 80, 80>}, {pipeline_mode = #tpu.pipeline_mode<synchronous>, transform_indices = @transform_4, window_bounds = array<i64: 1, 80>}, {pipeline_mode = #tpu.pipeline_mode<synchronous>, transform_indices = @transform_5, window_bounds = array<i64: 36, 3>}, {pipeline_mode = #tpu.pipeline_mode<synchronous>, transform_indices = @transform_6, window_bounds = array<i64: 3, 12>}, {pipeline_mode = #tpu.pipeline_mode<synchronous>, transform_indices = @transform_7, window_bounds = array<i64: 1, 12>}, {transform_indices = @transform_8, window_bounds = array<i64: 1000, 12>}]} {
    %get3A = arith.constant 0 : index
    %get3A_0 = arith.constant 0 : index
    %get3A_1 = vector.load %arg3[%get3A, %get3A_0] : memref<1000x1xf32, #tpu.memory_space<vmem>>, vector<1000x1xf32>
    %add3A = arith.constant 1.000000e+00 : f32
    %add3A_2 = vector.broadcast %add3A : f32 to vector<1000x1xf32>
    %add3A_3 = arith.addf %get3A_1, %add3A_2 : vector<1000x1xf32>
    %rsqrt3A = math.rsqrt %add3A_3 : vector<1000x1xf32>
    %get3A_4 = arith.constant 0 : index
    %get3A_5 = arith.constant 0 : index
    %get3A_6 = arith.constant 0 : index
    %get3A_7 = vector.load %arg1[%get3A_4, %get3A_5, %get3A_6] : memref<2x1000x80xf32, #tpu.memory_space<vmem>>, vector<2x1000x80xf32>
    %slice3A = vector.extract_strided_slice %get3A_7 {offsets = [0, 0, 0], sizes = [1, 1000, 80], strides = [1, 1, 1]} : vector<2x1000x80xf32> to vector<1x1000x80xf32>
    %squeeze3A = vector.shape_cast %slice3A : vector<1x1000x80xf32> to vector<1000x80xf32>
    %slice3A_8 = vector.extract_strided_slice %get3A_7 {offsets = [1, 0, 0], sizes = [1, 1000, 80], strides = [1, 1, 1]} : vector<2x1000x80xf32> to vector<1x1000x80xf32>
    %squeeze3A_9 = vector.shape_cast %slice3A_8 : vector<1x1000x80xf32> to vector<1000x80xf32>
    %add3A_10 = arith.addf %squeeze3A, %squeeze3A_9 : vector<1000x80xf32>
    %get3A_11 = arith.constant 0 : index
    %get3A_12 = arith.constant 0 : index
    %get3A_13 = vector.load %arg2[%get3A_11, %get3A_12] : memref<1000x80xf32, #tpu.memory_space<vmem>>, vector<1000x80xf32>
    %add3A_14 = arith.addf %add3A_10, %get3A_13 : vector<1000x80xf32>
    %mul3A = vector.broadcast %rsqrt3A : vector<1000x1xf32> to vector<1000x80xf32>
    %mul3A_15 = arith.mulf %add3A_14, %mul3A : vector<1000x80xf32>
    %get3A_16 = arith.constant 0 : index
    %get3A_17 = arith.constant 0 : index
    %get3A_18 = vector.load %arg4[%get3A_16, %get3A_17] : memref<80x80xf32, #tpu.memory_space<vmem>>, vector<80x80xf32>
    %dot_general3A = arith.constant dense<0.000000e+00> : vector<1000x80xf32>
    %dot_general3A_19 = tpu.matmul %mul3A_15, %get3A_18, %dot_general3A {dimension_numbers = #tpu.dot_dimension_numbers<[1], [0], [0], [1], [0, 0, 1, 1], [], []>, transpose_lhs_hint = false} : vector<1000x80xf32>, vector<80x80xf32>, vector<1000x80xf32> -> vector<1000x80xf32>
    %get3A_20 = arith.constant 0 : index
    %get3A_21 = arith.constant 0 : index
    %get3A_22 = vector.load %arg5[%get3A_20, %get3A_21] : memref<1x80xf32, #tpu.memory_space<vmem>>, vector<1x80xf32>
    %add3A_23 = vector.broadcast %get3A_22 : vector<1x80xf32> to vector<1000x80xf32>
    %add3A_24 = arith.addf %dot_general3A_19, %add3A_23 : vector<1000x80xf32>
    %slice3A_25 = vector.extract_strided_slice %add3A_24 {offsets = [0, 0], sizes = [1000, 36], strides = [1, 1]} : vector<1000x80xf32> to vector<1000x36xf32>
    %logistic3A = arith.negf %slice3A_25 : vector<1000x36xf32>
    %logistic3A_26 = math.exp %logistic3A : vector<1000x36xf32>
    %logistic3A_27 = arith.constant 1.000000e+00 : f32
    %logistic3A_28 = vector.broadcast %logistic3A_27 : f32 to vector<1000x36xf32>
    %logistic3A_29 = arith.addf %logistic3A_28, %logistic3A_26 : vector<1000x36xf32>
    %logistic3A_30 = arith.divf %logistic3A_28, %logistic3A_29 : vector<1000x36xf32>
    %slice3A_31 = vector.extract_strided_slice %add3A_24 {offsets = [0, 36], sizes = [1000, 36], strides = [1, 1]} : vector<1000x80xf32> to vector<1000x36xf32>
    %tanh3A = math.tanh %slice3A_31 : vector<1000x36xf32>
    %sub3A = arith.constant 1.000000e+00 : f32
    %sub3A_32 = vector.broadcast %sub3A : f32 to vector<1000x36xf32>
    %sub3A_33 = arith.subf %sub3A_32, %logistic3A_30 : vector<1000x36xf32>
    %mul3A_34 = arith.mulf %sub3A_33, %tanh3A : vector<1000x36xf32>
    %get3A_35 = arith.constant 0 : index
    %get3A_36 = arith.constant 0 : index
    %get3A_37 = vector.load %arg6[%get3A_35, %get3A_36] : memref<36x3xf32, #tpu.memory_space<vmem>>, vector<36x3xf32>
    %dot_general3A_38 = arith.constant dense<0.000000e+00> : vector<1000x3xf32>
    %dot_general3A_39 = tpu.matmul %mul3A_34, %get3A_37, %dot_general3A_38 {dimension_numbers = #tpu.dot_dimension_numbers<[1], [0], [0], [1], [0, 0, 1, 1], [], []>, transpose_lhs_hint = false} : vector<1000x36xf32>, vector<36x3xf32>, vector<1000x3xf32> -> vector<1000x3xf32>
    %max3A = arith.constant 0.000000e+00 : f32
    %max3A_40 = vector.broadcast %max3A : f32 to vector<1000x3xf32>
    %max3A_41 = arith.maximumf %dot_general3A_39, %max3A_40 : vector<1000x3xf32>
    %get3A_42 = arith.constant 0 : index
    %get3A_43 = arith.constant 0 : index
    %get3A_44 = vector.load %arg7[%get3A_42, %get3A_43] : memref<3x12xf32, #tpu.memory_space<vmem>>, vector<3x12xf32>
    %dot_general3A_45 = arith.constant dense<0.000000e+00> : vector<1000x12xf32>
    %dot_general3A_46 = tpu.matmul %max3A_41, %get3A_44, %dot_general3A_45 {dimension_numbers = #tpu.dot_dimension_numbers<[1], [0], [0], [1], [0, 0, 1, 1], [], []>, transpose_lhs_hint = false} : vector<1000x3xf32>, vector<3x12xf32>, vector<1000x12xf32> -> vector<1000x12xf32>
    %get3A_47 = arith.constant 0 : index
    %get3A_48 = arith.constant 0 : index
    %get3A_49 = vector.load %arg8[%get3A_47, %get3A_48] : memref<1x12xf32, #tpu.memory_space<vmem>>, vector<1x12xf32>
    %add3A_50 = vector.broadcast %get3A_49 : vector<1x12xf32> to vector<1000x12xf32>
    %add3A_51 = arith.addf %dot_general3A_46, %add3A_50 : vector<1000x12xf32>
    %swap3A = arith.constant 0 : index
    %swap3A_52 = arith.constant 0 : index
    %swap3A_53 = vector.load %arg9[%swap3A, %swap3A_52] : memref<1000x12xf32, #tpu.memory_space<vmem>>, vector<1000x12xf32>
    tpu.vector_store %arg9[%swap3A, %swap3A_52], %add3A_51 {strides = array<i32>} : memref<1000x12xf32, #tpu.memory_space<vmem>>, vector<1000x12xf32>,
    return
  }
  func.func @transform_0(%arg0: i32) -> (i32, i32, i32) {
    %c0_i32 = arith.constant 0 : i32
    %c0_i32_0 = arith.constant 0 : i32
    %c0_i32_1 = arith.constant 0 : i32
    return %c0_i32, %arg0, %c0_i32_0 : i32, i32, i32
  }
  func.func @transform_1(%arg0: i32) -> (i32, i32) {
    %c0_i32 = arith.constant 0 : i32
    %c0_i32_0 = arith.constant 0 : i32
    return %arg0, %c0_i32 : i32, i32
  }
  func.func @transform_2(%arg0: i32) -> (i32, i32) {
    %c0_i32 = arith.constant 0 : i32
    %c0_i32_0 = arith.constant 0 : i32
    return %arg0, %c0_i32 : i32, i32
  }
  func.func @transform_3(%arg0: i32) -> (i32, i32) {
    %c0_i32 = arith.constant 0 : i32
    %c0_i32_0 = arith.constant 0 : i32
    %c0_i32_1 = arith.constant 0 : i32
    return %c0_i32, %c0_i32_0 : i32, i32
  }
  func.func @transform_4(%arg0: i32) -> (i32, i32) {
    %c0_i32 = arith.constant 0 : i32
    %c0_i32_0 = arith.constant 0 : i32
    %c0_i32_1 = arith.constant 0 : i32
    return %c0_i32, %c0_i32_0 : i32, i32
  }
  func.func @transform_5(%arg0: i32) -> (i32, i32) {
    %c0_i32 = arith.constant 0 : i32
    %c0_i32_0 = arith.constant 0 : i32
    %c0_i32_1 = arith.constant 0 : i32
    return %c0_i32, %c0_i32_0 : i32, i32
  }
  func.func @transform_6(%arg0: i32) -> (i32, i32) {
    %c0_i32 = arith.constant 0 : i32
    %c0_i32_0 = arith.constant 0 : i32
    %c0_i32_1 = arith.constant 0 : i32
    return %c0_i32, %c0_i32_0 : i32, i32
  }
  func.func @transform_7(%arg0: i32) -> (i32, i32) {
    %c0_i32 = arith.constant 0 : i32
    %c0_i32_0 = arith.constant 0 : i32
    %c0_i32_1 = arith.constant 0 : i32
    return %c0_i32, %c0_i32_0 : i32, i32
  }
  func.func @transform_8(%arg0: i32) -> (i32, i32) {
    %c0_i32 = arith.constant 0 : i32
    %c0_i32_0 = arith.constant 0 : i32
    return %arg0, %c0_i32 : i32, i32
  }
}

</mosaic_0001>

<sc_bundles>
// kernel: kernel.6.cloned.1.call-start
scs
__scs_entry_jumppad:
0x0: {  	(pc) =	sbr.rel $0x88, $3  }
0x1: {  	(tag) =	ssettag $0x0;
	lr =	simm.s32 $0x1  }
0x2: {  	[smem:$0x3F94] =	sst lr;
	_ =	strace $0xD0000000  }
0x3: {  	_ = 	snop  }
0x4: {  	_ = 	snop  }
0x5: {  	_ = 	snop  }
0x6: {  	_ = 	snop  }
0x7: {  	_ = 	snop  }
__scs_overlays_trampoline_lowered:
0x8: {  	[smem:$0x3FA3] =	sst s0  }
0x9: {  	[smem:$0x3FA4] =	sst s1  }
0xa: {  	[smem:$0x3FA5] =	sst s2  }
0xb: {  	[smem:$0x3FA6] =	sst s3  }
0xc: {  	[smem:$0x3FA7] =	sst s4  }
0xd: {  	[smem:$0x3FA8] =	sst s5  }
0xe: {  	[smem:$0x3FA9] =	sst s6  }
0xf: {  	[smem:$0x3FAA] =	sst s7  }
0x10: {  	[smem:$0x3FAB] =	sst s8  }
0x11: {  	[smem:$0x3FAC] =	sst s9;
	s0 =	simm.s32 @!p0 $0x0  }
0x12: {  	s1 =	sld [smem:$0x3F92];
	s0 =	simm.s32 @p0 $0x1  }
0x13: {  	[smem:$0x3FAD] =	sst s0;
	s0 =	simm.s32 @!p1 $0x0  }
0x14: {  	s2 =	sld [smem:$0x3F91];
	s0 =	simm.s32 @p1 $0x1  }
0x15: {  	[smem:$0x3FAE] =	sst s0;
	s0 =	simm.s32 @!p2 $0x0  }
0x16: {  	s3 =	sld [smem:$0x3FDB];
	s0 =	simm.s32 @p2 $0x1  }
0x17: {  	s4 =	simm.s32 $0x1BF5;
	[smem:$0x3FB0] =	sst s0  }
0x18: {  	s0 =	sld [smem:$0x3F93];
	_ =	swait.ge [sflag:s4], $0x0  }
0x19: {  	s7 =	sld [smem:$0x3F94]  }
0x1a: {  	s8 =	sadd.s32 $0xFFFFE003, lr  }
0x1b: {  	s9 =	sadd.s32 $0xFFFFFEF7, lr;
	s5 =	simm.s32 $0xFFFFFFFF;
	p2 =	slt.u32 s8, $0xFFFFF086  }
0x1c: {  	p1 =	slt.u32 s9, $0xF7A;
	s5 =	simm.s32 @!p2 $0x0  }
0x1d: {  	s5 =	simm.s32 @p1 $0x1;
	p0 =	seq.s32 s7, s2  }
0x1e: {  	s7 =	smul.u32 @!p0 $0xF7A, s2;
	p2 =	seq.s32 @!p0 s5, $0x0  }
0x1f: {  	s9 =	smul.u32 $0xF7A, s1;
	s8 =	simm.s32 @!p0 $0x1BF5;
	p2 =	por !p2, p0  }
0x20: {  	[sflag:s8] =	ssyncset.s32 @!p0 $0xFFFFF086;
	s6 =	sadd.s32 @!p0 s3, s7;
	s7 =	simm.s32 @!p0 $0x108  }
0x21: {  	s3 =	sadd.s32 s3, s9;
	s6 =	sadd.s32 @!p0 $0x88, s6;
	s7 =	simm.s32 @p2 $0x1082  }
0x22: {  	[simem:s7], [sflag:s8] =	dma.local @!p0 [hbm:s6], $0xF7A  }
0x23: {  	s9 =	sor.u32 $0xD0000000, s2;
	s6 =	simm.s32 $0x108;
	_ =	swait.ge @!p0 [sflag:s8], $0x0  }
0x24: {  	s3 =	sadd.s32 $0x88, s3;
	s6 =	simm.s32 @!p1 $0x1082;
	[sflag:s4] =	ssyncset.s32 $0xFFFFF086  }
0x25: {  	[simem:s6], [sflag:s4] =	dma.local [hbm:s3], $0xF7A  }
0x26: {  	[smem:$0x3F94] =	sst s1;
	(tag) =	ssettag s2;
	_ =	strace s9  }
0x27: {  	s1 =	sld [smem:$0x3FA4]  }
0x28: {  	s2 =	sld [smem:$0x3FA5]  }
0x29: {  	s4 =	sld [smem:$0x3FA7]  }
0x2a: {  	p0 =	seq.s32 s5, $0x0;
	s5 =	sld [smem:$0x3FA8]  }
0x2b: {  	s6 =	sld [smem:$0x3FA9]  }
0x2c: {  	s7 =	sld [smem:$0x3FAA]  }
0x2d: {  	s3 =	simm.s32 $0x108;
	s8 =	sld [smem:$0x3FAB]  }
0x2e: {  	s3 =	simm.s32 @!p0 $0x1082;
	s9 =	sld [smem:$0x3FAC]  }
0x2f: {  	lr =	sadd.s32 s0, s3;
	s0 =	sld [smem:$0x3FA3]  }
0x30: {  	s3 =	sld [smem:$0x3FA6]  }
0x31: {  	[smem:$0x3FAF] =	sst s10  }
0x32: {  	s10 =	sld [smem:$0x3FAD];
	_ =	sdelay $0x3  }
0x33: {  	p0 =	seq.s32 s10, $0x1;
	s10 =	sld [smem:$0x3FAF];
	_ =	sdelay $0x3  }
0x34: {  	[smem:$0x3FAF] =	sst s10  }
0x35: {  	s10 =	sld [smem:$0x3FAE];
	_ =	sdelay $0x3  }
0x36: {  	p1 =	seq.s32 s10, $0x1;
	s10 =	sld [smem:$0x3FAF];
	_ =	sdelay $0x3  }
0x37: {  	[smem:$0x3FAF] =	sst s10  }
0x38: {  	s10 =	sld [smem:$0x3FB0]  }
0x39: {  	_ = 	snop;
	(pc) =	sbr.ind lr, $3  }
0x3a: {  	_ = 	snop  }
0x3b: {  	_ = 	snop  }
0x3c: {  	p2 =	seq.s32 s10, $0x1;
	s10 =	sld [smem:$0x3FAF]  }
0x3d: {  	_ =	shalt  }
0x3e: {  	_ =	shalt  }
0x3f: {  	_ =	shalt  }
0x40: {  	_ =	shalt  }
0x41: {  	_ =	shalt  }
0x42: {  	_ =	shalt  }
0x43: {  	_ =	shalt  }
0x44: {  	_ =	shalt  }
0x45: {  	_ =	shalt  }
0x46: {  	_ =	shalt  }
0x47: {  	_ =	shalt  }
0x48: {  	_ =	shalt  }
0x49: {  	_ =	shalt  }
0x4a: {  	_ =	shalt  }
0x4b: {  	_ =	shalt  }
0x4c: {  	_ =	shalt  }
0x4d: {  	_ =	shalt  }
0x4e: {  	_ =	shalt  }
0x4f: {  	_ =	shalt  }
0x50: {  	_ =	shalt  }
0x51: {  	_ =	shalt  }
0x52: {  	_ =	shalt  }
0x53: {  	_ =	shalt  }
0x54: {  	_ =	shalt  }
0x55: {  	_ =	shalt  }
0x56: {  	_ =	shalt  }
0x57: {  	_ =	shalt  }
0x58: {  	_ =	shalt  }
0x59: {  	_ =	shalt  }
0x5a: {  	_ =	shalt  }
0x5b: {  	_ =	shalt  }
0x5c: {  	_ =	shalt  }
0x5d: {  	_ =	shalt  }
0x5e: {  	_ =	shalt  }
0x5f: {  	_ =	shalt  }
0x60: {  	_ =	shalt  }
0x61: {  	_ =	shalt  }
0x62: {  	_ =	shalt  }
0x63: {  	_ =	shalt  }
0x64: {  	_ =	shalt  }
0x65: {  	_ =	shalt  }
0x66: {  	_ =	shalt  }
0x67: {  	_ =	shalt  }
0x68: {  	_ =	shalt  }
0x69: {  	_ =	shalt  }
0x6a: {  	_ =	shalt  }
0x6b: {  	_ =	shalt  }
0x6c: {  	_ =	shalt  }
0x6d: {  	_ =	shalt  }
0x6e: {  	_ =	shalt  }
0x6f: {  	_ =	shalt  }
0x70: {  	_ =	shalt  }
0x71: {  	_ =	shalt  }
0x72: {  	_ =	shalt  }
0x73: {  	_ =	shalt  }
0x74: {  	_ =	shalt  }
0x75: {  	_ =	shalt  }
0x76: {  	_ =	shalt  }
0x77: {  	_ =	shalt  }
0x78: {  	_ =	shalt  }
0x79: {  	_ =	shalt  }
0x7a: {  	_ =	shalt  }
0x7b: {  	_ =	shalt  }
0x7c: {  	_ =	shalt  }
0x7d: {  	_ =	shalt  }
0x7e: {  	_ =	shalt  }
0x7f: {  	_ =	shalt  }
0x80: {  	_ =	shalt  }
0x81: {  	_ =	shalt  }
0x82: {  	_ =	shalt  }
0x83: {  	_ =	shalt  }
0x84: {  	_ =	shalt  }
0x85: {  	_ =	shalt  }
0x86: {  	_ =	shalt  }
0x87: {  	_ =	shalt  }
.Lfunc_end0:
.L_simem_size_0:
called_computation_lowered:
.L_overlay_start_0:
0x88: {  	s2 =	sld [smem:$0x3FD9]  }
0x89: {  	s3 =	sld [smem:$0x3FFE];
	_ =	sdelay $0x1  }
0x8a: {  	s1 =	srdreg.scid  }
0x8b: {  	s0 =	sand.u32 $0x1, s1  }
0x8c: {  	s17 =	sshll.u32 s0, $0xA;
	s2 =	sadd.s32 s3, s2  }
0x8d: {  	s2 =	sadd.s32 s2, s17  }
0x8e: {  	[smem:$0x3FBB] =	sst s2  }
0x8f: {  	_ = 	snop  }
0x90: {  	s2 =	sld [smem:$0x3FD0];
	(tm) =	ssettm $0x1  }
0x91: {  	s18 =	sld [smem:$0x3FFB];
	_ =	sdelay $0x3  }
0x92: {  	_ =	strace s18  }
0x93: {  	s3 =	sld [smem:$0x3FFC];
	_ =	sdelay $0x3  }
0x94: {  	_ =	strace s3  }
0x95: {  	s3 =	sld [smem:$0x3FFD];
	_ =	sdelay $0x3  }
0x96: {  	_ =	strace s3  }
0x97: {  	_ =	strace $0x8FFFFFFF  }
0x98: {  	s19 =	sld [smem:$0x3FDB];
	_ =	sdelay $0x1  }
0x99: {  	s4 =	simm.s32 $_scs_section_size  }
0x9a: {  	s5 =	simm.s32 $_size__tile_overlayer_lowered;
	s6 =	simm.s32 $_tile_overlayer_lowered  }
0x9b: {  	s22 =	simm.s32 $0x1BFF;
	s21 =	sshll.u32 s6, $0x1;
	s3 =	sadd.s32 s4, s19  }
0x9c: {  	s7 =	simm.s32 $0x0;
	s20 =	sshll.u32 s5, $0x1;
	s5 =	sadd.s32 s21, s3  }
0x9d: {  	[timem:s7], [sflag:s22] =	dma.local [hbm:s5], s20  }
0x9e: {  	_ =	swait.ge [sflag:s22], s20  }
0x9f: {  	s4 =	ssub.s32 $0x0, s20;
	[sflag:s22] =	ssyncset.done $0x0  }
0xa0: {  	[sflag:s22] =	ssyncadd.s32 s4;
	_ =	sdelay $0x1  }
0xa1: {  	s23 =	simm.s32 $0x1B8B  }
0xa2: {  	_ =	swait.ge [sflag:s23], $0x1  }
0xa3: {  	[sflag:s23] =	ssyncset.done $0x0  }
0xa4: {  	s25 =	simm.s32 $0x1B8E;
	s24 =	sld [smem:$0x3FFE];
	[sflag:s23] =	ssyncadd.s32 $0xFFFFFFFF  }
0xa5: {  	s26 =	simm.s32 $execute0_lowered;
	[smem:$0x3FD2] =	sst s25  }
0xa6: {  	s5 =	sshll.u32 s26, $0x1;
	_ =	strace $0x80000046;
	[dreg:$0x1] =	wrdreg $0xFFFFFFFF  }
0xa7: {  	s28 =	simm.s32 $_size_execute0_lowered;
	s3 =	sadd.s32 s3, s5;
	[dreg:$0x0] =	wrdreg $0x0  }
0xa8: {  	s5 =	sshll.u32 s28, $0x1;
	[dreg:$0x2] =	wrdreg s3  }
0xa9: {  	[dreg:$0x3] =	wrdreg s5  }
0xaa: {  	[dreg:$0x4] =	wrdreg $0xC0  }
0xab: {  	_ =	task [dreg:s7], $0x5FFFF  }
0xac: {  	[dreg:$0x1] =	wrdreg $0xFFFFFFFF  }
0xad: {  	[dreg:$0x0] =	wrdreg $0x60  }
0xae: {  	[dreg:$0x2] =	wrdreg s24  }
0xaf: {  	[dreg:$0x3] =	wrdreg s2  }
0xb0: {  	[dreg:$0x4] =	wrdreg $0x9FB00  }
0xb1: {  	[dreg:$0x5] =	wrdreg $0x9  }
0xb2: {  	_ =	task.clear_ibuf [dreg:s7], $0x6FFFF;
	_ =	strace $0x90000046  }
0xb3: {  	s29 =	simm.s32 $0x9;
	_ =	strace $0x80000048  }
0xb4: {  	_ =	swait.ge [sflag:s29], $0x1  }
0xb5: {  	[sflag:s29] =	ssyncadd.s32 $0xFFFFFFFF  }
0xb6: {  	_ =	strace $0x90000048  }
0xb7: {  	_ =	sfence  }
0xb8: {  	s30 =	sld [smem:$0x0];
	_ =	sdelay $0x2  }
0xb9: {  	s31 =	sshll.u32 s1, $0xD;
	s1 =	sshrl.u32 s1, $0x2  }
0xba: {  	s3 =	sand.u32 $0x4000, s31;
	s1 =	sadd.s32 s1, s30  }
0xbb: {  	s0 =	sor.u32 s3, s0;
	s1 =	sshll.u32 s1, $0x11  }
0xbc: {  	s0 =	sor.u32 s1, s0  }
0xbd: {  	s0 =	sadd.s32 $0x8F2B, s0  }
0xbe: {  	[sflag:s0] =	ssyncadd.remote.s32 $0x1  }
0xbf: {  	_ =	sfence.sel $0xFFFF  }
0xc0: {  	[dreg:$0x0] =	wrdreg $0xFFFFFFFF;
	(pc) =	sbr.abs _section_cstart, $3  }
0xc1: {  	[dreg:$0x1] =	wrdreg $0xFFFFFFFF  }
0xc2: {  	_ =	task.clear_ibuf [dreg:s7], $0x2FFFF;
	_ =	strace $0x9FFFFFFF  }
0xc3: {  	(tm) =	ssettm $0x7FFFFFFF  }
tec
execute0_lowered:
.L_overlay_start_1:
0x0: {  	(tag) =	ssettag $0x1  }
0x1: {  	s1 =	srdreg.scid  }
0x2: {  	s1 =	sand.u32 $0x1, s1  }
0x3: {  	p0 =	seq.s32 s1, $0x1  }
.Ltmp0:
0x4: {  	s0 =	rddreg [dreg:$0x0];
	(pc) =	sbr.rel @p0 .LBB2_12-.Ltmp0, $4  }
0x5: {  	s2 =	rddreg [dreg:$0x1]  }
0x6: {  	s9 =	rddreg [dreg:$0x2];
	s3 =	simm.s32 $0x0  }
0x7: {  	[smem:$0x7FF] =	sst s3  }
0x8: {  	s4 =	rddreg [dreg:$0x3];
	s7 =	stileid.u32;
	_ =	strace $0x80000047  }
0x9: {  	s1 =	smul.u32 $0x9C40, s7  }
0xa: {  	s5 =	smul.u32 $0x280, s7;
	s14 =	sadd.s32 $0xE00, s0;
	s6 =	sadd.s32 $0x2580, s9  }
0xb: {  	s29 =	sadd.s32 $0xC1C0, s9;
	s25 =	sadd.s32 $0xE8D0, s9;
	s22 =	sadd.s32 $0x10FE0, s9  }
0xc: {  	s16 =	sadd.s32 $0x15E00, s9;
	s8 =	stileid.u32;
	s10 =	sadd.s32 $0x1FA40, s9  }
0xd: {  	s15 =	sadd.s32 $0x18510, s9;
	s20 =	sadd.s32 $0x22150, s9;
	[dreg:$0x9] =	wrdreg s10  }
0xe: {  	s13 =	sadd.s32 $0x1AC20, s9;
	s23 =	sadd.s32 $0x24860, s9;
	[dreg:$0x8] =	wrdreg s20  }
0xf: {  	s11 =	sadd.s32 $0x1D330, s9;
	s26 =	sadd.s32 $0x26F70, s9;
	[dreg:$0x7] =	wrdreg s23  }
0x10: {  	s8 =	smul.u32 $0x9C4, s8;
	[dreg:$0x6] =	wrdreg s26;
	s17 =	sshrl.u32 s1, $0x2  }
0x11: {  	s3 =	sadd.s32 s5, s9;
	s18 =	sshrl.u32 s5, $0x3;
	s5 =	sadd.s32 $0x4C90, s9  }
0x12: {  	s1 =	sadd.s32 $0x73A0, s9;
	s4 =	sadd.s32 s17, s9;
	s31 =	sadd.s32 $0x2710, s3  }
0x13: {  	s28 =	sadd.s32 $0x4E20, s3;
	s24 =	sadd.s32 $0x7530, s3;
	s21 =	sadd.s32 $0x9C40, s3  }
0x14: {  	s19 =	sadd.s32 $0xC350, s3;
	s0 =	sadd.s32 s2, s18;
	s18 =	sadd.s32 $0x136F0, s9  }
0x15: {  	s7 =	sadd.s32 s14, s8;
	s8 =	sadd.s32 $0x4B0, s2;
	s2 =	sadd.s32 $0xEA60, s3  }
0x16: {  	s30 =	sadd.s32 $0x11170, s3;
	s26 =	sadd.s32 $0x13880, s3;
	s23 =	sadd.s32 $0x15F90, s3  }
0x17: {  	s20 =	sadd.s32 $0x186A0, s3;
	s17 =	sadd.s32 $0x1ADB0, s3;
	s14 =	sadd.s32 $0x1D4C0, s3  }
0x18: {  	s12 =	sadd.s32 $0x1FBD0, s3;
	s10 =	sadd.s32 $0x222E0, s3;
	[dreg:$0x4] =	wrdreg s0  }
0x19: {  	s0 =	sadd.s32 $0x9AB0, s9;
	[dreg:$0x5] =	wrdreg s8;
	s9 =	sadd.s32 $0x249F0, s3  }
0x1a: {  	v0 =	vimm.f32 $0.0e+00;
	s8 =	simm.s32 $0x40;
	[dreg:$0xa] =	wrdreg s9;
	s9 =	simm.s32 $0x0  }
.LBB2_2:
0x1b: {  	p0 =	sne.s32 s8, $0x9C00;
	[tilespmem:s9+$0x4E20] =	vst v0;
	s9 =	smov.u32 s8;
	s8 =	sadd.s32 $0x40, s8  }
.Ltmp1:
0x1c: {  	(pc) =	sbr.rel @p0 .LBB2_2-.Ltmp1, $2  }
0x1d: {  	_ =	sdelay $0x2  }
0x1e: {  	s9 =	sshra.s32 s9, $0x2  }
0x1f: {  	[tilespmem:s9+$0x4E20] =	vst v0;
	s8 =	simm.s32 $0x0;
	s9 =	simm.s32 $0x1  }
0x20: {  	[tilespmem:s8], [sflag:$0x1] =	stream.linear.gather [hbm4b:s7+s8], $0x4E20, $0x38;
	[tilespmem:$0xC6C0] =	vst v63  }
0x21: {  	_ =	swait.ge [sflag:s9], $0x4E20  }
0x22: {  	s7 =	simm.s32 $0x4E20;
	[sflag:s9] =	ssyncset.done $0x0  }
0x23: {  	v0 =	vimm.f32 $1.000000000e+00;
	s8 =	simm.s32 $0x40;
	[sflag:s9] =	ssyncadd.s32 $0xFFFFB1E0;
	s9 =	simm.s32 $0x0  }
.LBB2_4:
0x24: {  	p0 =	sne.s32 s8, $0x13840;
	v1 =	vld [tilespmem:s9+$0x0];
	_ =	sdelay $0x3  }
.Ltmp2:
0x25: {  	(pc) =	sbr.rel @p0 .LBB2_4-.Ltmp2, $2  }
0x26: {  	_ =	sdelay $0x2  }
0x27: {  	s9 =	sshra.s32 s8, $0x2;
	s8 =	sadd.s32 $0x40, s8;
	[tilespmem:v1+s7+$0x0] =	vst.idx.add.f32.msk $0xffff, v0  }
0x28: {  	v1 =	vld [tilespmem:s9+$0x0];
	_ =	sdelay $0x7  }
0x29: {  	s9 =	simm.s32 $0x4E20;
	[tilespmem:v1+s7+$0x0] =	vst.idx.add.f32.msk $0xffff, v0;
	s7 =	stileid.u32  }
0x2a: {  	[spmem:s4] =	stream.linear.scatter [tilespmem:s9], [sflag:$0x1], $0x2710, $0x38;
	[tilespmem:$0xC6C0] =	vst v63  }
0x2b: {  	s4 =	simm.s32 $0x1;
	p0 =	seq.s32 s7, $0xF  }
.Ltmp3:
0x2c: {  	_ =	swait.ge [sflag:s4], $0x2710;
	(pc) =	sbr.rel @!p0 .LBB2_6-.Ltmp3, $3  }
0x2d: {  	[sflag:s4] =	ssyncset.done $0x0  }
0x2e: {  	[sflag:s4] =	ssyncadd.s32 $0xFFFFD8F0  }
0x2f: {  	[bflag:$0x0] =	sbarrier.arrive $0xFFFF;
	_ =	sdelay $0x1  }
0x30: {  	s2 =	simm.s32 $0x7530  }
0x31: {  	[tilespmem:s2], [sflag:$0x1] =	stream.linear.gather [spmem:s6], $0x190, $0x38;
	[tilespmem:$0xC6C0] =	vst v63  }
0x32: {  	_ =	swait.ge [sflag:s4], $0x190  }
0x33: {  	[sflag:s4] =	ssyncset.done $0x0  }
0x34: {  	s6 =	simm.s32 $0x77B0;
	[sflag:s4] =	ssyncadd.s32 $0xFFFFFE70  }
0x35: {  	[tilespmem:s6], [sflag:$0x1] =	stream.linear.gather [spmem:s5], $0x190, $0x38;
	[tilespmem:$0xC6C0] =	vst v63  }
0x36: {  	_ =	swait.ge [sflag:s4], $0x190  }
0x37: {  	[sflag:s4] =	ssyncset.done $0x0  }
0x38: {  	s8 =	simm.s32 $0x7A30;
	[sflag:s4] =	ssyncadd.s32 $0xFFFFFE70  }
0x39: {  	[tilespmem:s8], [sflag:$0x1] =	stream.linear.gather [spmem:s1], $0x190, $0x38;
	[tilespmem:$0xC6C0] =	vst v63  }
0x3a: {  	_ =	swait.ge [sflag:s4], $0x190  }
0x3b: {  	[sflag:s4] =	ssyncset.done $0x0  }
0x3c: {  	s9 =	simm.s32 $0x7CB0;
	[sflag:s4] =	ssyncadd.s32 $0xFFFFFE70  }
0x3d: {  	[tilespmem:s9], [sflag:$0x1] =	stream.linear.gather [spmem:s0], $0x190, $0x38;
	[tilespmem:$0xC6C0] =	vst v63  }
0x3e: {  	_ =	swait.ge [sflag:s4], $0x190  }
0x3f: {  	[sflag:s4] =	ssyncset.done $0x0  }
0x40: {  	s10 =	simm.s32 $0x7F30;
	[sflag:s4] =	ssyncadd.s32 $0xFFFFFE70  }
0x41: {  	[tilespmem:s10], [sflag:$0x1] =	stream.linear.gather [spmem:s29], $0x190, $0x38;
	[tilespmem:$0xC6C0] =	vst v63  }
0x42: {  	_ =	swait.ge [sflag:s4], $0x190  }
0x43: {  	[sflag:s4] =	ssyncset.done $0x0  }
0x44: {  	s12 =	simm.s32 $0x81B0;
	[sflag:s4] =	ssyncadd.s32 $0xFFFFFE70  }
0x45: {  	[tilespmem:s12], [sflag:$0x1] =	stream.linear.gather [spmem:s25], $0x190, $0x38;
	[tilespmem:$0xC6C0] =	vst v63  }
0x46: {  	_ =	swait.ge [sflag:s4], $0x190  }
0x47: {  	[sflag:s4] =	ssyncset.done $0x0  }
0x48: {  	s14 =	simm.s32 $0x8430;
	[sflag:s4] =	ssyncadd.s32 $0xFFFFFE70  }
0x49: {  	[tilespmem:s14], [sflag:$0x1] =	stream.linear.gather [spmem:s22], $0x190, $0x38;
	[tilespmem:$0xC6C0] =	vst v63  }
0x4a: {  	_ =	swait.ge [sflag:s4], $0x190  }
0x4b: {  	[sflag:s4] =	ssyncset.done $0x0  }
0x4c: {  	s17 =	simm.s32 $0x86B0;
	[sflag:s4] =	ssyncadd.s32 $0xFFFFFE70  }
0x4d: {  	[tilespmem:s17], [sflag:$0x1] =	stream.linear.gather [spmem:s18], $0x190, $0x38;
	[tilespmem:$0xC6C0] =	vst v63  }
0x4e: {  	_ =	swait.ge [sflag:s4], $0x190  }
0x4f: {  	[sflag:s4] =	ssyncset.done $0x0  }
0x50: {  	s19 =	simm.s32 $0x8930;
	[sflag:s4] =	ssyncadd.s32 $0xFFFFFE70  }
0x51: {  	[tilespmem:s19], [sflag:$0x1] =	stream.linear.gather [spmem:s16], $0x190, $0x38;
	[tilespmem:$0xC6C0] =	vst v63  }
0x52: {  	_ =	swait.ge [sflag:s4], $0x190  }
0x53: {  	[sflag:s4] =	ssyncset.done $0x0  }
0x54: {  	s20 =	simm.s32 $0x8BB0;
	[sflag:s4] =	ssyncadd.s32 $0xFFFFFE70  }
0x55: {  	[tilespmem:s20], [sflag:$0x1] =	stream.linear.gather [spmem:s15], $0x190, $0x38;
	[tilespmem:$0xC6C0] =	vst v63  }
0x56: {  	_ =	swait.ge [sflag:s4], $0x190  }
0x57: {  	[sflag:s4] =	ssyncset.done $0x0  }
0x58: {  	s21 =	simm.s32 $0x8E30;
	[sflag:s4] =	ssyncadd.s32 $0xFFFFFE70  }
0x59: {  	[tilespmem:s21], [sflag:$0x1] =	stream.linear.gather [spmem:s13], $0x190, $0x38;
	[tilespmem:$0xC6C0] =	vst v63  }
0x5a: {  	_ =	swait.ge [sflag:s4], $0x190  }
0x5b: {  	[sflag:s4] =	ssyncset.done $0x0  }
0x5c: {  	s22 =	simm.s32 $0x90B0;
	[sflag:s4] =	ssyncadd.s32 $0xFFFFFE70  }
0x5d: {  	[tilespmem:s22], [sflag:$0x1] =	stream.linear.gather [spmem:s11], $0x190, $0x38;
	[tilespmem:$0xC6C0] =	vst v63  }
0x5e: {  	_ =	swait.ge [sflag:s4], $0x190  }
0x5f: {  	[sflag:s4] =	ssyncset.done $0x0  }
0x60: {  	s23 =	simm.s32 $0x9330;
	s24 =	rddreg [dreg:$0x9];
	[sflag:s4] =	ssyncadd.s32 $0xFFFFFE70  }
0x61: {  	[tilespmem:s23], [sflag:$0x1] =	stream.linear.gather [spmem:s24], $0x190, $0x38;
	[tilespmem:$0xC6C0] =	vst v63  }
0x62: {  	_ =	swait.ge [sflag:s4], $0x190  }
0x63: {  	[sflag:s4] =	ssyncset.done $0x0  }
0x64: {  	s25 =	simm.s32 $0x95B0;
	s26 =	rddreg [dreg:$0x8];
	[sflag:s4] =	ssyncadd.s32 $0xFFFFFE70  }
0x65: {  	[tilespmem:s25], [sflag:$0x1] =	stream.linear.gather [spmem:s26], $0x190, $0x38;
	[tilespmem:$0xC6C0] =	vst v63  }
0x66: {  	_ =	swait.ge [sflag:s4], $0x190  }
0x67: {  	[sflag:s4] =	ssyncset.done $0x0  }
0x68: {  	s28 =	simm.s32 $0x9830;
	s29 =	rddreg [dreg:$0x7];
	[sflag:s4] =	ssyncadd.s32 $0xFFFFFE70  }
0x69: {  	[tilespmem:s28], [sflag:$0x1] =	stream.linear.gather [spmem:s29], $0x190, $0x38;
	[tilespmem:$0xC6C0] =	vst v63  }
0x6a: {  	_ =	swait.ge [sflag:s4], $0x190  }
0x6b: {  	[sflag:s4] =	ssyncset.done $0x0  }
0x6c: {  	s30 =	simm.s32 $0x9AB0;
	s31 =	rddreg [dreg:$0x6];
	[sflag:s4] =	ssyncadd.s32 $0xFFFFFE70  }
0x6d: {  	[tilespmem:s30], [sflag:$0x1] =	stream.linear.gather [spmem:s31], $0x190, $0x38;
	[tilespmem:$0xC6C0] =	vst v63  }
0x6e: {  	_ =	swait.ge [sflag:s4], $0x190  }
0x6f: {  	[sflag:s4] =	ssyncset.done $0x0  }
0x70: {  	[sflag:s4] =	ssyncadd.s32 $0xFFFFFE70;
	s4 =	simm.s32 $0x0  }
0x71: {  	v0 =	vld [tilespmem:s4+$0x7530]  }
0x72: {  	v1 =	vld [tilespmem:s4+$0x77B0];
	_ =	sdelay $0x1  }
0x73: {  	v2 =	vld [tilespmem:s4+$0x7A30];
	_ =	sdelay $0x1  }
0x74: {  	v3 =	vld [tilespmem:s4+$0x7CB0]  }
0x75: {  	v0 =	vadd.f32 v1, v0  }
0x76: {  	v1 =	vld [tilespmem:s4+$0x7F30]  }
0x77: {  	v0 =	vadd.f32 v2, v0  }
0x78: {  	v2 =	vld [tilespmem:s4+$0x81B0]  }
0x79: {  	v0 =	vadd.f32 v3, v0  }
0x7a: {  	v3 =	vld [tilespmem:s4+$0x8430]  }
0x7b: {  	v0 =	vadd.f32 v1, v0  }
0x7c: {  	v1 =	vld [tilespmem:s4+$0x86B0]  }
0x7d: {  	s2 =	simm.s32 $0x10;
	v4 =	vld [tilespmem:s4+$0x8930];
	v0 =	vadd.f32 v2, v0  }
0x7e: {  	v5 =	vld [tilespmem:s2+$0x7530]  }
0x7f: {  	v2 =	vld [tilespmem:s4+$0x8BB0];
	v0 =	vadd.f32 v3, v0  }
0x80: {  	v3 =	vld [tilespmem:s2+$0x77B0]  }
0x81: {  	v6 =	vld [tilespmem:s2+$0x7A30];
	v0 =	vadd.f32 v1, v0  }
0x82: {  	v1 =	vld [tilespmem:s4+$0x8E30]  }
0x83: {  	v7 =	vld [tilespmem:s2+$0x7CB0];
	v0 =	vadd.f32 v4, v0  }
0x84: {  	v4 =	vld [tilespmem:s4+$0x90B0]  }
0x85: {  	v3 =	vadd.f32 v3, v5;
	v5 =	vld [tilespmem:s2+$0x7F30];
	v0 =	vadd.f32 v2, v0  }
0x86: {  	v2 =	vld [tilespmem:s4+$0x9330]  }
0x87: {  	v3 =	vadd.f32 v6, v3;
	v6 =	vld [tilespmem:s2+$0x81B0];
	v0 =	vadd.f32 v1, v0  }
0x88: {  	v1 =	vld [tilespmem:s4+$0x95B0]  }
0x89: {  	v8 =	vld [tilespmem:s2+$0x8430];
	v3 =	vadd.f32 v7, v3;
	v0 =	vadd.f32 v4, v0  }
0x8a: {  	v7 =	vld [tilespmem:s4+$0x9830]  }
0x8b: {  	v4 =	vadd.f32 v5, v3;
	v3 =	vld [tilespmem:s2+$0x86B0];
	v5 =	vadd.f32 v2, v0  }
0x8c: {  	v2 =	vld [tilespmem:s4+$0x9AB0]  }
0x8d: {  	v0 =	vld [tilespmem:s2+$0x8BB0];
	v6 =	vadd.f32 v6, v4;
	v9 =	vadd.f32 v1, v5  }
0x8e: {  	s0 =	simm.s32 $0x20;
	v4 =	vld [tilespmem:s2+$0x8930]  }
0x8f: {  	s1 =	simm.s32 $0xC0;
	v1 =	vld [tilespmem:s0+$0x7530];
	v5 =	vadd.f32 v8, v6;
	v6 =	vadd.f32 v7, v9  }
.LBB2_10:
0x90: {  	p0 =	sne.s32 s1, $0x600;
	v7 =	vld [tilespmem:s0+$0x77B0]  }
0x91: {  	v3 =	vadd.f32 v3, v5;
	v5 =	vld [tilespmem:s2+$0x8E30];
	v2 =	vadd.f32 v2, v6  }
0x92: {  	v6 =	vld [tilespmem:s0+$0x7A30]  }
0x93: {  	v3 =	vadd.f32 v4, v3;
	v4 =	vld [tilespmem:s2+$0x90B0];
	[tilespmem:s4+$0x9D30] =	vst v2;
	s4 =	smov.u32 s2;
	s2 =	smov.u32 s0  }
0x94: {  	v2 =	vld [tilespmem:s2+$0x7CB0]  }
0x95: {  	v1 =	vadd.f32 v7, v1;
	v0 =	vadd.f32 v0, v3;
	v3 =	vld [tilespmem:s4+$0x9330]  }
0x96: {  	v7 =	vld [tilespmem:s2+$0x7F30]  }
0x97: {  	v1 =	vadd.f32 v6, v1;
	v0 =	vadd.f32 v5, v0;
	v5 =	vld [tilespmem:s4+$0x95B0]  }
0x98: {  	v6 =	vld [tilespmem:s2+$0x81B0]  }
0x99: {  	v1 =	vadd.f32 v2, v1;
	v0 =	vadd.f32 v4, v0;
	v8 =	vld [tilespmem:s4+$0x9830]  }
0x9a: {  	v9 =	vld [tilespmem:s2+$0x8430]  }
.Ltmp4:
0x9b: {  	v1 =	vadd.f32 v7, v1;
	v4 =	vadd.f32 v3, v0;
	v2 =	vld [tilespmem:s4+$0x9AB0];
	(pc) =	sbr.rel @p0 .LBB2_10-.Ltmp4, $4  }
0x9c: {  	v3 =	vld [tilespmem:s2+$0x86B0]  }
0x9d: {  	v6 =	vadd.f32 v6, v1;
	v0 =	vld [tilespmem:s2+$0x8BB0];
	v7 =	vadd.f32 v5, v4  }
0x9e: {  	s0 =	sshra.s32 s1, $0x2;
	v4 =	vld [tilespmem:s2+$0x8930]  }
0x9f: {  	s1 =	sadd.s32 $0x40, s1;
	v1 =	vld [tilespmem:s0+$0x7530];
	v5 =	vadd.f32 v9, v6;
	v6 =	vadd.f32 v8, v7  }
0xa0: {  	v7 =	vld [tilespmem:s0+$0x77B0]  }
0xa1: {  	v8 =	vld [tilespmem:s2+$0x8E30];
	v2 =	vadd.f32 v2, v6  }
0xa2: {  	v46 =	vld [tilespmem:s0+$0x7A30]  }
0xa3: {  	v9 =	vld [tilespmem:s2+$0x90B0];
	v3 =	vadd.f32 v3, v5;
	[tilespmem:s4+$0x9D30] =	vst v2  }
0xa4: {  	v2 =	vld [tilespmem:s0+$0x7CB0]  }
0xa5: {  	v3 =	vadd.f32 v4, v3;
	v1 =	vadd.f32 v7, v1  }
0xa6: {  	v47 =	vld [tilespmem:s0+$0x7F30]  }
0xa7: {  	v48 =	vld [tilespmem:s2+$0x9330];
	v0 =	vadd.f32 v0, v3;
	v1 =	vadd.f32 v46, v1  }
0xa8: {  	v49 =	vld [tilespmem:s0+$0x81B0]  }
0xa9: {  	v50 =	vld [tilespmem:s2+$0x95B0];
	v0 =	vadd.f32 v8, v0;
	v1 =	vadd.f32 v2, v1  }
0xaa: {  	v51 =	vld [tilespmem:s0+$0x8430]  }
0xab: {  	v52 =	vld [tilespmem:s2+$0x9830];
	v0 =	vadd.f32 v9, v0;
	v1 =	vadd.f32 v47, v1  }
0xac: {  	v53 =	vld [tilespmem:s0+$0x86B0]  }
0xad: {  	v54 =	vld [tilespmem:s2+$0x9AB0];
	v0 =	vadd.f32 v48, v0;
	v1 =	vadd.f32 v49, v1  }
0xae: {  	v55 =	vld [tilespmem:s0+$0x8930]  }
0xaf: {  	v0 =	vadd.f32 v50, v0;
	v1 =	vadd.f32 v51, v1  }
0xb0: {  	v56 =	vld [tilespmem:s0+$0x8BB0]  }
0xb1: {  	v0 =	vadd.f32 v52, v0;
	v1 =	vadd.f32 v53, v1  }
0xb2: {  	v57 =	vld [tilespmem:s0+$0x8E30]  }
0xb3: {  	v0 =	vadd.f32 v54, v0;
	v1 =	vadd.f32 v55, v1  }
0xb4: {  	v58 =	vld [tilespmem:s0+$0x90B0]  }
0xb5: {  	[tilespmem:s2+$0x9D30] =	vst v0;
	v59 =	vadd.f32 v56, v1  }
0xb6: {  	v60 =	vld [tilespmem:s0+$0x9330]  }
0xb7: {  	v0 =	vadd.f32 v57, v59  }
0xb8: {  	v61 =	vld [tilespmem:s0+$0x95B0]  }
0xb9: {  	v0 =	vadd.f32 v58, v0  }
0xba: {  	v62 =	vld [tilespmem:s0+$0x9830]  }
0xbb: {  	v0 =	vadd.f32 v60, v0  }
0xbc: {  	v63 =	vld [tilespmem:s0+$0x9AB0]  }
0xbd: {  	v0 =	vadd.f32 v61, v0;
	_ =	sdelay $0x1  }
0xbe: {  	v0 =	vadd.f32 v62, v0;
	_ =	sdelay $0x1  }
0xbf: {  	v0 =	vadd.f32 v63, v0;
	_ =	sdelay $0x1  }
0xc0: {  	s29 =	simm.s32 $0x0;
	s1 =	simm.s32 $0x9D30;
	s30 =	rddreg [dreg:$0x5];
	[tilespmem:s0+$0x9D30] =	vst v0  }
0xc1: {  	[hbm4b:s30+s29] =	stream.linear.scatter [tilespmem:s1], [sflag:$0x1], $0x190, $0x38;
	[tilespmem:$0xC6C0] =	vst v63  }
.Ltmp5:
0xc2: {  	s31 =	simm.s32 $0x1;
	(pc) =	sbr.rel .LBB2_12-.Ltmp5, $4  }
0xc3: {  	_ =	swait.ge [sflag:s31], $0x190  }
0xc4: {  	[sflag:s31] =	ssyncset.done $0x0  }
0xc5: {  	[sflag:s31] =	ssyncadd.s32 $0xFFFFFE70  }
0xc6: {  	s4 =	rddreg [dreg:$0x3]  }
.LBB2_6:
0xc7: {  	s0 =	simm.s32 $0x7530  }
0xc8: {  	[tilespmem:s0], [sflag:$0x1] =	stream.linear.gather [spmem:s3], $0x280, $0x38;
	[tilespmem:$0xC6C0] =	vst v63  }
0xc9: {  	_ =	swait.ge [sflag:s4], $0x280  }
0xca: {  	[sflag:s4] =	ssyncset.done $0x0  }
0xcb: {  	s11 =	simm.s32 $0x77B0;
	[sflag:s4] =	ssyncadd.s32 $0xFFFFFD80  }
0xcc: {  	[tilespmem:s11], [sflag:$0x1] =	stream.linear.gather [spmem:s31], $0x280, $0x38;
	[tilespmem:$0xC6C0] =	vst v63  }
0xcd: {  	_ =	swait.ge [sflag:s4], $0x280  }
0xce: {  	[sflag:s4] =	ssyncset.done $0x0  }
0xcf: {  	s13 =	simm.s32 $0x7A30;
	[sflag:s4] =	ssyncadd.s32 $0xFFFFFD80  }
0xd0: {  	[tilespmem:s13], [sflag:$0x1] =	stream.linear.gather [spmem:s28], $0x280, $0x38;
	[tilespmem:$0xC6C0] =	vst v63  }
0xd1: {  	_ =	swait.ge [sflag:s4], $0x280  }
0xd2: {  	[sflag:s4] =	ssyncset.done $0x0  }
0xd3: {  	s15 =	simm.s32 $0x7CB0;
	[sflag:s4] =	ssyncadd.s32 $0xFFFFFD80  }
0xd4: {  	[tilespmem:s15], [sflag:$0x1] =	stream.linear.gather [spmem:s24], $0x280, $0x38;
	[tilespmem:$0xC6C0] =	vst v63  }
0xd5: {  	_ =	swait.ge [sflag:s4], $0x280  }
0xd6: {  	[sflag:s4] =	ssyncset.done $0x0  }
0xd7: {  	s16 =	simm.s32 $0x7F30;
	[sflag:s4] =	ssyncadd.s32 $0xFFFFFD80  }
0xd8: {  	[tilespmem:s16], [sflag:$0x1] =	stream.linear.gather [spmem:s21], $0x280, $0x38;
	[tilespmem:$0xC6C0] =	vst v63  }
0xd9: {  	_ =	swait.ge [sflag:s4], $0x280  }
0xda: {  	[sflag:s4] =	ssyncset.done $0x0  }
0xdb: {  	s18 =	simm.s32 $0x81B0;
	[sflag:s4] =	ssyncadd.s32 $0xFFFFFD80  }
0xdc: {  	[tilespmem:s18], [sflag:$0x1] =	stream.linear.gather [spmem:s19], $0x280, $0x38;
	[tilespmem:$0xC6C0] =	vst v63  }
0xdd: {  	_ =	swait.ge [sflag:s4], $0x280  }
0xde: {  	[sflag:s4] =	ssyncset.done $0x0  }
0xdf: {  	s19 =	simm.s32 $0x8430;
	[sflag:s4] =	ssyncadd.s32 $0xFFFFFD80  }
0xe0: {  	[tilespmem:s19], [sflag:$0x1] =	stream.linear.gather [spmem:s2], $0x280, $0x38;
	[tilespmem:$0xC6C0] =	vst v63  }
0xe1: {  	_ =	swait.ge [sflag:s4], $0x280  }
0xe2: {  	[sflag:s4] =	ssyncset.done $0x0  }
0xe3: {  	s21 =	simm.s32 $0x86B0;
	[sflag:s4] =	ssyncadd.s32 $0xFFFFFD80  }
0xe4: {  	[tilespmem:s21], [sflag:$0x1] =	stream.linear.gather [spmem:s30], $0x280, $0x38;
	[tilespmem:$0xC6C0] =	vst v63  }
0xe5: {  	_ =	swait.ge [sflag:s4], $0x280  }
0xe6: {  	[sflag:s4] =	ssyncset.done $0x0  }
0xe7: {  	s22 =	simm.s32 $0x8930;
	[sflag:s4] =	ssyncadd.s32 $0xFFFFFD80  }
0xe8: {  	[tilespmem:s22], [sflag:$0x1] =	stream.linear.gather [spmem:s26], $0x280, $0x38;
	[tilespmem:$0xC6C0] =	vst v63  }
0xe9: {  	_ =	swait.ge [sflag:s4], $0x280  }
0xea: {  	[sflag:s4] =	ssyncset.done $0x0  }
0xeb: {  	s24 =	simm.s32 $0x8BB0;
	[sflag:s4] =	ssyncadd.s32 $0xFFFFFD80  }
0xec: {  	[tilespmem:s24], [sflag:$0x1] =	stream.linear.gather [spmem:s23], $0x280, $0x38;
	[tilespmem:$0xC6C0] =	vst v63  }
0xed: {  	_ =	swait.ge [sflag:s4], $0x280  }
0xee: {  	[sflag:s4] =	ssyncset.done $0x0  }
0xef: {  	s25 =	simm.s32 $0x8E30;
	[sflag:s4] =	ssyncadd.s32 $0xFFFFFD80  }
0xf0: {  	[tilespmem:s25], [sflag:$0x1] =	stream.linear.gather [spmem:s20], $0x280, $0x38;
	[tilespmem:$0xC6C0] =	vst v63  }
0xf1: {  	_ =	swait.ge [sflag:s4], $0x280  }
0xf2: {  	[sflag:s4] =	ssyncset.done $0x0  }
0xf3: {  	s26 =	simm.s32 $0x90B0;
	[sflag:s4] =	ssyncadd.s32 $0xFFFFFD80  }
0xf4: {  	[tilespmem:s26], [sflag:$0x1] =	stream.linear.gather [spmem:s17], $0x280, $0x38;
	[tilespmem:$0xC6C0] =	vst v63  }
0xf5: {  	_ =	swait.ge [sflag:s4], $0x280  }
0xf6: {  	[sflag:s4] =	ssyncset.done $0x0  }
0xf7: {  	s28 =	simm.s32 $0x9330;
	[sflag:s4] =	ssyncadd.s32 $0xFFFFFD80  }
0xf8: {  	[tilespmem:s28], [sflag:$0x1] =	stream.linear.gather [spmem:s14], $0x280, $0x38;
	[tilespmem:$0xC6C0] =	vst v63  }
0xf9: {  	_ =	swait.ge [sflag:s4], $0x280  }
0xfa: {  	[sflag:s4] =	ssyncset.done $0x0  }
0xfb: {  	s29 =	simm.s32 $0x95B0;
	[sflag:s4] =	ssyncadd.s32 $0xFFFFFD80  }
0xfc: {  	[tilespmem:s29], [sflag:$0x1] =	stream.linear.gather [spmem:s12], $0x280, $0x38;
	[tilespmem:$0xC6C0] =	vst v63  }
0xfd: {  	_ =	swait.ge [sflag:s4], $0x280  }
0xfe: {  	[sflag:s4] =	ssyncset.done $0x0  }
0xff: {  	s30 =	simm.s32 $0x9830;
	[sflag:s4] =	ssyncadd.s32 $0xFFFFFD80  }
0x100: {  	[tilespmem:s30], [sflag:$0x1] =	stream.linear.gather [spmem:s10], $0x280, $0x38;
	[tilespmem:$0xC6C0] =	vst v63  }
0x101: {  	_ =	swait.ge [sflag:s4], $0x280  }
0x102: {  	[sflag:s4] =	ssyncset.done $0x0  }
0x103: {  	s31 =	simm.s32 $0x9AB0;
	s1 =	rddreg [dreg:$0xa];
	[sflag:s4] =	ssyncadd.s32 $0xFFFFFD80  }
0x104: {  	[tilespmem:s31], [sflag:$0x1] =	stream.linear.gather [spmem:s1], $0x280, $0x38;
	[tilespmem:$0xC6C0] =	vst v63  }
0x105: {  	_ =	swait.ge [sflag:s4], $0x280  }
0x106: {  	[sflag:s4] =	ssyncset.done $0x0  }
0x107: {  	[sflag:s4] =	ssyncadd.s32 $0xFFFFFD80;
	s4 =	simm.s32 $0x0  }
0x108: {  	v0 =	vld [tilespmem:s4+$0x7530]  }
0x109: {  	v1 =	vld [tilespmem:s4+$0x77B0];
	_ =	sdelay $0x1  }
0x10a: {  	v2 =	vld [tilespmem:s4+$0x7A30];
	_ =	sdelay $0x1  }
0x10b: {  	v3 =	vld [tilespmem:s4+$0x7CB0]  }
0x10c: {  	v0 =	vadd.f32 v1, v0  }
0x10d: {  	v1 =	vld [tilespmem:s4+$0x7F30]  }
0x10e: {  	v0 =	vadd.f32 v2, v0  }
0x10f: {  	v2 =	vld [tilespmem:s4+$0x81B0]  }
0x110: {  	v0 =	vadd.f32 v3, v0  }
0x111: {  	v3 =	vld [tilespmem:s4+$0x8430]  }
0x112: {  	v0 =	vadd.f32 v1, v0  }
0x113: {  	v1 =	vld [tilespmem:s4+$0x86B0]  }
0x114: {  	s3 =	simm.s32 $0x10;
	v4 =	vld [tilespmem:s4+$0x8930];
	v0 =	vadd.f32 v2, v0  }
0x115: {  	v5 =	vld [tilespmem:s3+$0x7530]  }
0x116: {  	v2 =	vld [tilespmem:s4+$0x8BB0];
	v0 =	vadd.f32 v3, v0  }
0x117: {  	v3 =	vld [tilespmem:s3+$0x77B0]  }
0x118: {  	v6 =	vld [tilespmem:s3+$0x7A30];
	v0 =	vadd.f32 v1, v0  }
0x119: {  	v1 =	vld [tilespmem:s4+$0x8E30]  }
0x11a: {  	v7 =	vld [tilespmem:s3+$0x7CB0];
	v0 =	vadd.f32 v4, v0  }
0x11b: {  	v4 =	vld [tilespmem:s4+$0x90B0]  }
0x11c: {  	v3 =	vadd.f32 v3, v5;
	v5 =	vld [tilespmem:s3+$0x7F30];
	v0 =	vadd.f32 v2, v0  }
0x11d: {  	v2 =	vld [tilespmem:s4+$0x9330]  }
0x11e: {  	v3 =	vadd.f32 v6, v3;
	v6 =	vld [tilespmem:s3+$0x81B0];
	v0 =	vadd.f32 v1, v0  }
0x11f: {  	v1 =	vld [tilespmem:s4+$0x95B0]  }
0x120: {  	v8 =	vld [tilespmem:s3+$0x8430];
	v3 =	vadd.f32 v7, v3;
	v0 =	vadd.f32 v4, v0  }
0x121: {  	v7 =	vld [tilespmem:s4+$0x9830]  }
0x122: {  	v4 =	vadd.f32 v5, v3;
	v3 =	vld [tilespmem:s3+$0x86B0];
	v5 =	vadd.f32 v2, v0  }
0x123: {  	v2 =	vld [tilespmem:s4+$0x9AB0]  }
0x124: {  	v0 =	vld [tilespmem:s3+$0x8BB0];
	v6 =	vadd.f32 v6, v4;
	v9 =	vadd.f32 v1, v5  }
0x125: {  	s0 =	simm.s32 $0x20;
	v4 =	vld [tilespmem:s3+$0x8930]  }
0x126: {  	s1 =	simm.s32 $0xC0;
	v1 =	vld [tilespmem:s0+$0x7530];
	v5 =	vadd.f32 v8, v6;
	v6 =	vadd.f32 v7, v9  }
.LBB2_7:
0x127: {  	p0 =	sne.s32 s1, $0x9C0;
	v7 =	vld [tilespmem:s0+$0x77B0]  }
0x128: {  	v3 =	vadd.f32 v3, v5;
	v5 =	vld [tilespmem:s3+$0x8E30];
	v2 =	vadd.f32 v2, v6  }
0x129: {  	v6 =	vld [tilespmem:s0+$0x7A30]  }
0x12a: {  	v3 =	vadd.f32 v4, v3;
	v4 =	vld [tilespmem:s3+$0x90B0];
	[tilespmem:s4+$0x9D30] =	vst v2;
	s4 =	smov.u32 s3;
	s3 =	smov.u32 s0  }
0x12b: {  	v2 =	vld [tilespmem:s3+$0x7CB0]  }
0x12c: {  	v1 =	vadd.f32 v7, v1;
	v0 =	vadd.f32 v0, v3;
	v3 =	vld [tilespmem:s4+$0x9330]  }
0x12d: {  	v7 =	vld [tilespmem:s3+$0x7F30]  }
0x12e: {  	v1 =	vadd.f32 v6, v1;
	v0 =	vadd.f32 v5, v0;
	v5 =	vld [tilespmem:s4+$0x95B0]  }
0x12f: {  	v6 =	vld [tilespmem:s3+$0x81B0]  }
0x130: {  	v1 =	vadd.f32 v2, v1;
	v0 =	vadd.f32 v4, v0;
	v8 =	vld [tilespmem:s4+$0x9830]  }
0x131: {  	v9 =	vld [tilespmem:s3+$0x8430]  }
.Ltmp6:
0x132: {  	v1 =	vadd.f32 v7, v1;
	v4 =	vadd.f32 v3, v0;
	v2 =	vld [tilespmem:s4+$0x9AB0];
	(pc) =	sbr.rel @p0 .LBB2_7-.Ltmp6, $4  }
0x133: {  	v3 =	vld [tilespmem:s3+$0x86B0]  }
0x134: {  	v6 =	vadd.f32 v6, v1;
	v0 =	vld [tilespmem:s3+$0x8BB0];
	v7 =	vadd.f32 v5, v4  }
0x135: {  	s0 =	sshra.s32 s1, $0x2;
	v4 =	vld [tilespmem:s3+$0x8930]  }
0x136: {  	s1 =	sadd.s32 $0x40, s1;
	v1 =	vld [tilespmem:s0+$0x7530];
	v5 =	vadd.f32 v9, v6;
	v6 =	vadd.f32 v8, v7  }
0x137: {  	v7 =	vld [tilespmem:s0+$0x77B0]  }
0x138: {  	v8 =	vld [tilespmem:s3+$0x8E30];
	v2 =	vadd.f32 v2, v6  }
0x139: {  	v46 =	vld [tilespmem:s0+$0x7A30]  }
0x13a: {  	v9 =	vld [tilespmem:s3+$0x90B0];
	v3 =	vadd.f32 v3, v5;
	[tilespmem:s4+$0x9D30] =	vst v2  }
0x13b: {  	v2 =	vld [tilespmem:s0+$0x7CB0]  }
0x13c: {  	v3 =	vadd.f32 v4, v3;
	v1 =	vadd.f32 v7, v1  }
0x13d: {  	v47 =	vld [tilespmem:s0+$0x7F30]  }
0x13e: {  	v48 =	vld [tilespmem:s3+$0x9330];
	v0 =	vadd.f32 v0, v3;
	v1 =	vadd.f32 v46, v1  }
0x13f: {  	v49 =	vld [tilespmem:s0+$0x81B0]  }
0x140: {  	v50 =	vld [tilespmem:s3+$0x95B0];
	v0 =	vadd.f32 v8, v0;
	v1 =	vadd.f32 v2, v1  }
0x141: {  	v51 =	vld [tilespmem:s0+$0x8430]  }
0x142: {  	v52 =	vld [tilespmem:s3+$0x9830];
	v0 =	vadd.f32 v9, v0;
	v1 =	vadd.f32 v47, v1  }
0x143: {  	v53 =	vld [tilespmem:s0+$0x86B0]  }
0x144: {  	v54 =	vld [tilespmem:s3+$0x9AB0];
	v0 =	vadd.f32 v48, v0;
	v1 =	vadd.f32 v49, v1  }
0x145: {  	v55 =	vld [tilespmem:s0+$0x8930]  }
0x146: {  	v0 =	vadd.f32 v50, v0;
	v1 =	vadd.f32 v51, v1  }
0x147: {  	v56 =	vld [tilespmem:s0+$0x8BB0]  }
0x148: {  	v0 =	vadd.f32 v52, v0;
	v1 =	vadd.f32 v53, v1  }
0x149: {  	v57 =	vld [tilespmem:s0+$0x8E30]  }
0x14a: {  	v0 =	vadd.f32 v54, v0;
	v1 =	vadd.f32 v55, v1  }
0x14b: {  	v58 =	vld [tilespmem:s0+$0x90B0]  }
0x14c: {  	[tilespmem:s3+$0x9D30] =	vst v0;
	v59 =	vadd.f32 v56, v1  }
0x14d: {  	v60 =	vld [tilespmem:s0+$0x9330]  }
0x14e: {  	v0 =	vadd.f32 v57, v59  }
0x14f: {  	v61 =	vld [tilespmem:s0+$0x95B0]  }
0x150: {  	v0 =	vadd.f32 v58, v0  }
0x151: {  	v62 =	vld [tilespmem:s0+$0x9830]  }
0x152: {  	v0 =	vadd.f32 v60, v0  }
0x153: {  	v63 =	vld [tilespmem:s0+$0x9AB0]  }
0x154: {  	v0 =	vadd.f32 v61, v0;
	_ =	sdelay $0x1  }
0x155: {  	v0 =	vadd.f32 v62, v0;
	_ =	sdelay $0x1  }
0x156: {  	v0 =	vadd.f32 v63, v0  }
0x157: {  	s30 =	simm.s32 $0x0  }
0x158: {  	s1 =	simm.s32 $0x9D30;
	s2 =	rddreg [dreg:$0x4];
	s31 =	simm.s32 $0x1;
	[tilespmem:s0+$0x9D30] =	vst v0  }
0x159: {  	[hbm4b:s2+s30] =	stream.linear.scatter [tilespmem:s1], [sflag:$0x1], $0x280, $0x38;
	[tilespmem:$0xC6C0] =	vst v63  }
0x15a: {  	_ =	swait.ge [sflag:s31], $0x280  }
0x15b: {  	[sflag:s31] =	ssyncset.done $0x0  }
0x15c: {  	[sflag:s31] =	ssyncadd.s32 $0xFFFFFD80  }
0x15d: {  	s4 =	rddreg [dreg:$0x3]  }
.LBB2_12:
0x15e: {  	_ =	sfence.sel $0x180000  }
0x15f: {  	[bflag:$0x0] =	sbarrier.arrive $0xFFFF  }
0x160: {  	p0 =	sne.s32 s7, $0x0;
	_ =	strace $0x90000047  }
0x161: {  	s0 =	sadd.s32 @!p0 $0x100000, s4;
	[bflag:$0x2] =	sbarrier.arrive $0xFFFF  }
0x162: {  	[sflag:s0] =	ssyncadd.tile.s32 @!p0 $0x1;
	_ =	shalt  }
.Lfunc_end2:
_tile_overlayer_lowered:
.L_overlay_start_2:
0x163: {  	(tag) =	ssettag $0x2  }
0x164: {  	s0 =	rddreg [dreg:$0x0];
	s2 =	stileid.u32  }
0x165: {  	s1 =	rddreg [dreg:$0x1];
	p0 =	sne.s32 s2, $0x0  }
0x166: {  	s3 =	rddreg [dreg:$0x2];
	[bflag:$0x3] =	sbarrier.arrive $0xFFFF;
	s2 =	simm.s32 @!p0 $0x1C01  }
0x167: {  	[timem:s3], [sflag:s2] =	dma.local @!p0 [hbm:s0], s1  }
0x168: {  	s0 =	simm.s32 @!p0 $0x1  }
0x169: {  	_ =	swait.ge @!p0 [sflag:s0], s1  }
0x16a: {  	s1 =	ssub.s32 @!p0 $0x0, s1;
	[sflag:s0] =	ssyncset.done @!p0 $0x0  }
0x16b: {  	[sflag:s0] =	ssyncadd.s32 @!p0 s1  }
0x16c: {  	[bflag:$0x3] =	sbarrier.arrive $0xFFFF  }
0x16d: {  	_ =	shalt  }

// kernel: kernel.9.cloned.1.call-start
scs
__scs_entry_jumppad:
0x0: {  	(pc) =	sbr.rel $0x88, $3  }
0x1: {  	(tag) =	ssettag $0x0;
	lr =	simm.s32 $0x1  }
0x2: {  	[smem:$0x3F94] =	sst lr;
	_ =	strace $0xD0000000  }
0x3: {  	_ = 	snop  }
0x4: {  	_ = 	snop  }
0x5: {  	_ = 	snop  }
0x6: {  	_ = 	snop  }
0x7: {  	_ = 	snop  }
__scs_overlays_trampoline_lowered:
0x8: {  	[smem:$0x3FA3] =	sst s0  }
0x9: {  	[smem:$0x3FA4] =	sst s1  }
0xa: {  	[smem:$0x3FA5] =	sst s2  }
0xb: {  	[smem:$0x3FA6] =	sst s3  }
0xc: {  	[smem:$0x3FA7] =	sst s4  }
0xd: {  	[smem:$0x3FA8] =	sst s5  }
0xe: {  	[smem:$0x3FA9] =	sst s6  }
0xf: {  	[smem:$0x3FAA] =	sst s7  }
0x10: {  	[smem:$0x3FAB] =	sst s8  }
0x11: {  	[smem:$0x3FAC] =	sst s9;
	s0 =	simm.s32 @!p0 $0x0  }
0x12: {  	s1 =	sld [smem:$0x3F92];
	s0 =	simm.s32 @p0 $0x1  }
0x13: {  	[smem:$0x3FAD] =	sst s0;
	s0 =	simm.s32 @!p1 $0x0  }
0x14: {  	s2 =	sld [smem:$0x3F91];
	s0 =	simm.s32 @p1 $0x1  }
0x15: {  	[smem:$0x3FAE] =	sst s0;
	s0 =	simm.s32 @!p2 $0x0  }
0x16: {  	s3 =	sld [smem:$0x3FDB];
	s0 =	simm.s32 @p2 $0x1  }
0x17: {  	s4 =	simm.s32 $0x1BF5;
	[smem:$0x3FB0] =	sst s0  }
0x18: {  	s0 =	sld [smem:$0x3F93];
	_ =	swait.ge [sflag:s4], $0x0  }
0x19: {  	s7 =	sld [smem:$0x3F94]  }
0x1a: {  	s8 =	sadd.s32 $0xFFFFE003, lr  }
0x1b: {  	s9 =	sadd.s32 $0xFFFFFEF7, lr;
	s5 =	simm.s32 $0xFFFFFFFF;
	p2 =	slt.u32 s8, $0xFFFFF086  }
0x1c: {  	p1 =	slt.u32 s9, $0xF7A;
	s5 =	simm.s32 @!p2 $0x0  }
0x1d: {  	s5 =	simm.s32 @p1 $0x1;
	p0 =	seq.s32 s7, s2  }
0x1e: {  	s7 =	smul.u32 @!p0 $0xF7A, s2;
	p2 =	seq.s32 @!p0 s5, $0x0  }
0x1f: {  	s9 =	smul.u32 $0xF7A, s1;
	s8 =	simm.s32 @!p0 $0x1BF5;
	p2 =	por !p2, p0  }
0x20: {  	[sflag:s8] =	ssyncset.s32 @!p0 $0xFFFFF086;
	s6 =	sadd.s32 @!p0 s3, s7;
	s7 =	simm.s32 @!p0 $0x108  }
0x21: {  	s3 =	sadd.s32 s3, s9;
	s6 =	sadd.s32 @!p0 $0x88, s6;
	s7 =	simm.s32 @p2 $0x1082  }
0x22: {  	[simem:s7], [sflag:s8] =	dma.local @!p0 [hbm:s6], $0xF7A  }
0x23: {  	s9 =	sor.u32 $0xD0000000, s2;
	s6 =	simm.s32 $0x108;
	_ =	swait.ge @!p0 [sflag:s8], $0x0  }
0x24: {  	s3 =	sadd.s32 $0x88, s3;
	s6 =	simm.s32 @!p1 $0x1082;
	[sflag:s4] =	ssyncset.s32 $0xFFFFF086  }
0x25: {  	[simem:s6], [sflag:s4] =	dma.local [hbm:s3], $0xF7A  }
0x26: {  	[smem:$0x3F94] =	sst s1;
	(tag) =	ssettag s2;
	_ =	strace s9  }
0x27: {  	s1 =	sld [smem:$0x3FA4]  }
0x28: {  	s2 =	sld [smem:$0x3FA5]  }
0x29: {  	s4 =	sld [smem:$0x3FA7]  }
0x2a: {  	p0 =	seq.s32 s5, $0x0;
	s5 =	sld [smem:$0x3FA8]  }
0x2b: {  	s6 =	sld [smem:$0x3FA9]  }
0x2c: {  	s7 =	sld [smem:$0x3FAA]  }
0x2d: {  	s3 =	simm.s32 $0x108;
	s8 =	sld [smem:$0x3FAB]  }
0x2e: {  	s3 =	simm.s32 @!p0 $0x1082;
	s9 =	sld [smem:$0x3FAC]  }
0x2f: {  	lr =	sadd.s32 s0, s3;
	s0 =	sld [smem:$0x3FA3]  }
0x30: {  	s3 =	sld [smem:$0x3FA6]  }
0x31: {  	[smem:$0x3FAF] =	sst s10  }
0x32: {  	s10 =	sld [smem:$0x3FAD];
	_ =	sdelay $0x3  }
0x33: {  	p0 =	seq.s32 s10, $0x1;
	s10 =	sld [smem:$0x3FAF];
	_ =	sdelay $0x3  }
0x34: {  	[smem:$0x3FAF] =	sst s10  }
0x35: {  	s10 =	sld [smem:$0x3FAE];
	_ =	sdelay $0x3  }
0x36: {  	p1 =	seq.s32 s10, $0x1;
	s10 =	sld [smem:$0x3FAF];
	_ =	sdelay $0x3  }
0x37: {  	[smem:$0x3FAF] =	sst s10  }
0x38: {  	s10 =	sld [smem:$0x3FB0]  }
0x39: {  	_ = 	snop;
	(pc) =	sbr.ind lr, $3  }
0x3a: {  	_ = 	snop  }
0x3b: {  	_ = 	snop  }
0x3c: {  	p2 =	seq.s32 s10, $0x1;
	s10 =	sld [smem:$0x3FAF]  }
0x3d: {  	_ =	shalt  }
0x3e: {  	_ =	shalt  }
0x3f: {  	_ =	shalt  }
0x40: {  	_ =	shalt  }
0x41: {  	_ =	shalt  }
0x42: {  	_ =	shalt  }
0x43: {  	_ =	shalt  }
0x44: {  	_ =	shalt  }
0x45: {  	_ =	shalt  }
0x46: {  	_ =	shalt  }
0x47: {  	_ =	shalt  }
0x48: {  	_ =	shalt  }
0x49: {  	_ =	shalt  }
0x4a: {  	_ =	shalt  }
0x4b: {  	_ =	shalt  }
0x4c: {  	_ =	shalt  }
0x4d: {  	_ =	shalt  }
0x4e: {  	_ =	shalt  }
0x4f: {  	_ =	shalt  }
0x50: {  	_ =	shalt  }
0x51: {  	_ =	shalt  }
0x52: {  	_ =	shalt  }
0x53: {  	_ =	shalt  }
0x54: {  	_ =	shalt  }
0x55: {  	_ =	shalt  }
0x56: {  	_ =	shalt  }
0x57: {  	_ =	shalt  }
0x58: {  	_ =	shalt  }
0x59: {  	_ =	shalt  }
0x5a: {  	_ =	shalt  }
0x5b: {  	_ =	shalt  }
0x5c: {  	_ =	shalt  }
0x5d: {  	_ =	shalt  }
0x5e: {  	_ =	shalt  }
0x5f: {  	_ =	shalt  }
0x60: {  	_ =	shalt  }
0x61: {  	_ =	shalt  }
0x62: {  	_ =	shalt  }
0x63: {  	_ =	shalt  }
0x64: {  	_ =	shalt  }
0x65: {  	_ =	shalt  }
0x66: {  	_ =	shalt  }
0x67: {  	_ =	shalt  }
0x68: {  	_ =	shalt  }
0x69: {  	_ =	shalt  }
0x6a: {  	_ =	shalt  }
0x6b: {  	_ =	shalt  }
0x6c: {  	_ =	shalt  }
0x6d: {  	_ =	shalt  }
0x6e: {  	_ =	shalt  }
0x6f: {  	_ =	shalt  }
0x70: {  	_ =	shalt  }
0x71: {  	_ =	shalt  }
0x72: {  	_ =	shalt  }
0x73: {  	_ =	shalt  }
0x74: {  	_ =	shalt  }
0x75: {  	_ =	shalt  }
0x76: {  	_ =	shalt  }
0x77: {  	_ =	shalt  }
0x78: {  	_ =	shalt  }
0x79: {  	_ =	shalt  }
0x7a: {  	_ =	shalt  }
0x7b: {  	_ =	shalt  }
0x7c: {  	_ =	shalt  }
0x7d: {  	_ =	shalt  }
0x7e: {  	_ =	shalt  }
0x7f: {  	_ =	shalt  }
0x80: {  	_ =	shalt  }
0x81: {  	_ =	shalt  }
0x82: {  	_ =	shalt  }
0x83: {  	_ =	shalt  }
0x84: {  	_ =	shalt  }
0x85: {  	_ =	shalt  }
0x86: {  	_ =	shalt  }
0x87: {  	_ =	shalt  }
.Lfunc_end0:
.L_simem_size_0:
called_computation.1_lowered:
.L_overlay_start_0:
0x88: {  	s2 =	sld [smem:$0x3FD9]  }
0x89: {  	s3 =	sld [smem:$0x3FFE];
	_ =	sdelay $0x1  }
0x8a: {  	s1 =	srdreg.scid  }
0x8b: {  	s0 =	sand.u32 $0x1, s1  }
0x8c: {  	s16 =	sshll.u32 s0, $0xA;
	s2 =	sadd.s32 s3, s2  }
0x8d: {  	s2 =	sadd.s32 s2, s16  }
0x8e: {  	[smem:$0x3FBB] =	sst s2  }
0x8f: {  	_ = 	snop  }
0x90: {  	(tm) =	ssettm $0x1  }
0x91: {  	s17 =	sld [smem:$0x3FFB];
	_ =	sdelay $0x3  }
0x92: {  	_ =	strace s17  }
0x93: {  	s2 =	sld [smem:$0x3FFC];
	_ =	sdelay $0x3  }
0x94: {  	_ =	strace s2  }
0x95: {  	s2 =	sld [smem:$0x3FFD];
	_ =	sdelay $0x3  }
0x96: {  	_ =	strace s2  }
0x97: {  	_ =	strace $0x8FFFFFFF  }
0x98: {  	s18 =	sld [smem:$0x3FDB];
	_ =	sdelay $0x1  }
0x99: {  	s19 =	simm.s32 $_scs_section_size  }
0x9a: {  	s4 =	simm.s32 $_size__tile_overlayer_lowered;
	s5 =	simm.s32 $_tile_overlayer_lowered  }
0x9b: {  	s22 =	simm.s32 $0x1BFF;
	s21 =	sshll.u32 s5, $0x1;
	s2 =	sadd.s32 s19, s18  }
0x9c: {  	s6 =	simm.s32 $0x0;
	s20 =	sshll.u32 s4, $0x1;
	s4 =	sadd.s32 s21, s2  }
0x9d: {  	[timem:s6], [sflag:s22] =	dma.local [hbm:s4], s20  }
0x9e: {  	_ =	swait.ge [sflag:s22], s20  }
0x9f: {  	s3 =	ssub.s32 $0x0, s20;
	[sflag:s22] =	ssyncset.done $0x0  }
0xa0: {  	[sflag:s22] =	ssyncadd.s32 s3;
	_ =	sdelay $0x1  }
0xa1: {  	s23 =	simm.s32 $0x1B8B  }
0xa2: {  	_ =	swait.ge [sflag:s23], $0x1  }
0xa3: {  	[sflag:s23] =	ssyncset.done $0x0  }
0xa4: {  	s25 =	simm.s32 $0x1B8E;
	s24 =	sld [smem:$0x3FFE];
	[sflag:s23] =	ssyncadd.s32 $0xFFFFFFFF  }
0xa5: {  	s26 =	simm.s32 $execute0_lowered;
	[smem:$0x3FD2] =	sst s25  }
0xa6: {  	s4 =	sshll.u32 s26, $0x1;
	_ =	strace $0x80000049;
	[dreg:$0x1] =	wrdreg $0xFFFFFFFF  }
0xa7: {  	s28 =	simm.s32 $_size_execute0_lowered;
	s2 =	sadd.s32 s2, s4;
	[dreg:$0x0] =	wrdreg $0x0  }
0xa8: {  	s4 =	sshll.u32 s28, $0x1;
	[dreg:$0x2] =	wrdreg s2  }
0xa9: {  	[dreg:$0x3] =	wrdreg s4  }
0xaa: {  	[dreg:$0x4] =	wrdreg $0xC0  }
0xab: {  	_ =	task [dreg:s6], $0x5FFFF  }
0xac: {  	[dreg:$0x1] =	wrdreg $0xFFFFFFFF  }
0xad: {  	[dreg:$0x0] =	wrdreg $0x60  }
0xae: {  	[dreg:$0x2] =	wrdreg s24  }
0xaf: {  	[dreg:$0x3] =	wrdreg $0x80200  }
0xb0: {  	[dreg:$0x4] =	wrdreg $0x9  }
0xb1: {  	_ =	task.clear_ibuf [dreg:s6], $0x5FFFF;
	_ =	strace $0x90000049  }
0xb2: {  	s29 =	simm.s32 $0x9;
	_ =	strace $0x8000004B  }
0xb3: {  	_ =	swait.ge [sflag:s29], $0x1  }
0xb4: {  	[sflag:s29] =	ssyncadd.s32 $0xFFFFFFFF  }
0xb5: {  	_ =	strace $0x9000004B  }
0xb6: {  	_ =	sfence  }
0xb7: {  	s30 =	sld [smem:$0x0];
	_ =	sdelay $0x2  }
0xb8: {  	s31 =	sshll.u32 s1, $0xD;
	s1 =	sshrl.u32 s1, $0x2  }
0xb9: {  	s3 =	sand.u32 $0x4000, s31;
	s1 =	sadd.s32 s1, s30  }
0xba: {  	s0 =	sor.u32 s3, s0;
	s1 =	sshll.u32 s1, $0x11  }
0xbb: {  	s0 =	sor.u32 s1, s0  }
0xbc: {  	s0 =	sadd.s32 $0x8F2B, s0  }
0xbd: {  	[sflag:s0] =	ssyncadd.remote.s32 $0x1  }
0xbe: {  	_ =	sfence.sel $0xFFFF  }
0xbf: {  	[dreg:$0x0] =	wrdreg $0xFFFFFFFF;
	(pc) =	sbr.abs _section_cstart, $3  }
0xc0: {  	[dreg:$0x1] =	wrdreg $0xFFFFFFFF  }
0xc1: {  	_ =	task.clear_ibuf [dreg:s6], $0x2FFFF;
	_ =	strace $0x9FFFFFFF  }
0xc2: {  	(tm) =	ssettm $0x7FFFFFFF  }
0xc3: {  	_ =	shalt  }
tec
execute0_lowered:
.L_overlay_start_1:
0x0: {  	(tag) =	ssettag $0x1  }
0x1: {  	s8 =	rddreg [dreg:$0x0]  }
0x2: {  	s0 =	srdreg.scid;
	s2 =	rddreg [dreg:$0x1];
	s3 =	simm.s32 $0x0  }
0x3: {  	s13 =	simm.s32 $0x2710;
	s17 =	simm.s32 $0x50;
	s18 =	simm.s32 $0x4E20  }
0x4: {  	s19 =	simm.s32 $0x6720;
	s20 =	simm.s32 $0x1;
	s21 =	simm.s32 $0x2  }
0x5: {  	s22 =	simm.s32 $0x4DD0;
	s23 =	simm.s32 $0x0;
	s5 =	sand.u32 $0x1, s0  }
0x6: {  	s0 =	stileid.u32;
	[smem:$0x7FF] =	sst s3;
	s12 =	sadd.s32 $0x45A00, s8  }
0x7: {  	s14 =	sadd.s32 $0xBB800, s2;
	s1 =	sshll.u32 s5, $0x4;
	s9 =	smul.u32 $0xC800, s0  }
0x8: {  	s10 =	ssub.s32 $0x2, s5;
	s31 =	smul.u32 $0xC3500, s5;
	p0 =	seq.s32 s0, $0xF  }
0x9: {  	s4 =	sor.u32 s0, s1;
	s1 =	rddreg [dreg:$0x2];
	_ =	strace $0x8000004A  }
0xa: {  	s11 =	sshrl.u32 s10, $0x1;
	s14 =	sshrl.u32 @p0 s14, $0x3;
	s15 =	sshll.u32 @!p0 s0, $0x6  }
0xb: {  	s4 =	smul.u32 $0x4E2, s4;
	s7 =	sshrl.u32 s9, $0x3;
	s11 =	ssub.s32 s10, s11  }
0xc: {  	s16 =	sadd.s32 s9, s2;
	s9 =	sadd.s32 s9, s31;
	s10 =	sshrl.u32 s31, $0x3  }
0xd: {  	s15 =	sor.u32 @!p0 $0x1C03, s15;
	s7 =	sadd.s32 s7, s8;
	s9 =	sshrl.u32 s9, $0x3  }
0xe: {  	s10 =	sadd.s32 s12, s10;
	s11 =	smax.u32 s11, $0x1;
	s16 =	sshrl.u32 @!p0 s16, $0x3  }
0xf: {  	s6 =	sadd.s32 s4, s8;
	s4 =	sadd.s32 $0x14A00, s8;
	s7 =	sadd.s32 $0x2D200, s7  }
0x10: {  	s8 =	sadd.s32 $0x44900, s8;
	s9 =	sadd.s32 s12, s9;
	s10 =	sadd.s32 $0x17700, s10  }
0x11: {  	s12 =	simm.s32 $0x3;
	s5 =	sadd.s32 $0xAC00, s6;
	s6 =	sadd.s32 $0xE00, s6  }
.LBB2_1:
0x12: {  	[tilespmem:s3], [sflag:$0x3] =	stream.linear.gather [hbm4b:s5+s3], $0x2710, $0x38;
	[tilespmem:$0x14370] =	vst v63  }
0x13: {  	_ =	swait.ge [sflag:s12], $0x2710  }
0x14: {  	[sflag:s12] =	ssyncset.done $0x0  }
0x15: {  	[sflag:s12] =	ssyncadd.s32 $0xFFFFD8F0  }
0x16: {  	[tilespmem:s13], [sflag:$0x3] =	stream.linear.gather [hbm4b:s6+s3], $0x2710, $0x38;
	[tilespmem:$0x14370] =	vst v63  }
0x17: {  	_ =	swait.ge [sflag:s12], $0x2710  }
0x18: {  	[sflag:s12] =	ssyncset.done $0x0  }
0x19: {  	s24 =	simm.s32 @p0 $0x1FC3;
	[sflag:s12] =	ssyncadd.s32 $0xFFFFD8F0  }
0x1a: {  	[spmem:s14], [sflag:s24] =	dma.local @p0 [hbm:s8], $0xFA0  }
0x1b: {  	s24 =	simm.s32 @p0 $0x3  }
0x1c: {  	_ =	swait.ge @p0 [sflag:s24], $0xFA0  }
0x1d: {  	[sflag:s24] =	ssyncset.done @p0 $0x0  }
0x1e: {  	[sflag:s24] =	ssyncadd.s32 @p0 $0xFFFFF060;
	s24 =	simm.s32 @!p0 $0x3  }
0x1f: {  	[spmem:s16], [sflag:s15] =	dma.local @!p0 [hbm:s7], $0x1900  }
0x20: {  	_ =	swait.ge @!p0 [sflag:s24], $0x1900  }
0x21: {  	[sflag:s24] =	ssyncset.done @!p0 $0x0  }
0x22: {  	[sflag:s24] =	ssyncadd.s32 @!p0 $0xFFFFE700  }
0x23: {  	[tilespmem:s18], [sflag:$0x1] =	stream.indirect.gather [hbm4b:s4+s17], $0x50, s3, s17, $0xb8;
	[tilespmem:$0x14370] =	vst v63  }
0x24: {  	s28 =	simm.s32 $0x50;
	[bflag:$0x0] =	sbarrier.arrive $0xFFFF  }
0x25: {  	[tilespmem:s19], [sflag:$0x2] =	stream.indirect.gather [hbm4b:s4+s17], $0x50, s28, s17, $0xb8;
	[tilespmem:$0x14370] =	vst v63  }
0x26: {  	_ =	swait.ge [sflag:s20], $0x1900  }
0x27: {  	[sflag:s20] =	ssyncset.done $0x0  }
0x28: {  	s29 =	simm.s32 $0x2710;
	[sflag:s20] =	ssyncadd.s32 $0xFFFFE700  }
0x29: {  	[spmem:s2] =	stream.indirect.scatter.add.f32 [tilespmem:s18], [sflag:$0x3], $0x50, s29, s17, $0xb8;
	[tilespmem:$0x14370] =	vst v63  }
0x2a: {  	_ =	swait.ge [sflag:s12], $0x1900  }
0x2b: {  	[sflag:s12] =	ssyncset.done $0x0  }
0x2c: {  	s30 =	simm.s32 $0xA0;
	[sflag:s12] =	ssyncadd.s32 $0xFFFFE700  }
0x2d: {  	[tilespmem:s18], [sflag:$0x1] =	stream.indirect.gather [hbm4b:s4+s17], $0x50, s30, s17, $0xb8;
	[tilespmem:$0x14370] =	vst v63  }
0x2e: {  	_ =	swait.ge [sflag:s21], $0x1900  }
0x2f: {  	[sflag:s21] =	ssyncset.done $0x0  }
0x30: {  	s31 =	simm.s32 $0x2760;
	[sflag:s21] =	ssyncadd.s32 $0xFFFFE700  }
0x31: {  	[spmem:s2] =	stream.indirect.scatter.add.f32 [tilespmem:s19], [sflag:$0x3], $0x50, s31, s17, $0xb8;
	[tilespmem:$0x14370] =	vst v63  }
0x32: {  	_ =	swait.ge [sflag:s12], $0x1900  }
0x33: {  	s25 =	simm.s32 $0x500;
	s24 =	simm.s32 $0xA0;
	[sflag:s12] =	ssyncset.done $0x0  }
.LBB2_2:
0x34: {  	s26 =	sadd.s32 $0x50, s24  }
0x35: {  	[sflag:s12] =	ssyncadd.s32 $0xFFFFE700;
	s28 =	smov.u32 s25;
	s29 =	sadd.s32 $0x280, s25  }
0x36: {  	[tilespmem:s19], [sflag:$0x2] =	stream.indirect.gather [hbm4b:s4+s17], $0x50, s26, s17, $0xb8;
	[tilespmem:$0x14370] =	vst v63  }
0x37: {  	p1 =	sne.s32 s25, $0x9880;
	_ =	swait.ge [sflag:s20], $0x1900  }
0x38: {  	[sflag:s20] =	ssyncset.done $0x0  }
0x39: {  	s25 =	sadd.s32 $0x2710, s24;
	[sflag:s20] =	ssyncadd.s32 $0xFFFFE700  }
0x3a: {  	[spmem:s2] =	stream.indirect.scatter.add.f32 [tilespmem:s18], [sflag:$0x3], $0x50, s25, s17, $0xb8;
	[tilespmem:$0x14370] =	vst v63  }
0x3b: {  	_ =	swait.ge [sflag:s12], $0x1900  }
0x3c: {  	[sflag:s12] =	ssyncset.done $0x0  }
0x3d: {  	s25 =	sadd.s32 $0xA0, s24;
	[sflag:s12] =	ssyncadd.s32 $0xFFFFE700  }
0x3e: {  	[tilespmem:s18], [sflag:$0x1] =	stream.indirect.gather [hbm4b:s4+s17], $0x50, s25, s17, $0xb8;
	[tilespmem:$0x14370] =	vst v63  }
0x3f: {  	_ =	swait.ge [sflag:s21], $0x1900  }
.Ltmp0:
0x40: {  	[sflag:s21] =	ssyncset.done $0x0;
	(pc) =	sbr.rel @p1 .LBB2_2-.Ltmp0, $4  }
0x41: {  	s24 =	sadd.s32 $0x2760, s24;
	[sflag:s21] =	ssyncadd.s32 $0xFFFFE700  }
0x42: {  	[spmem:s2] =	stream.indirect.scatter.add.f32 [tilespmem:s19], [sflag:$0x3], $0x50, s24, s17, $0xb8;
	[tilespmem:$0x14370] =	vst v63  }
0x43: {  	_ =	swait.ge [sflag:s12], $0x1900  }
0x44: {  	s25 =	smov.u32 s29;
	s24 =	sshra.s32 s28, $0x2;
	[sflag:s12] =	ssyncset.done $0x0  }
0x45: {  	s25 =	sadd.s32 $0x50, s24;
	[sflag:s12] =	ssyncadd.s32 $0xFFFFE700  }
0x46: {  	[tilespmem:s19], [sflag:$0x2] =	stream.indirect.gather [hbm4b:s4+s17], $0x50, s25, s17, $0xb8;
	[tilespmem:$0x14370] =	vst v63  }
0x47: {  	_ =	swait.ge [sflag:s20], $0x1900  }
0x48: {  	[sflag:s20] =	ssyncset.done $0x0  }
0x49: {  	s29 =	sadd.s32 $0x2710, s24;
	[sflag:s20] =	ssyncadd.s32 $0xFFFFE700  }
0x4a: {  	[spmem:s2] =	stream.indirect.scatter.add.f32 [tilespmem:s18], [sflag:$0x3], $0x50, s29, s17, $0xb8;
	[tilespmem:$0x14370] =	vst v63  }
0x4b: {  	_ =	swait.ge [sflag:s12], $0x1900  }
0x4c: {  	[sflag:s12] =	ssyncset.done $0x0  }
0x4d: {  	s30 =	sadd.s32 $0xA0, s24;
	[sflag:s12] =	ssyncadd.s32 $0xFFFFE700  }
0x4e: {  	[tilespmem:s18], [sflag:$0x1] =	stream.indirect.gather [hbm4b:s4+s17], $0x50, s30, s17, $0xb8;
	[tilespmem:$0x14370] =	vst v63  }
0x4f: {  	_ =	swait.ge [sflag:s21], $0x1900  }
0x50: {  	[sflag:s21] =	ssyncset.done $0x0  }
0x51: {  	s31 =	sadd.s32 $0x2760, s24;
	[sflag:s21] =	ssyncadd.s32 $0xFFFFE700  }
0x52: {  	[spmem:s2] =	stream.indirect.scatter.add.f32 [tilespmem:s19], [sflag:$0x3], $0x50, s31, s17, $0xb8;
	[tilespmem:$0x14370] =	vst v63  }
0x53: {  	_ =	swait.ge [sflag:s12], $0x1900  }
0x54: {  	[sflag:s12] =	ssyncset.done $0x0  }
0x55: {  	[sflag:s12] =	ssyncadd.s32 $0xFFFFE700  }
0x56: {  	_ =	swait.ge [sflag:s20], $0x1900  }
0x57: {  	[sflag:s20] =	ssyncset.done $0x0  }
0x58: {  	[sflag:s20] =	ssyncadd.s32 $0xFFFFE700  }
0x59: {  	[spmem:s2] =	stream.indirect.scatter.add.f32 [tilespmem:s18], [sflag:$0x3], $0x50, s22, s17, $0xb8;
	[tilespmem:$0x14370] =	vst v63  }
0x5a: {  	_ =	swait.ge [sflag:s12], $0x1900  }
0x5b: {  	[sflag:s12] =	ssyncset.done $0x0  }
0x5c: {  	[sflag:s12] =	ssyncadd.s32 $0xFFFFE700  }
0x5d: {  	s24 =	simm.s32 @p0 $0x1FC3;
	[bflag:$0x0] =	sbarrier.arrive $0xFFFF  }
0x5e: {  	[hbm:s10], [sflag:s24] =	dma.local @p0 [spmem:s14], $0xFA0  }
0x5f: {  	s24 =	simm.s32 @p0 $0x3  }
0x60: {  	s23 =	sadd.s32 $0x1, s23;
	_ =	swait.ge @p0 [sflag:s24], $0xFA0  }
0x61: {  	p1 =	sne.s32 s23, s11;
	[sflag:s24] =	ssyncset.done @p0 $0x0  }
.Ltmp1:
0x62: {  	[sflag:s24] =	ssyncadd.s32 @p0 $0xFFFFF060;
	s24 =	simm.s32 @!p0 $0x3;
	(pc) =	sbr.rel @p1 .LBB2_1-.Ltmp1, $4  }
0x63: {  	[hbm:s9], [sflag:s15] =	dma.local @!p0 [spmem:s16], $0x1900  }
0x64: {  	_ =	swait.ge @!p0 [sflag:s24], $0x1900  }
0x65: {  	[sflag:s24] =	ssyncset.done @!p0 $0x0  }
0x66: {  	[sflag:s24] =	ssyncadd.s32 @!p0 $0xFFFFE700  }
0x67: {  	_ =	sfence.sel $0x180000  }
0x68: {  	[bflag:$0x0] =	sbarrier.arrive $0xFFFF  }
0x69: {  	p0 =	sne.s32 s0, $0x0;
	_ =	strace $0x9000004A  }
0x6a: {  	s0 =	sadd.s32 @!p0 $0x100000, s1;
	[bflag:$0x2] =	sbarrier.arrive $0xFFFF  }
0x6b: {  	[sflag:s0] =	ssyncadd.tile.s32 @!p0 $0x1;
	_ =	shalt  }
.Lfunc_end2:
_tile_overlayer_lowered:
.L_overlay_start_2:
0x6c: {  	(tag) =	ssettag $0x2  }
0x6d: {  	s0 =	rddreg [dreg:$0x0];
	s2 =	stileid.u32  }
0x6e: {  	s1 =	rddreg [dreg:$0x1];
	p0 =	sne.s32 s2, $0x0  }
0x6f: {  	s3 =	rddreg [dreg:$0x2];
	[bflag:$0x3] =	sbarrier.arrive $0xFFFF;
	s2 =	simm.s32 @!p0 $0x1C03  }
0x70: {  	[timem:s3], [sflag:s2] =	dma.local @!p0 [hbm:s0], s1  }
0x71: {  	s0 =	simm.s32 @!p0 $0x3  }
0x72: {  	_ =	swait.ge @!p0 [sflag:s0], s1  }
0x73: {  	s1 =	ssub.s32 @!p0 $0x0, s1;
	[sflag:s0] =	ssyncset.done @!p0 $0x0  }
0x74: {  	[sflag:s0] =	ssyncadd.s32 @!p0 s1  }
0x75: {  	[bflag:$0x3] =	sbarrier.arrive $0xFFFF  }
0x76: {  	_ =	shalt  }

</sc_bundles>
